<compile_context>
chip_gen: v7x
topology: tpu7x:2x2x1
jax: 0.10.2.dev20260603
libtpu: 0.0.44.dev20260713+nightly
codegen_flags: <defaults>
</compile_context>

<pallas_src>
import functools

import jax
import jax.numpy as jnp
from jax import lax
from jax.experimental import pallas as pl
from jax.experimental.pallas import tpu as pltpu
from jax.experimental.pallas import tpu_sc as plsc

_MB = 32
_SC_CORES = 2
_SC_TILES = 16
_DEG_W = 128


_SB = 8


def _mol_body(degt_ref, x_ref, ei_ref, w1_ref, b1_ref, w2_ref, b2_ref,
              w3_ref, b3_ref, zs_ref):
    mb, na, f = x_ref.shape
    me = ei_ref.shape[2]
    mbs = mb // _SB
    r = mbs * na
    e = mbs * me

    x = x_ref[...].reshape(mb * na, f)
    ei = ei_ref[...]

    eib = ei.astype(jnp.bfloat16)
    loc = (lax.broadcasted_iota(jnp.int32, (mbs, me, r), 2)
           - na * lax.broadcasted_iota(jnp.int32, (mbs, me, r), 0)
           ).astype(jnp.bfloat16)
    eye = (lax.broadcasted_iota(jnp.int32, (r, r), 0)
           == lax.broadcasted_iota(jnp.int32, (r, r), 1)).astype(jnp.float32)
    ps, invs = [], []
    for b in range(_SB):
        sb = eib[b * mbs:(b + 1) * mbs, 0, :]
        db = eib[b * mbs:(b + 1) * mbs, 1, :]
        oh_s = (sb[:, :, None] == loc).astype(jnp.int8).reshape(e, r)
        oh_d = (db[:, :, None] == loc).astype(jnp.int8).reshape(e, r)
        a = lax.dot_general(oh_d, oh_s, (((0,), (0,)), ((), ())),
                            preferred_element_type=jnp.int32
                            ).astype(jnp.float32)
        deg = jnp.sum(a, axis=1, keepdims=True) + 1.0
        inv = lax.rsqrt(deg)
        ps.append(((a + eye) * inv).astype(jnp.bfloat16))
        invs.append(inv)

    def agg(h):
        outs = []
        for b in range(_SB):
            hs = (invs[b] * h[b * r:(b + 1) * r, :]).astype(jnp.bfloat16)
            outs.append(lax.dot_general(ps[b], hs, (((1,), (0,)), ((), ())),
                                        preferred_element_type=jnp.float32))
        return jnp.concatenate(outs, axis=0)

    def mm(p, w_ref):
        return lax.dot_general(p.astype(jnp.bfloat16), w_ref[...],
                               (((1,), (0,)), ((), ())),
                               preferred_element_type=jnp.float32)

    h1 = jnp.maximum(mm(agg(x), w1_ref) + b1_ref[...], 0.0)
    h2 = jnp.maximum(mm(agg(h1), w2_ref) + b2_ref[...], 0.0)
    h3 = agg(mm(h2, w3_ref)) + b3_ref[...]

    kg = lax.rsqrt(degt_ref[:, 0:1] + degt_ref[:, 1:2] + 1.0)
    rows = jnp.concatenate(
        [jnp.min(h3[m * na:(m + 1) * na, :], axis=0, keepdims=True)
         * kg[m:m + 1, :] for m in range(mb)], axis=0)
    zs_ref[...] = rows


def _mol_call(degt, mol_x, mol_ei, w1, b1, w2, b2, w3, b3):
    n, na, f = mol_x.shape
    me = mol_ei.shape[2]
    c2 = w1.shape[1]
    return pl.pallas_call(
        _mol_body,
        grid=(n // _MB,),
        in_specs=[
            pl.BlockSpec((_MB, 2), lambda i: (i, 0)),
            pl.BlockSpec((_MB, na, f), lambda i: (i, 0, 0)),
            pl.BlockSpec((_MB, 2, me), lambda i: (i, 0, 0)),
            pl.BlockSpec((f, c2), lambda i: (0, 0)),
            pl.BlockSpec((1, c2), lambda i: (0, 0)),
            pl.BlockSpec((c2, c2), lambda i: (0, 0)),
            pl.BlockSpec((1, c2), lambda i: (0, 0)),
            pl.BlockSpec((c2, f), lambda i: (0, 0)),
            pl.BlockSpec((1, f), lambda i: (0, 0)),
        ],
        out_specs=pl.BlockSpec((_MB, f), lambda i: (i, 0)),
        out_shape=jax.ShapeDtypeStruct((n, f), jnp.float32),
    )(degt, mol_x, mol_ei,
      w1.astype(jnp.bfloat16), b1.reshape(1, -1),
      w2.astype(jnp.bfloat16), b2.reshape(1, -1),
      w3.astype(jnp.bfloat16), b3.reshape(1, -1))


def _mid_body(degt_ref, tp_ref, w1_ref, b1_ref, w2_ref, out_ref):
    inv = lax.rsqrt(degt_ref[:, 0:1] + degt_ref[:, 1:2] + 1.0)
    tp = tp_ref[...]
    t = tp[0] + tp[1]
    h1 = jnp.maximum(
        lax.dot_general(inv * t, w1_ref[...], (((1,), (0,)), ((), ())),
                        preferred_element_type=jnp.float32) + b1_ref[...], 0.0)
    out_ref[...] = inv * lax.dot_general(
        h1, w2_ref[...], (((1,), (0,)), ((), ())),
        preferred_element_type=jnp.float32)


def _mid_call(degt, tp, w1, b1, w2):
    _, n, f = tp.shape
    c2 = w1.shape[1]
    rb = 256
    return pl.pallas_call(
        _mid_body,
        grid=(n // rb,),
        in_specs=[
            pl.BlockSpec((rb, 2), lambda i: (i, 0)),
            pl.BlockSpec((2, rb, f), lambda i: (0, i, 0)),
            pl.BlockSpec((f, c2), lambda i: (0, 0)),
            pl.BlockSpec((1, c2), lambda i: (0, 0)),
            pl.BlockSpec((c2, f), lambda i: (0, 0)),
        ],
        out_specs=pl.BlockSpec((rb, f), lambda i: (i, 0)),
        out_shape=jax.ShapeDtypeStruct((n, f), jnp.float32),
    )(degt, tp, w1, b1.reshape(1, -1), w2)


def _fin_body(degt_ref, tp_ref, b2_ref, out_ref):
    inv = lax.rsqrt(degt_ref[:, 0:1] + degt_ref[:, 1:2] + 1.0)
    tp = tp_ref[...]
    out_ref[...] = inv * (tp[0] + tp[1]) + b2_ref[...]


def _fin_call(degt, tp, b2):
    _, n, f = tp.shape
    rb = 256
    return pl.pallas_call(
        _fin_body,
        grid=(n // rb,),
        in_specs=[
            pl.BlockSpec((rb, 2), lambda i: (i, 0)),
            pl.BlockSpec((2, rb, f), lambda i: (0, i, 0)),
            pl.BlockSpec((1, f), lambda i: (0, 0)),
        ],
        out_specs=pl.BlockSpec((rb, f), lambda i: (i, 0)),
        out_shape=jax.ShapeDtypeStruct((n, f), jnp.float32),
    )(degt, tp, b2.reshape(1, -1))


def _deg_call(dst, n):
    e_kg = dst.shape[0]
    nw = _SC_CORES * _SC_TILES
    ept = e_kg // nw
    ch = 128
    nch = ept // ch
    rpt = n // _SC_TILES
    mesh = plsc.VectorSubcoreMesh(core_axis_name="c", subcore_axis_name="s")

    @functools.partial(
        pl.kernel,
        out_type=jax.ShapeDtypeStruct((_SC_CORES, n, _DEG_W), jnp.float32),
        mesh=mesh,
        scratch_types=[
            pltpu.VMEM((nch, ch), jnp.int32),
            pltpu.VMEM((ch, _DEG_W), jnp.float32),
            pltpu.VMEM_SHARED((n, _DEG_W), jnp.float32),
            pltpu.SemaphoreType.DMA,
        ],
    )
    def deg_kernel(dst_hbm, zeros_hbm, ones_hbm, out_hbm, idx_v, ones_v,
                   acc_sh, sem):
        c = lax.axis_index("c")
        s = lax.axis_index("s")
        wid = c * _SC_TILES + s

        pltpu.sync_copy(ones_hbm, ones_v)
        pltpu.sync_copy(dst_hbm.at[wid], idx_v)
        pltpu.sync_copy(zeros_hbm, acc_sh.at[pl.ds(s * rpt, rpt)])
        plsc.subcore_barrier()

        def body(j, _):
            pltpu.async_copy(ones_v, acc_sh.at[idx_v.at[j]], sem, add=True)
            return 0

        lax.fori_loop(0, nch, body, 0)

        def drain(j, _):
            pltpu.make_async_copy(ones_hbm, ones_v, sem).wait()
            return 0

        lax.fori_loop(0, nch, drain, 0)
        plsc.subcore_barrier()
        pltpu.sync_copy(acc_sh.at[pl.ds(s * rpt, rpt)],
                        out_hbm.at[c, pl.ds(s * rpt, rpt)])

    zeros = jnp.zeros((rpt, _DEG_W), jnp.float32)
    ones = jnp.ones((ch, _DEG_W), jnp.float32)
    dst3 = dst.reshape(nw, nch, ch)
    return deg_kernel(dst3, zeros, ones)


def _scatter_call(table, src, dst):
    n, f = table.shape
    e_kg = src.shape[0]
    nw = _SC_CORES * _SC_TILES
    ept = e_kg // nw
    ch = 128
    nch = ept // ch
    rpt = n // _SC_TILES
    mesh = plsc.VectorSubcoreMesh(core_axis_name="c", subcore_axis_name="s")

    @functools.partial(
        pl.kernel,
        out_type=jax.ShapeDtypeStruct((_SC_CORES, n, f), jnp.float32),
        mesh=mesh,
        scratch_types=[
            pltpu.VMEM((nch, ch), jnp.int32),
            pltpu.VMEM((nch, ch), jnp.int32),
            pltpu.VMEM((ch, f), jnp.float32),
            pltpu.VMEM((ch, f), jnp.float32),
            pltpu.VMEM_SHARED((n, f), jnp.float32),
            pltpu.SemaphoreType.DMA,
            pltpu.SemaphoreType.DMA,
        ],
    )
    def scat_kernel(tab_hbm, src_hbm, dst_hbm, zeros_hbm, out_hbm,
                    si_v, di_v, rows0, rows1, acc_sh, sem0, sem1):
        c = lax.axis_index("c")
        s = lax.axis_index("s")
        wid = c * _SC_TILES + s

        pltpu.sync_copy(src_hbm.at[wid], si_v)
        pltpu.sync_copy(dst_hbm.at[wid], di_v)

        @pl.when(c == 0)
        def _():
            pltpu.sync_copy(tab_hbm.at[pl.ds(s * rpt, rpt)],
                            acc_sh.at[pl.ds(s * rpt, rpt)])

        @pl.when(c != 0)
        def _():
            pltpu.sync_copy(zeros_hbm, acc_sh.at[pl.ds(s * rpt, rpt)])

        plsc.subcore_barrier()

        def gather(j, buf, sem):
            pltpu.async_copy(tab_hbm.at[si_v.at[j]], buf, sem)

        def gwait(buf, sem):
            pltpu.make_async_copy(tab_hbm.at[si_v.at[0]], buf, sem).wait()

        gather(0, rows0, sem0)

        def body(jj, _):
            j0 = 2 * jj
            gather(j0 + 1, rows1, sem1)
            gwait(rows0, sem0)
            pltpu.sync_copy(rows0, acc_sh.at[di_v.at[j0]], add=True)

            @pl.when(j0 + 2 < nch)
            def _():
                gather(j0 + 2, rows0, sem0)

            gwait(rows1, sem1)
            pltpu.sync_copy(rows1, acc_sh.at[di_v.at[j0 + 1]], add=True)
            return 0

        lax.fori_loop(0, nch // 2, body, 0)
        plsc.subcore_barrier()
        pltpu.sync_copy(acc_sh.at[pl.ds(s * rpt, rpt)],
                        out_hbm.at[c, pl.ds(s * rpt, rpt)])

    zeros = jnp.zeros((rpt, f), jnp.float32)
    src3 = src.reshape(nw, nch, ch)
    dst3 = dst.reshape(nw, nch, ch)
    return scat_kernel(table, src3, dst3, zeros)


def kernel(mol_x, mol_edge_index, edge_index, W1m, b1m, W2m, b2m, W3m, b3m,
           W1, b1, W2, b2):
    n = mol_x.shape[0]
    src = edge_index[0]
    dst = edge_index[1]

    degw = _deg_call(dst, n)
    degt = jnp.transpose(degw[:, :, 0])

    zs1 = _mol_call(degt, mol_x, mol_edge_index,
                    W1m, b1m, W2m, b2m, W3m, b3m)
    t1p = _scatter_call(zs1, src, dst)
    zs2 = _mid_call(degt, t1p, W1, b1, W2)
    t2p = _scatter_call(zs2, src, dst)
    return _fin_call(degt, t2p, b2)

# --- scband reference (transcript-rebuilt; emitter-appended) ---
"""Pipeline reference for scband-gcnkgcn-48962627175097 (READ-ONLY COPY).

The authoritative reference and input builder live on the scoring server;
editing this copy changes nothing except your own understanding.
"""

import jax, jax.numpy as jnp
import numpy as np


def gcn_conv(x, src, dst, W, b):
    # PyG-style GCNConv: D^{-1/2} (A + I) D^{-1/2} X W + b
    n = x.shape[0]
    h = x @ W
    loop = jnp.arange(n, dtype=src.dtype)
    s = jnp.concatenate([src, loop])
    d = jnp.concatenate([dst, loop])
    deg = jax.ops.segment_sum(jnp.ones(s.shape[0], h.dtype), d, num_segments=n)
    inv = jnp.where(deg > 0, 1.0 / jnp.sqrt(deg), 0.0)
    norm = inv[s] * inv[d]
    msg = h[s] * norm[:, None]
    return jax.ops.segment_sum(msg, d, num_segments=n) + b


def setup_inputs(seed: int = 0) -> dict:
    key = jax.random.key(seed)
    ks = jax.random.split(key, 10)
    N_MOLS, N_ATOMS, MOL_E, KG_E = 4096, 32, 128, 131072
    IN_CH, OUT_CH = 128, 128
    inp = {}
    inp["mol_x"] = jax.random.normal(ks[0], (N_MOLS, N_ATOMS, IN_CH), jnp.float32)
    inp["mol_edge_index"] = jax.random.randint(ks[1], (N_MOLS, 2, MOL_E), 0, N_ATOMS)
    inp["edge_index"] = jax.random.randint(ks[2], (2, KG_E), 0, N_MOLS)

    def lin(k, fi, fo):
        return jax.random.normal(k, (fi, fo), jnp.float32) / np.sqrt(fi)

    # mol_gnn (GCNMolGCN) params
    inp["W1m"] = lin(ks[3], IN_CH, 2 * OUT_CH)
    inp["b1m"] = jnp.zeros((2 * OUT_CH,), jnp.float32)
    inp["W2m"] = lin(ks[4], 2 * OUT_CH, 2 * OUT_CH)
    inp["b2m"] = jnp.zeros((2 * OUT_CH,), jnp.float32)
    inp["W3m"] = lin(ks[5], 2 * OUT_CH, OUT_CH)
    inp["b3m"] = jnp.zeros((OUT_CH,), jnp.float32)
    # KG-level GCN params
    inp["W1"] = lin(ks[6], OUT_CH, 2 * OUT_CH)
    inp["b1"] = jnp.zeros((2 * OUT_CH,), jnp.float32)
    inp["W2"] = lin(ks[7], 2 * OUT_CH, OUT_CH)
    inp["b2"] = jnp.zeros((OUT_CH,), jnp.float32)
    return inp


def reference(mol_x, mol_edge_index, edge_index, W1m, b1m, W2m, b2m, W3m, b3m, W1, b1, W2, b2):
    def mol_fwd(mx, me):
        src, dst = me[0], me[1]
        h = jax.nn.relu(gcn_conv(mx, src, dst, W1m, b1m))
        h = jax.nn.relu(gcn_conv(h, src, dst, W2m, b2m))
        h = gcn_conv(h, src, dst, W3m, b3m)
        return jnp.min(h, axis=0)

    x = jax.vmap(mol_fwd)(mol_x, mol_edge_index)  # [N_MOLS, OUT_CH]
    src, dst = edge_index[0], edge_index[1]
    x = jax.nn.relu(gcn_conv(x, src, dst, W1, b1))
    return gcn_conv(x, src, dst, W2, b2)

if __name__ == "__main__":
    import jax
    _d = setup_inputs()
    print(jax.jit(kernel)(*tuple(_d.values())))

</pallas_src>

<mosaic_0001>
#map = affine_map<(d0, d1) -> (0, 0)>
#map1 = affine_map<(d0, d1) -> (0, 0, 0)>
module attributes {stable_mosaic.version = 14 : i64} {
  func.func @scat_kernel(%arg0: i32, %arg1: i32, %arg2: memref<4096x128xf32, #tpu.memory_space<hbm>>, %arg3: memref<32x32x128xi32, #tpu.memory_space<hbm>>, %arg4: memref<32x32x128xi32, #tpu.memory_space<hbm>>, %arg5: memref<256x128xf32, #tpu.memory_space<hbm>>, %arg6: memref<2x4096x128xf32, #tpu.memory_space<hbm>>, %arg7: memref<32x128xi32, #tpu.memory_space<vmem>>, %arg8: memref<32x128xi32, #tpu.memory_space<vmem>>, %arg9: memref<128x128xf32, #tpu.memory_space<vmem>>, %arg10: memref<128x128xf32, #tpu.memory_space<vmem>>, %arg11: memref<4096x128xf32, #tpu.memory_space<vmem_shared>>, %arg12: memref<!tpu.dma_semaphore, #tpu.memory_space<semaphore_mem>>, %arg13: memref<!tpu.dma_semaphore, #tpu.memory_space<semaphore_mem>>) attributes {dimension_semantics = [#tpu.dimension_semantics<core_parallel>, #tpu.dimension_semantics<subcore_parallel>], iteration_bounds = array<i64: 2, 16>, scalar_prefetch = 0 : i64, scratch_operands = 7 : i64, tpu.core_type = #tpu.core_type<sc_vector_subcore>, window_params = [{transform_indices = #map}, {transform_indices = #map1}, {transform_indices = #map1}, {transform_indices = #map}, {transform_indices = #map1}]} {
    %mul3A = arith.constant 16 : i32
    %mul3A_0 = arith.muli %arg0, %mul3A : i32
    %add3A = arith.addi %mul3A_0, %arg1 : i32
    "tpu.region"() ({
      %run_scoped3A = tpu.sem_alloc : memref<!tpu.dma_semaphore, #tpu.memory_space<semaphore_mem>>
      %dma_start3A_24 = arith.constant 0 : i32
      %dma_start3A_25 = arith.constant 0 : i32
      %dma_start3A_26 = tpu.memref_slice %arg3[%add3A, %dma_start3A_24, %dma_start3A_25] : memref<32x32x128xi32, #tpu.memory_space<hbm>> -> memref<1x32x128xi32, #tpu.memory_space<hbm>>
      %dma_start3A_27 = tpu.memref_squeeze %dma_start3A_26 : memref<1x32x128xi32, #tpu.memory_space<hbm>> -> memref<32x128xi32, #tpu.memory_space<hbm>>
      %dma_start3A_28 = arith.constant 0 : i32
      %dma_start3A_29 = arith.constant 0 : i32
      %dma_start3A_30 = tpu.memref_slice %arg3[%add3A, %dma_start3A_28, %dma_start3A_29] : memref<32x32x128xi32, #tpu.memory_space<hbm>> -> memref<1x32x128xi32, #tpu.memory_space<hbm>>
      %dma_start3A_31 = tpu.memref_squeeze %dma_start3A_30 : memref<1x32x128xi32, #tpu.memory_space<hbm>> -> memref<32x128xi32, #tpu.memory_space<hbm>>
      tpu.enqueue_dma source(%dma_start3A_31 : memref<32x128xi32, #tpu.memory_space<hbm>>) target(%arg7 : memref<32x128xi32, #tpu.memory_space<vmem>>) target_semaphore(%run_scoped3A : memref<!tpu.dma_semaphore, #tpu.memory_space<semaphore_mem>>)
      %dma_wait3A = arith.constant 0 : i32
      %dma_wait3A_32 = arith.constant 0 : i32
      %dma_wait3A_33 = tpu.memref_slice %arg3[%add3A, %dma_wait3A, %dma_wait3A_32] : memref<32x32x128xi32, #tpu.memory_space<hbm>> -> memref<1x32x128xi32, #tpu.memory_space<hbm>>
      %dma_wait3A_34 = tpu.memref_squeeze %dma_wait3A_33 : memref<1x32x128xi32, #tpu.memory_space<hbm>> -> memref<32x128xi32, #tpu.memory_space<hbm>>
      %dma_wait3A_35 = arith.constant 0 : i32
      %dma_wait3A_36 = arith.constant 0 : i32
      %dma_wait3A_37 = tpu.memref_slice %arg3[%add3A, %dma_wait3A_35, %dma_wait3A_36] : memref<32x32x128xi32, #tpu.memory_space<hbm>> -> memref<1x32x128xi32, #tpu.memory_space<hbm>>
      %dma_wait3A_38 = tpu.memref_squeeze %dma_wait3A_37 : memref<1x32x128xi32, #tpu.memory_space<hbm>> -> memref<32x128xi32, #tpu.memory_space<hbm>>
      tpu.wait_dma2 semaphore(%run_scoped3A : memref<!tpu.dma_semaphore, #tpu.memory_space<semaphore_mem>>) src(%dma_wait3A_38 : memref<32x128xi32, #tpu.memory_space<hbm>>) dst(%arg7 : memref<32x128xi32, #tpu.memory_space<vmem>>)
      tpu.yield
    }) : () -> ()
    "tpu.region"() ({
      %run_scoped3A = tpu.sem_alloc : memref<!tpu.dma_semaphore, #tpu.memory_space<semaphore_mem>>
      %dma_start3A_24 = arith.constant 0 : i32
      %dma_start3A_25 = arith.constant 0 : i32
      %dma_start3A_26 = tpu.memref_slice %arg4[%add3A, %dma_start3A_24, %dma_start3A_25] : memref<32x32x128xi32, #tpu.memory_space<hbm>> -> memref<1x32x128xi32, #tpu.memory_space<hbm>>
      %dma_start3A_27 = tpu.memref_squeeze %dma_start3A_26 : memref<1x32x128xi32, #tpu.memory_space<hbm>> -> memref<32x128xi32, #tpu.memory_space<hbm>>
      %dma_start3A_28 = arith.constant 0 : i32
      %dma_start3A_29 = arith.constant 0 : i32
      %dma_start3A_30 = tpu.memref_slice %arg4[%add3A, %dma_start3A_28, %dma_start3A_29] : memref<32x32x128xi32, #tpu.memory_space<hbm>> -> memref<1x32x128xi32, #tpu.memory_space<hbm>>
      %dma_start3A_31 = tpu.memref_squeeze %dma_start3A_30 : memref<1x32x128xi32, #tpu.memory_space<hbm>> -> memref<32x128xi32, #tpu.memory_space<hbm>>
      tpu.enqueue_dma source(%dma_start3A_31 : memref<32x128xi32, #tpu.memory_space<hbm>>) target(%arg8 : memref<32x128xi32, #tpu.memory_space<vmem>>) target_semaphore(%run_scoped3A : memref<!tpu.dma_semaphore, #tpu.memory_space<semaphore_mem>>)
      %dma_wait3A = arith.constant 0 : i32
      %dma_wait3A_32 = arith.constant 0 : i32
      %dma_wait3A_33 = tpu.memref_slice %arg4[%add3A, %dma_wait3A, %dma_wait3A_32] : memref<32x32x128xi32, #tpu.memory_space<hbm>> -> memref<1x32x128xi32, #tpu.memory_space<hbm>>
      %dma_wait3A_34 = tpu.memref_squeeze %dma_wait3A_33 : memref<1x32x128xi32, #tpu.memory_space<hbm>> -> memref<32x128xi32, #tpu.memory_space<hbm>>
      %dma_wait3A_35 = arith.constant 0 : i32
      %dma_wait3A_36 = arith.constant 0 : i32
      %dma_wait3A_37 = tpu.memref_slice %arg4[%add3A, %dma_wait3A_35, %dma_wait3A_36] : memref<32x32x128xi32, #tpu.memory_space<hbm>> -> memref<1x32x128xi32, #tpu.memory_space<hbm>>
      %dma_wait3A_38 = tpu.memref_squeeze %dma_wait3A_37 : memref<1x32x128xi32, #tpu.memory_space<hbm>> -> memref<32x128xi32, #tpu.memory_space<hbm>>
      tpu.wait_dma2 semaphore(%run_scoped3A : memref<!tpu.dma_semaphore, #tpu.memory_space<semaphore_mem>>) src(%dma_wait3A_38 : memref<32x128xi32, #tpu.memory_space<hbm>>) dst(%arg8 : memref<32x128xi32, #tpu.memory_space<vmem>>)
      tpu.yield
    }) : () -> ()
    %eq3A = arith.constant 0 : i32
    %eq3A_1 = arith.cmpi eq, %arg0, %eq3A : i32
    %convert_element_type3A = arith.extui %eq3A_1 : i1 to i32
    %cond3A = arith.constant 0 : i32
    %cond3A_2 = arith.cmpi ne, %convert_element_type3A, %cond3A : i32
    scf.if %cond3A_2 {
      %mul3A_24 = arith.constant 256 : i32
      %mul3A_25 = arith.muli %arg1, %mul3A_24 : i32
      %mul3A_26 = arith.constant 256 : i32
      %mul3A_27 = arith.muli %arg1, %mul3A_26 : i32
      "tpu.region"() ({
        %run_scoped3A = tpu.sem_alloc : memref<!tpu.dma_semaphore, #tpu.memory_space<semaphore_mem>>
        %dma_start3A_28 = arith.constant 0 : i32
        %dma_start3A_29 = tpu.memref_slice %arg11[%mul3A_27, %dma_start3A_28] : memref<4096x128xf32, #tpu.memory_space<vmem_shared>> -> memref<256x128xf32, #tpu.memory_space<vmem_shared>>
        %dma_start3A_30 = arith.constant 0 : i32
        %dma_start3A_31 = tpu.memref_slice %arg2[%mul3A_25, %dma_start3A_30] : memref<4096x128xf32, #tpu.memory_space<hbm>> -> memref<256x128xf32, #tpu.memory_space<hbm>>
        tpu.enqueue_dma source(%dma_start3A_31 : memref<256x128xf32, #tpu.memory_space<hbm>>) target(%dma_start3A_29 : memref<256x128xf32, #tpu.memory_space<vmem_shared>>) target_semaphore(%run_scoped3A : memref<!tpu.dma_semaphore, #tpu.memory_space<semaphore_mem>>)
        %dma_wait3A = arith.constant 0 : i32
        %dma_wait3A_32 = tpu.memref_slice %arg11[%mul3A_27, %dma_wait3A] : memref<4096x128xf32, #tpu.memory_space<vmem_shared>> -> memref<256x128xf32, #tpu.memory_space<vmem_shared>>
        %dma_wait3A_33 = arith.constant 0 : i32
        %dma_wait3A_34 = tpu.memref_slice %arg2[%mul3A_25, %dma_wait3A_33] : memref<4096x128xf32, #tpu.memory_space<hbm>> -> memref<256x128xf32, #tpu.memory_space<hbm>>
        tpu.wait_dma2 semaphore(%run_scoped3A : memref<!tpu.dma_semaphore, #tpu.memory_space<semaphore_mem>>) src(%dma_wait3A_34 : memref<256x128xf32, #tpu.memory_space<hbm>>) dst(%dma_wait3A_32 : memref<256x128xf32, #tpu.memory_space<vmem_shared>>)
        tpu.yield
      }) : () -> ()
    } else {
    }
    %ne3A = arith.constant 0 : i32
    %ne3A_3 = arith.cmpi ne, %arg0, %ne3A : i32
    %convert_element_type3A_4 = arith.extui %ne3A_3 : i1 to i32
    %cond3A_5 = arith.constant 0 : i32
    %cond3A_6 = arith.cmpi ne, %convert_element_type3A_4, %cond3A_5 : i32
    scf.if %cond3A_6 {
      %mul3A_24 = arith.constant 256 : i32
      %mul3A_25 = arith.muli %arg1, %mul3A_24 : i32
      "tpu.region"() ({
        %run_scoped3A = tpu.sem_alloc : memref<!tpu.dma_semaphore, #tpu.memory_space<semaphore_mem>>
        %dma_start3A_26 = arith.constant 0 : i32
        %dma_start3A_27 = tpu.memref_slice %arg11[%mul3A_25, %dma_start3A_26] : memref<4096x128xf32, #tpu.memory_space<vmem_shared>> -> memref<256x128xf32, #tpu.memory_space<vmem_shared>>
        tpu.enqueue_dma source(%arg5 : memref<256x128xf32, #tpu.memory_space<hbm>>) target(%dma_start3A_27 : memref<256x128xf32, #tpu.memory_space<vmem_shared>>) target_semaphore(%run_scoped3A : memref<!tpu.dma_semaphore, #tpu.memory_space<semaphore_mem>>)
        %dma_wait3A = arith.constant 0 : i32
        %dma_wait3A_28 = tpu.memref_slice %arg11[%mul3A_25, %dma_wait3A] : memref<4096x128xf32, #tpu.memory_space<vmem_shared>> -> memref<256x128xf32, #tpu.memory_space<vmem_shared>>
        tpu.wait_dma2 semaphore(%run_scoped3A : memref<!tpu.dma_semaphore, #tpu.memory_space<semaphore_mem>>) src(%arg5 : memref<256x128xf32, #tpu.memory_space<hbm>>) dst(%dma_wait3A_28 : memref<256x128xf32, #tpu.memory_space<vmem_shared>>)
        tpu.yield
      }) : () -> ()
    } else {
    }
    %barrier3A = arith.constant 0 : index
    tpu.barrier barrier_id(%barrier3A)
    %dma_start3A = arith.constant 0 : i32
    %dma_start3A_7 = arith.constant 0 : i32
    %dma_start3A_8 = tpu.memref_slice %arg7[%dma_start3A, %dma_start3A_7] : memref<32x128xi32, #tpu.memory_space<vmem>> -> memref<1x128xi32, #tpu.memory_space<vmem>>
    %dma_start3A_9 = tpu.memref_squeeze %dma_start3A_8 : memref<1x128xi32, #tpu.memory_space<vmem>> -> memref<128xi32, #tpu.memory_space<vmem>>
    %dma_start3A_10 = arith.constant 0 : i32
    %dma_start3A_11 = arith.constant 0 : i32
    %dma_start3A_12 = tpu.memref_slice %arg2[%dma_start3A_10, %dma_start3A_11] : memref<4096x128xf32, #tpu.memory_space<hbm>> -> memref<4096x128xf32, #tpu.memory_space<hbm>>
    tpu.enqueue_indirect_dma source(%dma_start3A_12 : memref<4096x128xf32, #tpu.memory_space<hbm>>) target(%arg9 : memref<128x128xf32, #tpu.memory_space<vmem>>) offsets(%dma_start3A_9 : memref<128xi32, #tpu.memory_space<vmem>>) semaphore(%arg12 : memref<!tpu.dma_semaphore, #tpu.memory_space<semaphore_mem>>)
    %scan3A = arith.constant 0 : i32
    %scan3A_13 = arith.constant 0 : i32
    %scan3A_14 = arith.constant 16 : i32
    %scan3A_15 = arith.addi %scan3A_13, %scan3A_14 : i32
    %scan3A_16 = arith.constant 1 : i32
    %scan3A_17 = scf.for %scan3A_24 = %scan3A_13 to %scan3A_15 step %scan3A_16 iter_args(%scan3A_25 = %scan3A) -> (i32)  : i32 {
      %mul3A_26 = arith.constant 2 : i32
      %mul3A_27 = arith.muli %mul3A_26, %scan3A_24 : i32
      %add3A_28 = arith.constant 1 : i32
      %add3A_29 = arith.addi %mul3A_27, %add3A_28 : i32
      %dma_start3A_30 = arith.constant 0 : i32
      %dma_start3A_31 = tpu.memref_slice %arg7[%add3A_29, %dma_start3A_30] : memref<32x128xi32, #tpu.memory_space<vmem>> -> memref<1x128xi32, #tpu.memory_space<vmem>>
      %dma_start3A_32 = tpu.memref_squeeze %dma_start3A_31 : memref<1x128xi32, #tpu.memory_space<vmem>> -> memref<128xi32, #tpu.memory_space<vmem>>
      %dma_start3A_33 = arith.constant 0 : i32
      %dma_start3A_34 = arith.constant 0 : i32
      %dma_start3A_35 = tpu.memref_slice %arg2[%dma_start3A_33, %dma_start3A_34] : memref<4096x128xf32, #tpu.memory_space<hbm>> -> memref<4096x128xf32, #tpu.memory_space<hbm>>
      tpu.enqueue_indirect_dma source(%dma_start3A_35 : memref<4096x128xf32, #tpu.memory_space<hbm>>) target(%arg10 : memref<128x128xf32, #tpu.memory_space<vmem>>) offsets(%dma_start3A_32 : memref<128xi32, #tpu.memory_space<vmem>>) semaphore(%arg13 : memref<!tpu.dma_semaphore, #tpu.memory_space<semaphore_mem>>)
      %dma_wait3A = arith.constant 0 : i32
      %dma_wait3A_36 = arith.constant 0 : i32
      %dma_wait3A_37 = tpu.memref_slice %arg7[%dma_wait3A, %dma_wait3A_36] : memref<32x128xi32, #tpu.memory_space<vmem>> -> memref<1x128xi32, #tpu.memory_space<vmem>>
      %dma_wait3A_38 = tpu.memref_squeeze %dma_wait3A_37 : memref<1x128xi32, #tpu.memory_space<vmem>> -> memref<128xi32, #tpu.memory_space<vmem>>
      %dma_wait3A_39 = arith.constant 0 : i32
      %dma_wait3A_40 = arith.constant 0 : i32
      %dma_wait3A_41 = tpu.memref_slice %arg2[%dma_wait3A_39, %dma_wait3A_40] : memref<4096x128xf32, #tpu.memory_space<hbm>> -> memref<4096x128xf32, #tpu.memory_space<hbm>>
      tpu.wait_indirect_dma semaphore(%arg12 : memref<!tpu.dma_semaphore, #tpu.memory_space<semaphore_mem>>) src(%dma_wait3A_41 : memref<4096x128xf32, #tpu.memory_space<hbm>>) dst(%arg9 : memref<128x128xf32, #tpu.memory_space<vmem>>)
      "tpu.region"() ({
        %run_scoped3A = tpu.sem_alloc : memref<!tpu.dma_semaphore, #tpu.memory_space<semaphore_mem>>
        %dma_start3A_58 = arith.constant 0 : i32
        %dma_start3A_59 = tpu.memref_slice %arg8[%mul3A_27, %dma_start3A_58] : memref<32x128xi32, #tpu.memory_space<vmem>> -> memref<1x128xi32, #tpu.memory_space<vmem>>
        %dma_start3A_60 = tpu.memref_squeeze %dma_start3A_59 : memref<1x128xi32, #tpu.memory_space<vmem>> -> memref<128xi32, #tpu.memory_space<vmem>>
        %dma_start3A_61 = arith.constant 0 : i32
        %dma_start3A_62 = arith.constant 0 : i32
        %dma_start3A_63 = tpu.memref_slice %arg11[%dma_start3A_61, %dma_start3A_62] : memref<4096x128xf32, #tpu.memory_space<vmem_shared>> -> memref<4096x128xf32, #tpu.memory_space<vmem_shared>>
        tpu.enqueue_indirect_dma source(%arg9 : memref<128x128xf32, #tpu.memory_space<vmem>>) target(%dma_start3A_63 : memref<4096x128xf32, #tpu.memory_space<vmem_shared>>) offsets(%dma_start3A_60 : memref<128xi32, #tpu.memory_space<vmem>>) semaphore(%run_scoped3A : memref<!tpu.dma_semaphore, #tpu.memory_space<semaphore_mem>>) {add = true}
        %dma_wait3A_64 = arith.constant 0 : i32
        %dma_wait3A_65 = tpu.memref_slice %arg8[%mul3A_27, %dma_wait3A_64] : memref<32x128xi32, #tpu.memory_space<vmem>> -> memref<1x128xi32, #tpu.memory_space<vmem>>
        %dma_wait3A_66 = tpu.memref_squeeze %dma_wait3A_65 : memref<1x128xi32, #tpu.memory_space<vmem>> -> memref<128xi32, #tpu.memory_space<vmem>>
        %dma_wait3A_67 = arith.constant 0 : i32
        %dma_wait3A_68 = arith.constant 0 : i32
        %dma_wait3A_69 = tpu.memref_slice %arg11[%dma_wait3A_67, %dma_wait3A_68] : memref<4096x128xf32, #tpu.memory_space<vmem_shared>> -> memref<4096x128xf32, #tpu.memory_space<vmem_shared>>
        tpu.wait_indirect_dma semaphore(%run_scoped3A : memref<!tpu.dma_semaphore, #tpu.memory_space<semaphore_mem>>) src(%arg9 : memref<128x128xf32, #tpu.memory_space<vmem>>) dst(%dma_wait3A_69 : memref<4096x128xf32, #tpu.memory_space<vmem_shared>>)
        tpu.yield
      }) : () -> ()
      %add3A_42 = arith.constant 2 : i32
      %add3A_43 = arith.addi %mul3A_27, %add3A_42 : i32
      %lt3A = arith.constant 32 : i32
      %lt3A_44 = arith.cmpi slt, %add3A_43, %lt3A : i32
      %convert_element_type3A_45 = arith.extui %lt3A_44 : i1 to i32
      %cond3A_46 = arith.constant 0 : i32
      %cond3A_47 = arith.cmpi ne, %convert_element_type3A_45, %cond3A_46 : i32
      scf.if %cond3A_47 {
        %add3A_58 = arith.constant 2 : i32
        %add3A_59 = arith.addi %mul3A_27, %add3A_58 : i32
        %dma_start3A_60 = arith.constant 0 : i32
        %dma_start3A_61 = tpu.memref_slice %arg7[%add3A_59, %dma_start3A_60] : memref<32x128xi32, #tpu.memory_space<vmem>> -> memref<1x128xi32, #tpu.memory_space<vmem>>
        %dma_start3A_62 = tpu.memref_squeeze %dma_start3A_61 : memref<1x128xi32, #tpu.memory_space<vmem>> -> memref<128xi32, #tpu.memory_space<vmem>>
        %dma_start3A_63 = arith.constant 0 : i32
        %dma_start3A_64 = arith.constant 0 : i32
        %dma_start3A_65 = tpu.memref_slice %arg2[%dma_start3A_63, %dma_start3A_64] : memref<4096x128xf32, #tpu.memory_space<hbm>> -> memref<4096x128xf32, #tpu.memory_space<hbm>>
        tpu.enqueue_indirect_dma source(%dma_start3A_65 : memref<4096x128xf32, #tpu.memory_space<hbm>>) target(%arg9 : memref<128x128xf32, #tpu.memory_space<vmem>>) offsets(%dma_start3A_62 : memref<128xi32, #tpu.memory_space<vmem>>) semaphore(%arg12 : memref<!tpu.dma_semaphore, #tpu.memory_space<semaphore_mem>>)
      } else {
      }
      %dma_wait3A_48 = arith.constant 0 : i32
      %dma_wait3A_49 = arith.constant 0 : i32
      %dma_wait3A_50 = tpu.memref_slice %arg7[%dma_wait3A_48, %dma_wait3A_49] : memref<32x128xi32, #tpu.memory_space<vmem>> -> memref<1x128xi32, #tpu.memory_space<vmem>>
      %dma_wait3A_51 = tpu.memref_squeeze %dma_wait3A_50 : memref<1x128xi32, #tpu.memory_space<vmem>> -> memref<128xi32, #tpu.memory_space<vmem>>
      %dma_wait3A_52 = arith.constant 0 : i32
      %dma_wait3A_53 = arith.constant 0 : i32
      %dma_wait3A_54 = tpu.memref_slice %arg2[%dma_wait3A_52, %dma_wait3A_53] : memref<4096x128xf32, #tpu.memory_space<hbm>> -> memref<4096x128xf32, #tpu.memory_space<hbm>>
      tpu.wait_indirect_dma semaphore(%arg13 : memref<!tpu.dma_semaphore, #tpu.memory_space<semaphore_mem>>) src(%dma_wait3A_54 : memref<4096x128xf32, #tpu.memory_space<hbm>>) dst(%arg10 : memref<128x128xf32, #tpu.memory_space<vmem>>)
      %add3A_55 = arith.constant 1 : i32
      %add3A_56 = arith.addi %mul3A_27, %add3A_55 : i32
      "tpu.region"() ({
        %run_scoped3A = tpu.sem_alloc : memref<!tpu.dma_semaphore, #tpu.memory_space<semaphore_mem>>
        %dma_start3A_58 = arith.constant 0 : i32
        %dma_start3A_59 = tpu.memref_slice %arg8[%add3A_56, %dma_start3A_58] : memref<32x128xi32, #tpu.memory_space<vmem>> -> memref<1x128xi32, #tpu.memory_space<vmem>>
        %dma_start3A_60 = tpu.memref_squeeze %dma_start3A_59 : memref<1x128xi32, #tpu.memory_space<vmem>> -> memref<128xi32, #tpu.memory_space<vmem>>
        %dma_start3A_61 = arith.constant 0 : i32
        %dma_start3A_62 = arith.constant 0 : i32
        %dma_start3A_63 = tpu.memref_slice %arg11[%dma_start3A_61, %dma_start3A_62] : memref<4096x128xf32, #tpu.memory_space<vmem_shared>> -> memref<4096x128xf32, #tpu.memory_space<vmem_shared>>
        tpu.enqueue_indirect_dma source(%arg10 : memref<128x128xf32, #tpu.memory_space<vmem>>) target(%dma_start3A_63 : memref<4096x128xf32, #tpu.memory_space<vmem_shared>>) offsets(%dma_start3A_60 : memref<128xi32, #tpu.memory_space<vmem>>) semaphore(%run_scoped3A : memref<!tpu.dma_semaphore, #tpu.memory_space<semaphore_mem>>) {add = true}
        %dma_wait3A_64 = arith.constant 0 : i32
        %dma_wait3A_65 = tpu.memref_slice %arg8[%add3A_56, %dma_wait3A_64] : memref<32x128xi32, #tpu.memory_space<vmem>> -> memref<1x128xi32, #tpu.memory_space<vmem>>
        %dma_wait3A_66 = tpu.memref_squeeze %dma_wait3A_65 : memref<1x128xi32, #tpu.memory_space<vmem>> -> memref<128xi32, #tpu.memory_space<vmem>>
        %dma_wait3A_67 = arith.constant 0 : i32
        %dma_wait3A_68 = arith.constant 0 : i32
        %dma_wait3A_69 = tpu.memref_slice %arg11[%dma_wait3A_67, %dma_wait3A_68] : memref<4096x128xf32, #tpu.memory_space<vmem_shared>> -> memref<4096x128xf32, #tpu.memory_space<vmem_shared>>
        tpu.wait_indirect_dma semaphore(%run_scoped3A : memref<!tpu.dma_semaphore, #tpu.memory_space<semaphore_mem>>) src(%arg10 : memref<128x128xf32, #tpu.memory_space<vmem>>) dst(%dma_wait3A_69 : memref<4096x128xf32, #tpu.memory_space<vmem_shared>>)
        tpu.yield
      }) : () -> ()
      %scan3A_57 = arith.constant 0 : i32
      scf.yield %scan3A_57 : i32
    }
    %scan3A_18 = arith.constant 16 : i32
    %barrier3A_19 = arith.constant 0 : index
    tpu.barrier barrier_id(%barrier3A_19)
    %mul3A_20 = arith.constant 256 : i32
    %mul3A_21 = arith.muli %arg1, %mul3A_20 : i32
    %mul3A_22 = arith.constant 256 : i32
    %mul3A_23 = arith.muli %arg1, %mul3A_22 : i32
    "tpu.region"() ({
      %run_scoped3A = tpu.sem_alloc : memref<!tpu.dma_semaphore, #tpu.memory_space<semaphore_mem>>
      %dma_start3A_24 = arith.constant 0 : i32
      %dma_start3A_25 = tpu.memref_slice %arg6[%arg0, %mul3A_23, %dma_start3A_24] : memref<2x4096x128xf32, #tpu.memory_space<hbm>> -> memref<1x256x128xf32, #tpu.memory_space<hbm>>
      %dma_start3A_26 = tpu.memref_squeeze %dma_start3A_25 : memref<1x256x128xf32, #tpu.memory_space<hbm>> -> memref<256x128xf32, #tpu.memory_space<hbm>>
      %dma_start3A_27 = arith.constant 0 : i32
      %dma_start3A_28 = tpu.memref_slice %arg11[%mul3A_21, %dma_start3A_27] : memref<4096x128xf32, #tpu.memory_space<vmem_shared>> -> memref<256x128xf32, #tpu.memory_space<vmem_shared>>
      tpu.enqueue_dma source(%dma_start3A_28 : memref<256x128xf32, #tpu.memory_space<vmem_shared>>) target(%dma_start3A_26 : memref<256x128xf32, #tpu.memory_space<hbm>>) target_semaphore(%run_scoped3A : memref<!tpu.dma_semaphore, #tpu.memory_space<semaphore_mem>>)
      %dma_wait3A = arith.constant 0 : i32
      %dma_wait3A_29 = tpu.memref_slice %arg6[%arg0, %mul3A_23, %dma_wait3A] : memref<2x4096x128xf32, #tpu.memory_space<hbm>> -> memref<1x256x128xf32, #tpu.memory_space<hbm>>
      %dma_wait3A_30 = tpu.memref_squeeze %dma_wait3A_29 : memref<1x256x128xf32, #tpu.memory_space<hbm>> -> memref<256x128xf32, #tpu.memory_space<hbm>>
      %dma_wait3A_31 = arith.constant 0 : i32
      %dma_wait3A_32 = tpu.memref_slice %arg11[%mul3A_21, %dma_wait3A_31] : memref<4096x128xf32, #tpu.memory_space<vmem_shared>> -> memref<256x128xf32, #tpu.memory_space<vmem_shared>>
      tpu.wait_dma2 semaphore(%run_scoped3A : memref<!tpu.dma_semaphore, #tpu.memory_space<semaphore_mem>>) src(%dma_wait3A_32 : memref<256x128xf32, #tpu.memory_space<vmem_shared>>) dst(%dma_wait3A_30 : memref<256x128xf32, #tpu.memory_space<hbm>>)
      tpu.yield
    }) : () -> ()
    return
  }
}

#map = affine_map<(d0, d1) -> (0, 0)>
#map1 = affine_map<(d0, d1) -> (0, 0, 0)>
module attributes {stable_mosaic.version = 14 : i64} {
  func.func @scat_kernel(%arg0: i32, %arg1: i32, %arg2: memref<4096x128xf32, #tpu.memory_space<hbm>>, %arg3: memref<32x32x128xi32, #tpu.memory_space<hbm>>, %arg4: memref<32x32x128xi32, #tpu.memory_space<hbm>>, %arg5: memref<256x128xf32, #tpu.memory_space<hbm>>, %arg6: memref<2x4096x128xf32, #tpu.memory_space<hbm>>, %arg7: memref<32x128xi32, #tpu.memory_space<vmem>>, %arg8: memref<32x128xi32, #tpu.memory_space<vmem>>, %arg9: memref<128x128xf32, #tpu.memory_space<vmem>>, %arg10: memref<128x128xf32, #tpu.memory_space<vmem>>, %arg11: memref<4096x128xf32, #tpu.memory_space<vmem_shared>>, %arg12: memref<!tpu.dma_semaphore, #tpu.memory_space<semaphore_mem>>, %arg13: memref<!tpu.dma_semaphore, #tpu.memory_space<semaphore_mem>>) attributes {dimension_semantics = [#tpu.dimension_semantics<core_parallel>, #tpu.dimension_semantics<subcore_parallel>], iteration_bounds = array<i64: 2, 16>, scalar_prefetch = 0 : i64, scratch_operands = 7 : i64, tpu.core_type = #tpu.core_type<sc_vector_subcore>, window_params = [{transform_indices = #map}, {transform_indices = #map1}, {transform_indices = #map1}, {transform_indices = #map}, {transform_indices = #map1}]} {
    %mul3A = arith.constant 16 : i32
    %mul3A_0 = arith.muli %arg0, %mul3A : i32
    %add3A = arith.addi %mul3A_0, %arg1 : i32
    "tpu.region"() ({
      %run_scoped3A = tpu.sem_alloc : memref<!tpu.dma_semaphore, #tpu.memory_space<semaphore_mem>>
      %dma_start3A_24 = arith.constant 0 : i32
      %dma_start3A_25 = arith.constant 0 : i32
      %dma_start3A_26 = tpu.memref_slice %arg3[%add3A, %dma_start3A_24, %dma_start3A_25] : memref<32x32x128xi32, #tpu.memory_space<hbm>> -> memref<1x32x128xi32, #tpu.memory_space<hbm>>
      %dma_start3A_27 = tpu.memref_squeeze %dma_start3A_26 : memref<1x32x128xi32, #tpu.memory_space<hbm>> -> memref<32x128xi32, #tpu.memory_space<hbm>>
      %dma_start3A_28 = arith.constant 0 : i32
      %dma_start3A_29 = arith.constant 0 : i32
      %dma_start3A_30 = tpu.memref_slice %arg3[%add3A, %dma_start3A_28, %dma_start3A_29] : memref<32x32x128xi32, #tpu.memory_space<hbm>> -> memref<1x32x128xi32, #tpu.memory_space<hbm>>
      %dma_start3A_31 = tpu.memref_squeeze %dma_start3A_30 : memref<1x32x128xi32, #tpu.memory_space<hbm>> -> memref<32x128xi32, #tpu.memory_space<hbm>>
      tpu.enqueue_dma source(%dma_start3A_31 : memref<32x128xi32, #tpu.memory_space<hbm>>) target(%arg7 : memref<32x128xi32, #tpu.memory_space<vmem>>) target_semaphore(%run_scoped3A : memref<!tpu.dma_semaphore, #tpu.memory_space<semaphore_mem>>)
      %dma_wait3A = arith.constant 0 : i32
      %dma_wait3A_32 = arith.constant 0 : i32
      %dma_wait3A_33 = tpu.memref_slice %arg3[%add3A, %dma_wait3A, %dma_wait3A_32] : memref<32x32x128xi32, #tpu.memory_space<hbm>> -> memref<1x32x128xi32, #tpu.memory_space<hbm>>
      %dma_wait3A_34 = tpu.memref_squeeze %dma_wait3A_33 : memref<1x32x128xi32, #tpu.memory_space<hbm>> -> memref<32x128xi32, #tpu.memory_space<hbm>>
      %dma_wait3A_35 = arith.constant 0 : i32
      %dma_wait3A_36 = arith.constant 0 : i32
      %dma_wait3A_37 = tpu.memref_slice %arg3[%add3A, %dma_wait3A_35, %dma_wait3A_36] : memref<32x32x128xi32, #tpu.memory_space<hbm>> -> memref<1x32x128xi32, #tpu.memory_space<hbm>>
      %dma_wait3A_38 = tpu.memref_squeeze %dma_wait3A_37 : memref<1x32x128xi32, #tpu.memory_space<hbm>> -> memref<32x128xi32, #tpu.memory_space<hbm>>
      tpu.wait_dma2 semaphore(%run_scoped3A : memref<!tpu.dma_semaphore, #tpu.memory_space<semaphore_mem>>) src(%dma_wait3A_38 : memref<32x128xi32, #tpu.memory_space<hbm>>) dst(%arg7 : memref<32x128xi32, #tpu.memory_space<vmem>>)
      tpu.yield
    }) : () -> ()
    "tpu.region"() ({
      %run_scoped3A = tpu.sem_alloc : memref<!tpu.dma_semaphore, #tpu.memory_space<semaphore_mem>>
      %dma_start3A_24 = arith.constant 0 : i32
      %dma_start3A_25 = arith.constant 0 : i32
      %dma_start3A_26 = tpu.memref_slice %arg4[%add3A, %dma_start3A_24, %dma_start3A_25] : memref<32x32x128xi32, #tpu.memory_space<hbm>> -> memref<1x32x128xi32, #tpu.memory_space<hbm>>
      %dma_start3A_27 = tpu.memref_squeeze %dma_start3A_26 : memref<1x32x128xi32, #tpu.memory_space<hbm>> -> memref<32x128xi32, #tpu.memory_space<hbm>>
      %dma_start3A_28 = arith.constant 0 : i32
      %dma_start3A_29 = arith.constant 0 : i32
      %dma_start3A_30 = tpu.memref_slice %arg4[%add3A, %dma_start3A_28, %dma_start3A_29] : memref<32x32x128xi32, #tpu.memory_space<hbm>> -> memref<1x32x128xi32, #tpu.memory_space<hbm>>
      %dma_start3A_31 = tpu.memref_squeeze %dma_start3A_30 : memref<1x32x128xi32, #tpu.memory_space<hbm>> -> memref<32x128xi32, #tpu.memory_space<hbm>>
      tpu.enqueue_dma source(%dma_start3A_31 : memref<32x128xi32, #tpu.memory_space<hbm>>) target(%arg8 : memref<32x128xi32, #tpu.memory_space<vmem>>) target_semaphore(%run_scoped3A : memref<!tpu.dma_semaphore, #tpu.memory_space<semaphore_mem>>)
      %dma_wait3A = arith.constant 0 : i32
      %dma_wait3A_32 = arith.constant 0 : i32
      %dma_wait3A_33 = tpu.memref_slice %arg4[%add3A, %dma_wait3A, %dma_wait3A_32] : memref<32x32x128xi32, #tpu.memory_space<hbm>> -> memref<1x32x128xi32, #tpu.memory_space<hbm>>
      %dma_wait3A_34 = tpu.memref_squeeze %dma_wait3A_33 : memref<1x32x128xi32, #tpu.memory_space<hbm>> -> memref<32x128xi32, #tpu.memory_space<hbm>>
      %dma_wait3A_35 = arith.constant 0 : i32
      %dma_wait3A_36 = arith.constant 0 : i32
      %dma_wait3A_37 = tpu.memref_slice %arg4[%add3A, %dma_wait3A_35, %dma_wait3A_36] : memref<32x32x128xi32, #tpu.memory_space<hbm>> -> memref<1x32x128xi32, #tpu.memory_space<hbm>>
      %dma_wait3A_38 = tpu.memref_squeeze %dma_wait3A_37 : memref<1x32x128xi32, #tpu.memory_space<hbm>> -> memref<32x128xi32, #tpu.memory_space<hbm>>
      tpu.wait_dma2 semaphore(%run_scoped3A : memref<!tpu.dma_semaphore, #tpu.memory_space<semaphore_mem>>) src(%dma_wait3A_38 : memref<32x128xi32, #tpu.memory_space<hbm>>) dst(%arg8 : memref<32x128xi32, #tpu.memory_space<vmem>>)
      tpu.yield
    }) : () -> ()
    %eq3A = arith.constant 0 : i32
    %eq3A_1 = arith.cmpi eq, %arg0, %eq3A : i32
    %convert_element_type3A = arith.extui %eq3A_1 : i1 to i32
    %cond3A = arith.constant 0 : i32
    %cond3A_2 = arith.cmpi ne, %convert_element_type3A, %cond3A : i32
    scf.if %cond3A_2 {
      %mul3A_24 = arith.constant 256 : i32
      %mul3A_25 = arith.muli %arg1, %mul3A_24 : i32
      %mul3A_26 = arith.constant 256 : i32
      %mul3A_27 = arith.muli %arg1, %mul3A_26 : i32
      "tpu.region"() ({
        %run_scoped3A = tpu.sem_alloc : memref<!tpu.dma_semaphore, #tpu.memory_space<semaphore_mem>>
        %dma_start3A_28 = arith.constant 0 : i32
        %dma_start3A_29 = tpu.memref_slice %arg11[%mul3A_27, %dma_start3A_28] : memref<4096x128xf32, #tpu.memory_space<vmem_shared>> -> memref<256x128xf32, #tpu.memory_space<vmem_shared>>
        %dma_start3A_30 = arith.constant 0 : i32
        %dma_start3A_31 = tpu.memref_slice %arg2[%mul3A_25, %dma_start3A_30] : memref<4096x128xf32, #tpu.memory_space<hbm>> -> memref<256x128xf32, #tpu.memory_space<hbm>>
        tpu.enqueue_dma source(%dma_start3A_31 : memref<256x128xf32, #tpu.memory_space<hbm>>) target(%dma_start3A_29 : memref<256x128xf32, #tpu.memory_space<vmem_shared>>) target_semaphore(%run_scoped3A : memref<!tpu.dma_semaphore, #tpu.memory_space<semaphore_mem>>)
        %dma_wait3A = arith.constant 0 : i32
        %dma_wait3A_32 = tpu.memref_slice %arg11[%mul3A_27, %dma_wait3A] : memref<4096x128xf32, #tpu.memory_space<vmem_shared>> -> memref<256x128xf32, #tpu.memory_space<vmem_shared>>
        %dma_wait3A_33 = arith.constant 0 : i32
        %dma_wait3A_34 = tpu.memref_slice %arg2[%mul3A_25, %dma_wait3A_33] : memref<4096x128xf32, #tpu.memory_space<hbm>> -> memref<256x128xf32, #tpu.memory_space<hbm>>
        tpu.wait_dma2 semaphore(%run_scoped3A : memref<!tpu.dma_semaphore, #tpu.memory_space<semaphore_mem>>) src(%dma_wait3A_34 : memref<256x128xf32, #tpu.memory_space<hbm>>) dst(%dma_wait3A_32 : memref<256x128xf32, #tpu.memory_space<vmem_shared>>)
        tpu.yield
      }) : () -> ()
    } else {
    }
    %ne3A = arith.constant 0 : i32
    %ne3A_3 = arith.cmpi ne, %arg0, %ne3A : i32
    %convert_element_type3A_4 = arith.extui %ne3A_3 : i1 to i32
    %cond3A_5 = arith.constant 0 : i32
    %cond3A_6 = arith.cmpi ne, %convert_element_type3A_4, %cond3A_5 : i32
    scf.if %cond3A_6 {
      %mul3A_24 = arith.constant 256 : i32
      %mul3A_25 = arith.muli %arg1, %mul3A_24 : i32
      "tpu.region"() ({
        %run_scoped3A = tpu.sem_alloc : memref<!tpu.dma_semaphore, #tpu.memory_space<semaphore_mem>>
        %dma_start3A_26 = arith.constant 0 : i32
        %dma_start3A_27 = tpu.memref_slice %arg11[%mul3A_25, %dma_start3A_26] : memref<4096x128xf32, #tpu.memory_space<vmem_shared>> -> memref<256x128xf32, #tpu.memory_space<vmem_shared>>
        tpu.enqueue_dma source(%arg5 : memref<256x128xf32, #tpu.memory_space<hbm>>) target(%dma_start3A_27 : memref<256x128xf32, #tpu.memory_space<vmem_shared>>) target_semaphore(%run_scoped3A : memref<!tpu.dma_semaphore, #tpu.memory_space<semaphore_mem>>)
        %dma_wait3A = arith.constant 0 : i32
        %dma_wait3A_28 = tpu.memref_slice %arg11[%mul3A_25, %dma_wait3A] : memref<4096x128xf32, #tpu.memory_space<vmem_shared>> -> memref<256x128xf32, #tpu.memory_space<vmem_shared>>
        tpu.wait_dma2 semaphore(%run_scoped3A : memref<!tpu.dma_semaphore, #tpu.memory_space<semaphore_mem>>) src(%arg5 : memref<256x128xf32, #tpu.memory_space<hbm>>) dst(%dma_wait3A_28 : memref<256x128xf32, #tpu.memory_space<vmem_shared>>)
        tpu.yield
      }) : () -> ()
    } else {
    }
    %barrier3A = arith.constant 0 : index
    tpu.barrier barrier_id(%barrier3A)
    %dma_start3A = arith.constant 0 : i32
    %dma_start3A_7 = arith.constant 0 : i32
    %dma_start3A_8 = tpu.memref_slice %arg7[%dma_start3A, %dma_start3A_7] : memref<32x128xi32, #tpu.memory_space<vmem>> -> memref<1x128xi32, #tpu.memory_space<vmem>>
    %dma_start3A_9 = tpu.memref_squeeze %dma_start3A_8 : memref<1x128xi32, #tpu.memory_space<vmem>> -> memref<128xi32, #tpu.memory_space<vmem>>
    %dma_start3A_10 = arith.constant 0 : i32
    %dma_start3A_11 = arith.constant 0 : i32
    %dma_start3A_12 = tpu.memref_slice %arg2[%dma_start3A_10, %dma_start3A_11] : memref<4096x128xf32, #tpu.memory_space<hbm>> -> memref<4096x128xf32, #tpu.memory_space<hbm>>
    tpu.enqueue_indirect_dma source(%dma_start3A_12 : memref<4096x128xf32, #tpu.memory_space<hbm>>) target(%arg9 : memref<128x128xf32, #tpu.memory_space<vmem>>) offsets(%dma_start3A_9 : memref<128xi32, #tpu.memory_space<vmem>>) semaphore(%arg12 : memref<!tpu.dma_semaphore, #tpu.memory_space<semaphore_mem>>)
    %scan3A = arith.constant 0 : i32
    %scan3A_13 = arith.constant 0 : i32
    %scan3A_14 = arith.constant 16 : i32
    %scan3A_15 = arith.addi %scan3A_13, %scan3A_14 : i32
    %scan3A_16 = arith.constant 1 : i32
    %scan3A_17 = scf.for %scan3A_24 = %scan3A_13 to %scan3A_15 step %scan3A_16 iter_args(%scan3A_25 = %scan3A) -> (i32)  : i32 {
      %mul3A_26 = arith.constant 2 : i32
      %mul3A_27 = arith.muli %mul3A_26, %scan3A_24 : i32
      %add3A_28 = arith.constant 1 : i32
      %add3A_29 = arith.addi %mul3A_27, %add3A_28 : i32
      %dma_start3A_30 = arith.constant 0 : i32
      %dma_start3A_31 = tpu.memref_slice %arg7[%add3A_29, %dma_start3A_30] : memref<32x128xi32, #tpu.memory_space<vmem>> -> memref<1x128xi32, #tpu.memory_space<vmem>>
      %dma_start3A_32 = tpu.memref_squeeze %dma_start3A_31 : memref<1x128xi32, #tpu.memory_space<vmem>> -> memref<128xi32, #tpu.memory_space<vmem>>
      %dma_start3A_33 = arith.constant 0 : i32
      %dma_start3A_34 = arith.constant 0 : i32
      %dma_start3A_35 = tpu.memref_slice %arg2[%dma_start3A_33, %dma_start3A_34] : memref<4096x128xf32, #tpu.memory_space<hbm>> -> memref<4096x128xf32, #tpu.memory_space<hbm>>
      tpu.enqueue_indirect_dma source(%dma_start3A_35 : memref<4096x128xf32, #tpu.memory_space<hbm>>) target(%arg10 : memref<128x128xf32, #tpu.memory_space<vmem>>) offsets(%dma_start3A_32 : memref<128xi32, #tpu.memory_space<vmem>>) semaphore(%arg13 : memref<!tpu.dma_semaphore, #tpu.memory_space<semaphore_mem>>)
      %dma_wait3A = arith.constant 0 : i32
      %dma_wait3A_36 = arith.constant 0 : i32
      %dma_wait3A_37 = tpu.memref_slice %arg7[%dma_wait3A, %dma_wait3A_36] : memref<32x128xi32, #tpu.memory_space<vmem>> -> memref<1x128xi32, #tpu.memory_space<vmem>>
      %dma_wait3A_38 = tpu.memref_squeeze %dma_wait3A_37 : memref<1x128xi32, #tpu.memory_space<vmem>> -> memref<128xi32, #tpu.memory_space<vmem>>
      %dma_wait3A_39 = arith.constant 0 : i32
      %dma_wait3A_40 = arith.constant 0 : i32
      %dma_wait3A_41 = tpu.memref_slice %arg2[%dma_wait3A_39, %dma_wait3A_40] : memref<4096x128xf32, #tpu.memory_space<hbm>> -> memref<4096x128xf32, #tpu.memory_space<hbm>>
      tpu.wait_indirect_dma semaphore(%arg12 : memref<!tpu.dma_semaphore, #tpu.memory_space<semaphore_mem>>) src(%dma_wait3A_41 : memref<4096x128xf32, #tpu.memory_space<hbm>>) dst(%arg9 : memref<128x128xf32, #tpu.memory_space<vmem>>)
      "tpu.region"() ({
        %run_scoped3A = tpu.sem_alloc : memref<!tpu.dma_semaphore, #tpu.memory_space<semaphore_mem>>
        %dma_start3A_58 = arith.constant 0 : i32
        %dma_start3A_59 = tpu.memref_slice %arg8[%mul3A_27, %dma_start3A_58] : memref<32x128xi32, #tpu.memory_space<vmem>> -> memref<1x128xi32, #tpu.memory_space<vmem>>
        %dma_start3A_60 = tpu.memref_squeeze %dma_start3A_59 : memref<1x128xi32, #tpu.memory_space<vmem>> -> memref<128xi32, #tpu.memory_space<vmem>>
        %dma_start3A_61 = arith.constant 0 : i32
        %dma_start3A_62 = arith.constant 0 : i32
        %dma_start3A_63 = tpu.memref_slice %arg11[%dma_start3A_61, %dma_start3A_62] : memref<4096x128xf32, #tpu.memory_space<vmem_shared>> -> memref<4096x128xf32, #tpu.memory_space<vmem_shared>>
        tpu.enqueue_indirect_dma source(%arg9 : memref<128x128xf32, #tpu.memory_space<vmem>>) target(%dma_start3A_63 : memref<4096x128xf32, #tpu.memory_space<vmem_shared>>) offsets(%dma_start3A_60 : memref<128xi32, #tpu.memory_space<vmem>>) semaphore(%run_scoped3A : memref<!tpu.dma_semaphore, #tpu.memory_space<semaphore_mem>>) {add = true}
        %dma_wait3A_64 = arith.constant 0 : i32
        %dma_wait3A_65 = tpu.memref_slice %arg8[%mul3A_27, %dma_wait3A_64] : memref<32x128xi32, #tpu.memory_space<vmem>> -> memref<1x128xi32, #tpu.memory_space<vmem>>
        %dma_wait3A_66 = tpu.memref_squeeze %dma_wait3A_65 : memref<1x128xi32, #tpu.memory_space<vmem>> -> memref<128xi32, #tpu.memory_space<vmem>>
        %dma_wait3A_67 = arith.constant 0 : i32
        %dma_wait3A_68 = arith.constant 0 : i32
        %dma_wait3A_69 = tpu.memref_slice %arg11[%dma_wait3A_67, %dma_wait3A_68] : memref<4096x128xf32, #tpu.memory_space<vmem_shared>> -> memref<4096x128xf32, #tpu.memory_space<vmem_shared>>
        tpu.wait_indirect_dma semaphore(%run_scoped3A : memref<!tpu.dma_semaphore, #tpu.memory_space<semaphore_mem>>) src(%arg9 : memref<128x128xf32, #tpu.memory_space<vmem>>) dst(%dma_wait3A_69 : memref<4096x128xf32, #tpu.memory_space<vmem_shared>>)
        tpu.yield
      }) : () -> ()
      %add3A_42 = arith.constant 2 : i32
      %add3A_43 = arith.addi %mul3A_27, %add3A_42 : i32
      %lt3A = arith.constant 32 : i32
      %lt3A_44 = arith.cmpi slt, %add3A_43, %lt3A : i32
      %convert_element_type3A_45 = arith.extui %lt3A_44 : i1 to i32
      %cond3A_46 = arith.constant 0 : i32
      %cond3A_47 = arith.cmpi ne, %convert_element_type3A_45, %cond3A_46 : i32
      scf.if %cond3A_47 {
        %add3A_58 = arith.constant 2 : i32
        %add3A_59 = arith.addi %mul3A_27, %add3A_58 : i32
        %dma_start3A_60 = arith.constant 0 : i32
        %dma_start3A_61 = tpu.memref_slice %arg7[%add3A_59, %dma_start3A_60] : memref<32x128xi32, #tpu.memory_space<vmem>> -> memref<1x128xi32, #tpu.memory_space<vmem>>
        %dma_start3A_62 = tpu.memref_squeeze %dma_start3A_61 : memref<1x128xi32, #tpu.memory_space<vmem>> -> memref<128xi32, #tpu.memory_space<vmem>>
        %dma_start3A_63 = arith.constant 0 : i32
        %dma_start3A_64 = arith.constant 0 : i32
        %dma_start3A_65 = tpu.memref_slice %arg2[%dma_start3A_63, %dma_start3A_64] : memref<4096x128xf32, #tpu.memory_space<hbm>> -> memref<4096x128xf32, #tpu.memory_space<hbm>>
        tpu.enqueue_indirect_dma source(%dma_start3A_65 : memref<4096x128xf32, #tpu.memory_space<hbm>>) target(%arg9 : memref<128x128xf32, #tpu.memory_space<vmem>>) offsets(%dma_start3A_62 : memref<128xi32, #tpu.memory_space<vmem>>) semaphore(%arg12 : memref<!tpu.dma_semaphore, #tpu.memory_space<semaphore_mem>>)
      } else {
      }
      %dma_wait3A_48 = arith.constant 0 : i32
      %dma_wait3A_49 = arith.constant 0 : i32
      %dma_wait3A_50 = tpu.memref_slice %arg7[%dma_wait3A_48, %dma_wait3A_49] : memref<32x128xi32, #tpu.memory_space<vmem>> -> memref<1x128xi32, #tpu.memory_space<vmem>>
      %dma_wait3A_51 = tpu.memref_squeeze %dma_wait3A_50 : memref<1x128xi32, #tpu.memory_space<vmem>> -> memref<128xi32, #tpu.memory_space<vmem>>
      %dma_wait3A_52 = arith.constant 0 : i32
      %dma_wait3A_53 = arith.constant 0 : i32
      %dma_wait3A_54 = tpu.memref_slice %arg2[%dma_wait3A_52, %dma_wait3A_53] : memref<4096x128xf32, #tpu.memory_space<hbm>> -> memref<4096x128xf32, #tpu.memory_space<hbm>>
      tpu.wait_indirect_dma semaphore(%arg13 : memref<!tpu.dma_semaphore, #tpu.memory_space<semaphore_mem>>) src(%dma_wait3A_54 : memref<4096x128xf32, #tpu.memory_space<hbm>>) dst(%arg10 : memref<128x128xf32, #tpu.memory_space<vmem>>)
      %add3A_55 = arith.constant 1 : i32
      %add3A_56 = arith.addi %mul3A_27, %add3A_55 : i32
      "tpu.region"() ({
        %run_scoped3A = tpu.sem_alloc : memref<!tpu.dma_semaphore, #tpu.memory_space<semaphore_mem>>
        %dma_start3A_58 = arith.constant 0 : i32
        %dma_start3A_59 = tpu.memref_slice %arg8[%add3A_56, %dma_start3A_58] : memref<32x128xi32, #tpu.memory_space<vmem>> -> memref<1x128xi32, #tpu.memory_space<vmem>>
        %dma_start3A_60 = tpu.memref_squeeze %dma_start3A_59 : memref<1x128xi32, #tpu.memory_space<vmem>> -> memref<128xi32, #tpu.memory_space<vmem>>
        %dma_start3A_61 = arith.constant 0 : i32
        %dma_start3A_62 = arith.constant 0 : i32
        %dma_start3A_63 = tpu.memref_slice %arg11[%dma_start3A_61, %dma_start3A_62] : memref<4096x128xf32, #tpu.memory_space<vmem_shared>> -> memref<4096x128xf32, #tpu.memory_space<vmem_shared>>
        tpu.enqueue_indirect_dma source(%arg10 : memref<128x128xf32, #tpu.memory_space<vmem>>) target(%dma_start3A_63 : memref<4096x128xf32, #tpu.memory_space<vmem_shared>>) offsets(%dma_start3A_60 : memref<128xi32, #tpu.memory_space<vmem>>) semaphore(%run_scoped3A : memref<!tpu.dma_semaphore, #tpu.memory_space<semaphore_mem>>) {add = true}
        %dma_wait3A_64 = arith.constant 0 : i32
        %dma_wait3A_65 = tpu.memref_slice %arg8[%add3A_56, %dma_wait3A_64] : memref<32x128xi32, #tpu.memory_space<vmem>> -> memref<1x128xi32, #tpu.memory_space<vmem>>
        %dma_wait3A_66 = tpu.memref_squeeze %dma_wait3A_65 : memref<1x128xi32, #tpu.memory_space<vmem>> -> memref<128xi32, #tpu.memory_space<vmem>>
        %dma_wait3A_67 = arith.constant 0 : i32
        %dma_wait3A_68 = arith.constant 0 : i32
        %dma_wait3A_69 = tpu.memref_slice %arg11[%dma_wait3A_67, %dma_wait3A_68] : memref<4096x128xf32, #tpu.memory_space<vmem_shared>> -> memref<4096x128xf32, #tpu.memory_space<vmem_shared>>
        tpu.wait_indirect_dma semaphore(%run_scoped3A : memref<!tpu.dma_semaphore, #tpu.memory_space<semaphore_mem>>) src(%arg10 : memref<128x128xf32, #tpu.memory_space<vmem>>) dst(%dma_wait3A_69 : memref<4096x128xf32, #tpu.memory_space<vmem_shared>>)
        tpu.yield
      }) : () -> ()
      %scan3A_57 = arith.constant 0 : i32
      scf.yield %scan3A_57 : i32
    }
    %scan3A_18 = arith.constant 16 : i32
    %barrier3A_19 = arith.constant 0 : index
    tpu.barrier barrier_id(%barrier3A_19)
    %mul3A_20 = arith.constant 256 : i32
    %mul3A_21 = arith.muli %arg1, %mul3A_20 : i32
    %mul3A_22 = arith.constant 256 : i32
    %mul3A_23 = arith.muli %arg1, %mul3A_22 : i32
    "tpu.region"() ({
      %run_scoped3A = tpu.sem_alloc : memref<!tpu.dma_semaphore, #tpu.memory_space<semaphore_mem>>
      %dma_start3A_24 = arith.constant 0 : i32
      %dma_start3A_25 = tpu.memref_slice %arg6[%arg0, %mul3A_23, %dma_start3A_24] : memref<2x4096x128xf32, #tpu.memory_space<hbm>> -> memref<1x256x128xf32, #tpu.memory_space<hbm>>
      %dma_start3A_26 = tpu.memref_squeeze %dma_start3A_25 : memref<1x256x128xf32, #tpu.memory_space<hbm>> -> memref<256x128xf32, #tpu.memory_space<hbm>>
      %dma_start3A_27 = arith.constant 0 : i32
      %dma_start3A_28 = tpu.memref_slice %arg11[%mul3A_21, %dma_start3A_27] : memref<4096x128xf32, #tpu.memory_space<vmem_shared>> -> memref<256x128xf32, #tpu.memory_space<vmem_shared>>
      tpu.enqueue_dma source(%dma_start3A_28 : memref<256x128xf32, #tpu.memory_space<vmem_shared>>) target(%dma_start3A_26 : memref<256x128xf32, #tpu.memory_space<hbm>>) target_semaphore(%run_scoped3A : memref<!tpu.dma_semaphore, #tpu.memory_space<semaphore_mem>>)
      %dma_wait3A = arith.constant 0 : i32
      %dma_wait3A_29 = tpu.memref_slice %arg6[%arg0, %mul3A_23, %dma_wait3A] : memref<2x4096x128xf32, #tpu.memory_space<hbm>> -> memref<1x256x128xf32, #tpu.memory_space<hbm>>
      %dma_wait3A_30 = tpu.memref_squeeze %dma_wait3A_29 : memref<1x256x128xf32, #tpu.memory_space<hbm>> -> memref<256x128xf32, #tpu.memory_space<hbm>>
      %dma_wait3A_31 = arith.constant 0 : i32
      %dma_wait3A_32 = tpu.memref_slice %arg11[%mul3A_21, %dma_wait3A_31] : memref<4096x128xf32, #tpu.memory_space<vmem_shared>> -> memref<256x128xf32, #tpu.memory_space<vmem_shared>>
      tpu.wait_dma2 semaphore(%run_scoped3A : memref<!tpu.dma_semaphore, #tpu.memory_space<semaphore_mem>>) src(%dma_wait3A_32 : memref<256x128xf32, #tpu.memory_space<vmem_shared>>) dst(%dma_wait3A_30 : memref<256x128xf32, #tpu.memory_space<hbm>>)
      tpu.yield
    }) : () -> ()
    return
  }
}

#map = affine_map<(d0, d1) -> (0, 0, 0)>
#map1 = affine_map<(d0, d1) -> (0, 0)>
module attributes {stable_mosaic.version = 14 : i64} {
  func.func @deg_kernel(%arg0: i32, %arg1: i32, %arg2: memref<32x32x128xi32, #tpu.memory_space<hbm>>, %arg3: memref<256x128xf32, #tpu.memory_space<hbm>>, %arg4: memref<128x128xf32, #tpu.memory_space<hbm>>, %arg5: memref<2x4096x128xf32, #tpu.memory_space<hbm>>, %arg6: memref<32x128xi32, #tpu.memory_space<vmem>>, %arg7: memref<128x128xf32, #tpu.memory_space<vmem>>, %arg8: memref<4096x128xf32, #tpu.memory_space<vmem_shared>>, %arg9: memref<!tpu.dma_semaphore, #tpu.memory_space<semaphore_mem>>) attributes {dimension_semantics = [#tpu.dimension_semantics<core_parallel>, #tpu.dimension_semantics<subcore_parallel>], iteration_bounds = array<i64: 2, 16>, scalar_prefetch = 0 : i64, scratch_operands = 4 : i64, tpu.core_type = #tpu.core_type<sc_vector_subcore>, window_params = [{transform_indices = #map}, {transform_indices = #map1}, {transform_indices = #map1}, {transform_indices = #map}]} {
    %mul3A = arith.constant 16 : i32
    %mul3A_0 = arith.muli %arg0, %mul3A : i32
    %add3A = arith.addi %mul3A_0, %arg1 : i32
    "tpu.region"() ({
      %run_scoped3A = tpu.sem_alloc : memref<!tpu.dma_semaphore, #tpu.memory_space<semaphore_mem>>
      tpu.enqueue_dma source(%arg4 : memref<128x128xf32, #tpu.memory_space<hbm>>) target(%arg7 : memref<128x128xf32, #tpu.memory_space<vmem>>) target_semaphore(%run_scoped3A : memref<!tpu.dma_semaphore, #tpu.memory_space<semaphore_mem>>)
      tpu.wait_dma2 semaphore(%run_scoped3A : memref<!tpu.dma_semaphore, #tpu.memory_space<semaphore_mem>>) src(%arg4 : memref<128x128xf32, #tpu.memory_space<hbm>>) dst(%arg7 : memref<128x128xf32, #tpu.memory_space<vmem>>)
      tpu.yield
    }) : () -> ()
    "tpu.region"() ({
      %run_scoped3A = tpu.sem_alloc : memref<!tpu.dma_semaphore, #tpu.memory_space<semaphore_mem>>
      %dma_start3A = arith.constant 0 : i32
      %dma_start3A_21 = arith.constant 0 : i32
      %dma_start3A_22 = tpu.memref_slice %arg2[%add3A, %dma_start3A, %dma_start3A_21] : memref<32x32x128xi32, #tpu.memory_space<hbm>> -> memref<1x32x128xi32, #tpu.memory_space<hbm>>
      %dma_start3A_23 = tpu.memref_squeeze %dma_start3A_22 : memref<1x32x128xi32, #tpu.memory_space<hbm>> -> memref<32x128xi32, #tpu.memory_space<hbm>>
      %dma_start3A_24 = arith.constant 0 : i32
      %dma_start3A_25 = arith.constant 0 : i32
      %dma_start3A_26 = tpu.memref_slice %arg2[%add3A, %dma_start3A_24, %dma_start3A_25] : memref<32x32x128xi32, #tpu.memory_space<hbm>> -> memref<1x32x128xi32, #tpu.memory_space<hbm>>
      %dma_start3A_27 = tpu.memref_squeeze %dma_start3A_26 : memref<1x32x128xi32, #tpu.memory_space<hbm>> -> memref<32x128xi32, #tpu.memory_space<hbm>>
      tpu.enqueue_dma source(%dma_start3A_27 : memref<32x128xi32, #tpu.memory_space<hbm>>) target(%arg6 : memref<32x128xi32, #tpu.memory_space<vmem>>) target_semaphore(%run_scoped3A : memref<!tpu.dma_semaphore, #tpu.memory_space<semaphore_mem>>)
      %dma_wait3A = arith.constant 0 : i32
      %dma_wait3A_28 = arith.constant 0 : i32
      %dma_wait3A_29 = tpu.memref_slice %arg2[%add3A, %dma_wait3A, %dma_wait3A_28] : memref<32x32x128xi32, #tpu.memory_space<hbm>> -> memref<1x32x128xi32, #tpu.memory_space<hbm>>
      %dma_wait3A_30 = tpu.memref_squeeze %dma_wait3A_29 : memref<1x32x128xi32, #tpu.memory_space<hbm>> -> memref<32x128xi32, #tpu.memory_space<hbm>>
      %dma_wait3A_31 = arith.constant 0 : i32
      %dma_wait3A_32 = arith.constant 0 : i32
      %dma_wait3A_33 = tpu.memref_slice %arg2[%add3A, %dma_wait3A_31, %dma_wait3A_32] : memref<32x32x128xi32, #tpu.memory_space<hbm>> -> memref<1x32x128xi32, #tpu.memory_space<hbm>>
      %dma_wait3A_34 = tpu.memref_squeeze %dma_wait3A_33 : memref<1x32x128xi32, #tpu.memory_space<hbm>> -> memref<32x128xi32, #tpu.memory_space<hbm>>
      tpu.wait_dma2 semaphore(%run_scoped3A : memref<!tpu.dma_semaphore, #tpu.memory_space<semaphore_mem>>) src(%dma_wait3A_34 : memref<32x128xi32, #tpu.memory_space<hbm>>) dst(%arg6 : memref<32x128xi32, #tpu.memory_space<vmem>>)
      tpu.yield
    }) : () -> ()
    %mul3A_1 = arith.constant 256 : i32
    %mul3A_2 = arith.muli %arg1, %mul3A_1 : i32
    "tpu.region"() ({
      %run_scoped3A = tpu.sem_alloc : memref<!tpu.dma_semaphore, #tpu.memory_space<semaphore_mem>>
      %dma_start3A = arith.constant 0 : i32
      %dma_start3A_21 = tpu.memref_slice %arg8[%mul3A_2, %dma_start3A] : memref<4096x128xf32, #tpu.memory_space<vmem_shared>> -> memref<256x128xf32, #tpu.memory_space<vmem_shared>>
      tpu.enqueue_dma source(%arg3 : memref<256x128xf32, #tpu.memory_space<hbm>>) target(%dma_start3A_21 : memref<256x128xf32, #tpu.memory_space<vmem_shared>>) target_semaphore(%run_scoped3A : memref<!tpu.dma_semaphore, #tpu.memory_space<semaphore_mem>>)
      %dma_wait3A = arith.constant 0 : i32
      %dma_wait3A_22 = tpu.memref_slice %arg8[%mul3A_2, %dma_wait3A] : memref<4096x128xf32, #tpu.memory_space<vmem_shared>> -> memref<256x128xf32, #tpu.memory_space<vmem_shared>>
      tpu.wait_dma2 semaphore(%run_scoped3A : memref<!tpu.dma_semaphore, #tpu.memory_space<semaphore_mem>>) src(%arg3 : memref<256x128xf32, #tpu.memory_space<hbm>>) dst(%dma_wait3A_22 : memref<256x128xf32, #tpu.memory_space<vmem_shared>>)
      tpu.yield
    }) : () -> ()
    %barrier3A = arith.constant 0 : index
    tpu.barrier barrier_id(%barrier3A)
    %scan3A = arith.constant 0 : i32
    %scan3A_3 = arith.constant 0 : i32
    %scan3A_4 = arith.constant 32 : i32
    %scan3A_5 = arith.addi %scan3A_3, %scan3A_4 : i32
    %scan3A_6 = arith.constant 1 : i32
    %scan3A_7 = scf.for %scan3A_21 = %scan3A_3 to %scan3A_5 step %scan3A_6 iter_args(%scan3A_22 = %scan3A) -> (i32)  : i32 {
      %dma_start3A = arith.constant 0 : i32
      %dma_start3A_23 = tpu.memref_slice %arg6[%scan3A_21, %dma_start3A] : memref<32x128xi32, #tpu.memory_space<vmem>> -> memref<1x128xi32, #tpu.memory_space<vmem>>
      %dma_start3A_24 = tpu.memref_squeeze %dma_start3A_23 : memref<1x128xi32, #tpu.memory_space<vmem>> -> memref<128xi32, #tpu.memory_space<vmem>>
      %dma_start3A_25 = arith.constant 0 : i32
      %dma_start3A_26 = arith.constant 0 : i32
      %dma_start3A_27 = tpu.memref_slice %arg8[%dma_start3A_25, %dma_start3A_26] : memref<4096x128xf32, #tpu.memory_space<vmem_shared>> -> memref<4096x128xf32, #tpu.memory_space<vmem_shared>>
      tpu.enqueue_indirect_dma source(%arg7 : memref<128x128xf32, #tpu.memory_space<vmem>>) target(%dma_start3A_27 : memref<4096x128xf32, #tpu.memory_space<vmem_shared>>) offsets(%dma_start3A_24 : memref<128xi32, #tpu.memory_space<vmem>>) semaphore(%arg9 : memref<!tpu.dma_semaphore, #tpu.memory_space<semaphore_mem>>) {add = true}
      %scan3A_28 = arith.constant 0 : i32
      scf.yield %scan3A_28 : i32
    }
    %scan3A_8 = arith.constant 32 : i32
    %scan3A_9 = arith.constant 0 : i32
    %scan3A_10 = arith.constant 0 : i32
    %scan3A_11 = arith.constant 32 : i32
    %scan3A_12 = arith.addi %scan3A_10, %scan3A_11 : i32
    %scan3A_13 = arith.constant 1 : i32
    %scan3A_14 = scf.for %scan3A_21 = %scan3A_10 to %scan3A_12 step %scan3A_13 iter_args(%scan3A_22 = %scan3A_9) -> (i32)  : i32 {
      tpu.wait_dma2 semaphore(%arg9 : memref<!tpu.dma_semaphore, #tpu.memory_space<semaphore_mem>>) src(%arg4 : memref<128x128xf32, #tpu.memory_space<hbm>>) dst(%arg7 : memref<128x128xf32, #tpu.memory_space<vmem>>)
      %scan3A_23 = arith.constant 0 : i32
      scf.yield %scan3A_23 : i32
    }
    %scan3A_15 = arith.constant 32 : i32
    %barrier3A_16 = arith.constant 0 : index
    tpu.barrier barrier_id(%barrier3A_16)
    %mul3A_17 = arith.constant 256 : i32
    %mul3A_18 = arith.muli %arg1, %mul3A_17 : i32
    %mul3A_19 = arith.constant 256 : i32
    %mul3A_20 = arith.muli %arg1, %mul3A_19 : i32
    "tpu.region"() ({
      %run_scoped3A = tpu.sem_alloc : memref<!tpu.dma_semaphore, #tpu.memory_space<semaphore_mem>>
      %dma_start3A = arith.constant 0 : i32
      %dma_start3A_21 = tpu.memref_slice %arg5[%arg0, %mul3A_20, %dma_start3A] : memref<2x4096x128xf32, #tpu.memory_space<hbm>> -> memref<1x256x128xf32, #tpu.memory_space<hbm>>
      %dma_start3A_22 = tpu.memref_squeeze %dma_start3A_21 : memref<1x256x128xf32, #tpu.memory_space<hbm>> -> memref<256x128xf32, #tpu.memory_space<hbm>>
      %dma_start3A_23 = arith.constant 0 : i32
      %dma_start3A_24 = tpu.memref_slice %arg8[%mul3A_18, %dma_start3A_23] : memref<4096x128xf32, #tpu.memory_space<vmem_shared>> -> memref<256x128xf32, #tpu.memory_space<vmem_shared>>
      tpu.enqueue_dma source(%dma_start3A_24 : memref<256x128xf32, #tpu.memory_space<vmem_shared>>) target(%dma_start3A_22 : memref<256x128xf32, #tpu.memory_space<hbm>>) target_semaphore(%run_scoped3A : memref<!tpu.dma_semaphore, #tpu.memory_space<semaphore_mem>>)
      %dma_wait3A = arith.constant 0 : i32
      %dma_wait3A_25 = tpu.memref_slice %arg5[%arg0, %mul3A_20, %dma_wait3A] : memref<2x4096x128xf32, #tpu.memory_space<hbm>> -> memref<1x256x128xf32, #tpu.memory_space<hbm>>
      %dma_wait3A_26 = tpu.memref_squeeze %dma_wait3A_25 : memref<1x256x128xf32, #tpu.memory_space<hbm>> -> memref<256x128xf32, #tpu.memory_space<hbm>>
      %dma_wait3A_27 = arith.constant 0 : i32
      %dma_wait3A_28 = tpu.memref_slice %arg8[%mul3A_18, %dma_wait3A_27] : memref<4096x128xf32, #tpu.memory_space<vmem_shared>> -> memref<256x128xf32, #tpu.memory_space<vmem_shared>>
      tpu.wait_dma2 semaphore(%run_scoped3A : memref<!tpu.dma_semaphore, #tpu.memory_space<semaphore_mem>>) src(%dma_wait3A_28 : memref<256x128xf32, #tpu.memory_space<vmem_shared>>) dst(%dma_wait3A_26 : memref<256x128xf32, #tpu.memory_space<hbm>>)
      tpu.yield
    }) : () -> ()
    return
  }
}

module attributes {stable_mosaic.version = 14 : i64} {
  func.func @_mid_body(%arg0: i32, %arg1: memref<256x2xf32, #tpu.memory_space<vmem>>, %arg2: memref<2x256x128xf32, #tpu.memory_space<vmem>>, %arg3: memref<128x256xf32, #tpu.memory_space<vmem>>, %arg4: memref<1x256xf32, #tpu.memory_space<vmem>>, %arg5: memref<256x128xf32, #tpu.memory_space<vmem>>, %arg6: memref<256x128xf32, #tpu.memory_space<vmem>>) attributes {dimension_semantics = [#tpu.dimension_semantics<arbitrary>], iteration_bounds = array<i64: 16>, scalar_prefetch = 0 : i64, scratch_operands = 0 : i64, tpu.core_type = #tpu.core_type<tc>, window_params = [{transform_indices = @transform_0, window_bounds = array<i64: 256, 2>}, {transform_indices = @transform_1, window_bounds = array<i64: 2, 256, 128>}, {pipeline_mode = #tpu.pipeline_mode<synchronous>, transform_indices = @transform_2, window_bounds = array<i64: 128, 256>}, {pipeline_mode = #tpu.pipeline_mode<synchronous>, transform_indices = @transform_3, window_bounds = array<i64: 1, 256>}, {pipeline_mode = #tpu.pipeline_mode<synchronous>, transform_indices = @transform_4, window_bounds = array<i64: 256, 128>}, {transform_indices = @transform_5, window_bounds = array<i64: 256, 128>}]} {
    %get3A = arith.constant 0 : index
    %get3A_0 = arith.constant 0 : index
    %get3A_1 = vector.load %arg1[%get3A, %get3A_0] : memref<256x2xf32, #tpu.memory_space<vmem>>, vector<256x1xf32>
    %get3A_2 = arith.constant 0 : index
    %get3A_3 = arith.constant 1 : index
    %get3A_4 = vector.load %arg1[%get3A_2, %get3A_3] : memref<256x2xf32, #tpu.memory_space<vmem>>, vector<256x1xf32>
    %add3A = arith.addf %get3A_1, %get3A_4 : vector<256x1xf32>
    %add3A_5 = arith.constant 1.000000e+00 : f32
    %add3A_6 = vector.broadcast %add3A_5 : f32 to vector<256x1xf32>
    %add3A_7 = arith.addf %add3A, %add3A_6 : vector<256x1xf32>
    %rsqrt3A = math.rsqrt %add3A_7 : vector<256x1xf32>
    %get3A_8 = arith.constant 0 : index
    %get3A_9 = arith.constant 0 : index
    %get3A_10 = arith.constant 0 : index
    %get3A_11 = vector.load %arg2[%get3A_8, %get3A_9, %get3A_10] : memref<2x256x128xf32, #tpu.memory_space<vmem>>, vector<2x256x128xf32>
    %slice3A = vector.extract_strided_slice %get3A_11 {offsets = [0, 0, 0], sizes = [1, 256, 128], strides = [1, 1, 1]} : vector<2x256x128xf32> to vector<1x256x128xf32>
    %squeeze3A = vector.shape_cast %slice3A : vector<1x256x128xf32> to vector<256x128xf32>
    %slice3A_12 = vector.extract_strided_slice %get3A_11 {offsets = [1, 0, 0], sizes = [1, 256, 128], strides = [1, 1, 1]} : vector<2x256x128xf32> to vector<1x256x128xf32>
    %squeeze3A_13 = vector.shape_cast %slice3A_12 : vector<1x256x128xf32> to vector<256x128xf32>
    %add3A_14 = arith.addf %squeeze3A, %squeeze3A_13 : vector<256x128xf32>
    %mul3A = vector.broadcast %rsqrt3A : vector<256x1xf32> to vector<256x128xf32>
    %mul3A_15 = arith.mulf %mul3A, %add3A_14 : vector<256x128xf32>
    %get3A_16 = arith.constant 0 : index
    %get3A_17 = arith.constant 0 : index
    %get3A_18 = vector.load %arg3[%get3A_16, %get3A_17] : memref<128x256xf32, #tpu.memory_space<vmem>>, vector<128x256xf32>
    %dot_general3A = arith.constant dense<0.000000e+00> : vector<256x256xf32>
    %dot_general3A_19 = tpu.matmul %mul3A_15, %get3A_18, %dot_general3A {dimension_numbers = #tpu.dot_dimension_numbers<[1], [0], [0], [1], [0, 0, 1, 1], [], []>, transpose_lhs_hint = false} : vector<256x128xf32>, vector<128x256xf32>, vector<256x256xf32> -> vector<256x256xf32>
    %get3A_20 = arith.constant 0 : index
    %get3A_21 = arith.constant 0 : index
    %get3A_22 = vector.load %arg4[%get3A_20, %get3A_21] : memref<1x256xf32, #tpu.memory_space<vmem>>, vector<1x256xf32>
    %add3A_23 = vector.broadcast %get3A_22 : vector<1x256xf32> to vector<256x256xf32>
    %add3A_24 = arith.addf %dot_general3A_19, %add3A_23 : vector<256x256xf32>
    %max3A = arith.constant 0.000000e+00 : f32
    %max3A_25 = vector.broadcast %max3A : f32 to vector<256x256xf32>
    %max3A_26 = arith.maximumf %add3A_24, %max3A_25 : vector<256x256xf32>
    %get3A_27 = arith.constant 0 : index
    %get3A_28 = arith.constant 0 : index
    %get3A_29 = vector.load %arg5[%get3A_27, %get3A_28] : memref<256x128xf32, #tpu.memory_space<vmem>>, vector<256x128xf32>
    %dot_general3A_30 = arith.constant dense<0.000000e+00> : vector<256x128xf32>
    %dot_general3A_31 = tpu.matmul %max3A_26, %get3A_29, %dot_general3A_30 {dimension_numbers = #tpu.dot_dimension_numbers<[1], [0], [0], [1], [0, 0, 1, 1], [], []>, transpose_lhs_hint = false} : vector<256x256xf32>, vector<256x128xf32>, vector<256x128xf32> -> vector<256x128xf32>
    %mul3A_32 = vector.broadcast %rsqrt3A : vector<256x1xf32> to vector<256x128xf32>
    %mul3A_33 = arith.mulf %mul3A_32, %dot_general3A_31 : vector<256x128xf32>
    %swap3A = arith.constant 0 : index
    %swap3A_34 = arith.constant 0 : index
    %swap3A_35 = vector.load %arg6[%swap3A, %swap3A_34] : memref<256x128xf32, #tpu.memory_space<vmem>>, vector<256x128xf32>
    tpu.vector_store %arg6[%swap3A, %swap3A_34], %mul3A_33 {strides = array<i32>} : memref<256x128xf32, #tpu.memory_space<vmem>>, vector<256x128xf32>,
    return
  }
  func.func @transform_0(%arg0: i32) -> (i32, i32) {
    %c0_i32 = arith.constant 0 : i32
    %c0_i32_0 = arith.constant 0 : i32
    return %arg0, %c0_i32 : i32, i32
  }
  func.func @transform_1(%arg0: i32) -> (i32, i32, i32) {
    %c0_i32 = arith.constant 0 : i32
    %c0_i32_0 = arith.constant 0 : i32
    %c0_i32_1 = arith.constant 0 : i32
    return %c0_i32, %arg0, %c0_i32_0 : i32, i32, i32
  }
  func.func @transform_2(%arg0: i32) -> (i32, i32) {
    %c0_i32 = arith.constant 0 : i32
    %c0_i32_0 = arith.constant 0 : i32
    %c0_i32_1 = arith.constant 0 : i32
    return %c0_i32, %c0_i32_0 : i32, i32
  }
  func.func @transform_3(%arg0: i32) -> (i32, i32) {
    %c0_i32 = arith.constant 0 : i32
    %c0_i32_0 = arith.constant 0 : i32
    %c0_i32_1 = arith.constant 0 : i32
    return %c0_i32, %c0_i32_0 : i32, i32
  }
  func.func @transform_4(%arg0: i32) -> (i32, i32) {
    %c0_i32 = arith.constant 0 : i32
    %c0_i32_0 = arith.constant 0 : i32
    %c0_i32_1 = arith.constant 0 : i32
    return %c0_i32, %c0_i32_0 : i32, i32
  }
  func.func @transform_5(%arg0: i32) -> (i32, i32) {
    %c0_i32 = arith.constant 0 : i32
    %c0_i32_0 = arith.constant 0 : i32
    return %arg0, %c0_i32 : i32, i32
  }
}

module attributes {stable_mosaic.version = 14 : i64} {
  func.func @_mol_body(%arg0: i32, %arg1: memref<32x2xf32, #tpu.memory_space<vmem>>, %arg2: memref<32x32x128xf32, #tpu.memory_space<vmem>>, %arg3: memref<32x2x128xi32, #tpu.memory_space<vmem>>, %arg4: memref<128x256xbf16, #tpu.memory_space<vmem>>, %arg5: memref<1x256xf32, #tpu.memory_space<vmem>>, %arg6: memref<256x256xbf16, #tpu.memory_space<vmem>>, %arg7: memref<1x256xf32, #tpu.memory_space<vmem>>, %arg8: memref<256x128xbf16, #tpu.memory_space<vmem>>, %arg9: memref<1x128xf32, #tpu.memory_space<vmem>>, %arg10: memref<32x128xf32, #tpu.memory_space<vmem>>) attributes {dimension_semantics = [#tpu.dimension_semantics<arbitrary>], iteration_bounds = array<i64: 128>, scalar_prefetch = 0 : i64, scratch_operands = 0 : i64, tpu.core_type = #tpu.core_type<tc>, window_params = [{transform_indices = @transform_0, window_bounds = array<i64: 32, 2>}, {transform_indices = @transform_1, window_bounds = array<i64: 32, 32, 128>}, {transform_indices = @transform_2, window_bounds = array<i64: 32, 2, 128>}, {pipeline_mode = #tpu.pipeline_mode<synchronous>, transform_indices = @transform_3, window_bounds = array<i64: 128, 256>}, {pipeline_mode = #tpu.pipeline_mode<synchronous>, transform_indices = @transform_4, window_bounds = array<i64: 1, 256>}, {pipeline_mode = #tpu.pipeline_mode<synchronous>, transform_indices = @transform_5, window_bounds = array<i64: 256, 256>}, {pipeline_mode = #tpu.pipeline_mode<synchronous>, transform_indices = @transform_6, window_bounds = array<i64: 1, 256>}, {pipeline_mode = #tpu.pipeline_mode<synchronous>, transform_indices = @transform_7, window_bounds = array<i64: 256, 128>}, {pipeline_mode = #tpu.pipeline_mode<synchronous>, transform_indices = @transform_8, window_bounds = array<i64: 1, 128>}, {transform_indices = @transform_9, window_bounds = array<i64: 32, 128>}]} {
    %get3A = arith.constant 0 : index
    %get3A_0 = arith.constant 0 : index
    %get3A_1 = arith.constant 0 : index
    %get3A_2 = vector.load %arg2[%get3A, %get3A_0, %get3A_1] : memref<32x32x128xf32, #tpu.memory_space<vmem>>, vector<32x32x128xf32>
    %reshape3A = vector.shape_cast %get3A_2 : vector<32x32x128xf32> to vector<1024x128xf32>
    %get3A_3 = arith.constant 0 : index
    %get3A_4 = arith.constant 0 : index
    %get3A_5 = arith.constant 0 : index
    %get3A_6 = vector.load %arg3[%get3A_3, %get3A_4, %get3A_5] : memref<32x2x128xi32, #tpu.memory_space<vmem>>, vector<32x2x128xi32>
    %convert_element_type3A = arith.sitofp %get3A_6 : vector<32x2x128xi32> to vector<32x2x128xbf16>
    %iota3A = tpu.iota {dimensions = array<i32: 2>} : vector<4x128x128xi32>
    %iota3A_7 = tpu.iota {dimensions = array<i32: 0>} : vector<4x128x128xi32>
    %mul3A = arith.constant 32 : i32
    %mul3A_8 = vector.broadcast %mul3A : i32 to vector<4x128x128xi32>
    %mul3A_9 = arith.muli %mul3A_8, %iota3A_7 : vector<4x128x128xi32>
    %sub3A = arith.subi %iota3A, %mul3A_9 : vector<4x128x128xi32>
    %convert_element_type3A_10 = arith.sitofp %sub3A : vector<4x128x128xi32> to vector<4x128x128xbf16>
    %iota3A_11 = tpu.iota {dimensions = array<i32: 0>} : vector<128x128xi32>
    %iota3A_12 = tpu.iota {dimensions = array<i32: 1>} : vector<128x128xi32>
    %eq3A = arith.cmpi eq, %iota3A_11, %iota3A_12 : vector<128x128xi32>
    %convert_element_type3A_13 = arith.extui %eq3A : vector<128x128xi1> to vector<128x128xi32>
    %convert_element_type3A_14 = arith.sitofp %convert_element_type3A_13 : vector<128x128xi32> to vector<128x128xf32>
    %slice3A = vector.extract_strided_slice %convert_element_type3A {offsets = [0, 0, 0], sizes = [4, 1, 128], strides = [1, 1, 1]} : vector<32x2x128xbf16> to vector<4x1x128xbf16>
    %squeeze3A = vector.shape_cast %slice3A : vector<4x1x128xbf16> to vector<4x128xbf16>
    %slice3A_15 = vector.extract_strided_slice %convert_element_type3A {offsets = [0, 1, 0], sizes = [4, 1, 128], strides = [1, 1, 1]} : vector<32x2x128xbf16> to vector<4x1x128xbf16>
    %squeeze3A_16 = vector.shape_cast %slice3A_15 : vector<4x1x128xbf16> to vector<4x128xbf16>
    %broadcast_in_dim3A = vector.shape_cast %squeeze3A : vector<4x128xbf16> to vector<4x128x1xbf16>
    %eq3A_17 = vector.broadcast %broadcast_in_dim3A : vector<4x128x1xbf16> to vector<4x128x128xbf16>
    %eq3A_18 = arith.cmpf oeq, %eq3A_17, %convert_element_type3A_10 : vector<4x128x128xbf16>
    %convert_element_type3A_19 = arith.extui %eq3A_18 : vector<4x128x128xi1> to vector<4x128x128xi8>
    %reshape3A_20 = vector.shape_cast %convert_element_type3A_19 : vector<4x128x128xi8> to vector<512x128xi8>
    %broadcast_in_dim3A_21 = vector.shape_cast %squeeze3A_16 : vector<4x128xbf16> to vector<4x128x1xbf16>
    %eq3A_22 = vector.broadcast %broadcast_in_dim3A_21 : vector<4x128x1xbf16> to vector<4x128x128xbf16>
    %eq3A_23 = arith.cmpf oeq, %eq3A_22, %convert_element_type3A_10 : vector<4x128x128xbf16>
    %convert_element_type3A_24 = arith.extui %eq3A_23 : vector<4x128x128xi1> to vector<4x128x128xi8>
    %reshape3A_25 = vector.shape_cast %convert_element_type3A_24 : vector<4x128x128xi8> to vector<512x128xi8>
    %dot_general3A = arith.constant dense<0> : vector<128x128xi32>
    %dot_general3A_26 = tpu.matmul %reshape3A_25, %reshape3A_20, %dot_general3A {dimension_numbers = #tpu.dot_dimension_numbers<[0], [0], [1], [1], [0, 1, 1, 1], [], []>, transpose_lhs_hint = false} : vector<512x128xi8>, vector<512x128xi8>, vector<128x128xi32> -> vector<128x128xi32>
    %convert_element_type3A_27 = arith.sitofp %dot_general3A_26 : vector<128x128xi32> to vector<128x128xf32>
    %reduce_sum3A = arith.constant dense<0.000000e+00> : vector<128xf32>
    %reduce_sum3A_28 = vector.multi_reduction <add>, %convert_element_type3A_27, %reduce_sum3A [1] : vector<128x128xf32> to vector<128xf32>
    %broadcast_in_dim3A_29 = vector.shape_cast %reduce_sum3A_28 : vector<128xf32> to vector<128x1xf32>
    %add3A = arith.constant 1.000000e+00 : f32
    %add3A_30 = vector.broadcast %add3A : f32 to vector<128x1xf32>
    %add3A_31 = arith.addf %broadcast_in_dim3A_29, %add3A_30 : vector<128x1xf32>
    %rsqrt3A = math.rsqrt %add3A_31 : vector<128x1xf32>
    %add3A_32 = arith.addf %convert_element_type3A_27, %convert_element_type3A_14 : vector<128x128xf32>
    %mul3A_33 = vector.broadcast %rsqrt3A : vector<128x1xf32> to vector<128x128xf32>
    %mul3A_34 = arith.mulf %add3A_32, %mul3A_33 : vector<128x128xf32>
    %convert_element_type3A_35 = arith.truncf %mul3A_34 : vector<128x128xf32> to vector<128x128xbf16>
    %slice3A_36 = vector.extract_strided_slice %convert_element_type3A {offsets = [4, 0, 0], sizes = [4, 1, 128], strides = [1, 1, 1]} : vector<32x2x128xbf16> to vector<4x1x128xbf16>
    %squeeze3A_37 = vector.shape_cast %slice3A_36 : vector<4x1x128xbf16> to vector<4x128xbf16>
    %slice3A_38 = vector.extract_strided_slice %convert_element_type3A {offsets = [4, 1, 0], sizes = [4, 1, 128], strides = [1, 1, 1]} : vector<32x2x128xbf16> to vector<4x1x128xbf16>
    %squeeze3A_39 = vector.shape_cast %slice3A_38 : vector<4x1x128xbf16> to vector<4x128xbf16>
    %broadcast_in_dim3A_40 = vector.shape_cast %squeeze3A_37 : vector<4x128xbf16> to vector<4x128x1xbf16>
    %eq3A_41 = vector.broadcast %broadcast_in_dim3A_40 : vector<4x128x1xbf16> to vector<4x128x128xbf16>
    %eq3A_42 = arith.cmpf oeq, %eq3A_41, %convert_element_type3A_10 : vector<4x128x128xbf16>
    %convert_element_type3A_43 = arith.extui %eq3A_42 : vector<4x128x128xi1> to vector<4x128x128xi8>
    %reshape3A_44 = vector.shape_cast %convert_element_type3A_43 : vector<4x128x128xi8> to vector<512x128xi8>
    %broadcast_in_dim3A_45 = vector.shape_cast %squeeze3A_39 : vector<4x128xbf16> to vector<4x128x1xbf16>
    %eq3A_46 = vector.broadcast %broadcast_in_dim3A_45 : vector<4x128x1xbf16> to vector<4x128x128xbf16>
    %eq3A_47 = arith.cmpf oeq, %eq3A_46, %convert_element_type3A_10 : vector<4x128x128xbf16>
    %convert_element_type3A_48 = arith.extui %eq3A_47 : vector<4x128x128xi1> to vector<4x128x128xi8>
    %reshape3A_49 = vector.shape_cast %convert_element_type3A_48 : vector<4x128x128xi8> to vector<512x128xi8>
    %dot_general3A_50 = arith.constant dense<0> : vector<128x128xi32>
    %dot_general3A_51 = tpu.matmul %reshape3A_49, %reshape3A_44, %dot_general3A_50 {dimension_numbers = #tpu.dot_dimension_numbers<[0], [0], [1], [1], [0, 1, 1, 1], [], []>, transpose_lhs_hint = false} : vector<512x128xi8>, vector<512x128xi8>, vector<128x128xi32> -> vector<128x128xi32>
    %convert_element_type3A_52 = arith.sitofp %dot_general3A_51 : vector<128x128xi32> to vector<128x128xf32>
    %reduce_sum3A_53 = arith.constant dense<0.000000e+00> : vector<128xf32>
    %reduce_sum3A_54 = vector.multi_reduction <add>, %convert_element_type3A_52, %reduce_sum3A_53 [1] : vector<128x128xf32> to vector<128xf32>
    %broadcast_in_dim3A_55 = vector.shape_cast %reduce_sum3A_54 : vector<128xf32> to vector<128x1xf32>
    %add3A_56 = arith.constant 1.000000e+00 : f32
    %add3A_57 = vector.broadcast %add3A_56 : f32 to vector<128x1xf32>
    %add3A_58 = arith.addf %broadcast_in_dim3A_55, %add3A_57 : vector<128x1xf32>
    %rsqrt3A_59 = math.rsqrt %add3A_58 : vector<128x1xf32>
    %add3A_60 = arith.addf %convert_element_type3A_52, %convert_element_type3A_14 : vector<128x128xf32>
    %mul3A_61 = vector.broadcast %rsqrt3A_59 : vector<128x1xf32> to vector<128x128xf32>
    %mul3A_62 = arith.mulf %add3A_60, %mul3A_61 : vector<128x128xf32>
    %convert_element_type3A_63 = arith.truncf %mul3A_62 : vector<128x128xf32> to vector<128x128xbf16>
    %slice3A_64 = vector.extract_strided_slice %convert_element_type3A {offsets = [8, 0, 0], sizes = [4, 1, 128], strides = [1, 1, 1]} : vector<32x2x128xbf16> to vector<4x1x128xbf16>
    %squeeze3A_65 = vector.shape_cast %slice3A_64 : vector<4x1x128xbf16> to vector<4x128xbf16>
    %slice3A_66 = vector.extract_strided_slice %convert_element_type3A {offsets = [8, 1, 0], sizes = [4, 1, 128], strides = [1, 1, 1]} : vector<32x2x128xbf16> to vector<4x1x128xbf16>
    %squeeze3A_67 = vector.shape_cast %slice3A_66 : vector<4x1x128xbf16> to vector<4x128xbf16>
    %broadcast_in_dim3A_68 = vector.shape_cast %squeeze3A_65 : vector<4x128xbf16> to vector<4x128x1xbf16>
    %eq3A_69 = vector.broadcast %broadcast_in_dim3A_68 : vector<4x128x1xbf16> to vector<4x128x128xbf16>
    %eq3A_70 = arith.cmpf oeq, %eq3A_69, %convert_element_type3A_10 : vector<4x128x128xbf16>
    %convert_element_type3A_71 = arith.extui %eq3A_70 : vector<4x128x128xi1> to vector<4x128x128xi8>
    %reshape3A_72 = vector.shape_cast %convert_element_type3A_71 : vector<4x128x128xi8> to vector<512x128xi8>
    %broadcast_in_dim3A_73 = vector.shape_cast %squeeze3A_67 : vector<4x128xbf16> to vector<4x128x1xbf16>
    %eq3A_74 = vector.broadcast %broadcast_in_dim3A_73 : vector<4x128x1xbf16> to vector<4x128x128xbf16>
    %eq3A_75 = arith.cmpf oeq, %eq3A_74, %convert_element_type3A_10 : vector<4x128x128xbf16>
    %convert_element_type3A_76 = arith.extui %eq3A_75 : vector<4x128x128xi1> to vector<4x128x128xi8>
    %reshape3A_77 = vector.shape_cast %convert_element_type3A_76 : vector<4x128x128xi8> to vector<512x128xi8>
    %dot_general3A_78 = arith.constant dense<0> : vector<128x128xi32>
    %dot_general3A_79 = tpu.matmul %reshape3A_77, %reshape3A_72, %dot_general3A_78 {dimension_numbers = #tpu.dot_dimension_numbers<[0], [0], [1], [1], [0, 1, 1, 1], [], []>, transpose_lhs_hint = false} : vector<512x128xi8>, vector<512x128xi8>, vector<128x128xi32> -> vector<128x128xi32>
    %convert_element_type3A_80 = arith.sitofp %dot_general3A_79 : vector<128x128xi32> to vector<128x128xf32>
    %reduce_sum3A_81 = arith.constant dense<0.000000e+00> : vector<128xf32>
    %reduce_sum3A_82 = vector.multi_reduction <add>, %convert_element_type3A_80, %reduce_sum3A_81 [1] : vector<128x128xf32> to vector<128xf32>
    %broadcast_in_dim3A_83 = vector.shape_cast %reduce_sum3A_82 : vector<128xf32> to vector<128x1xf32>
    %add3A_84 = arith.constant 1.000000e+00 : f32
    %add3A_85 = vector.broadcast %add3A_84 : f32 to vector<128x1xf32>
    %add3A_86 = arith.addf %broadcast_in_dim3A_83, %add3A_85 : vector<128x1xf32>
    %rsqrt3A_87 = math.rsqrt %add3A_86 : vector<128x1xf32>
    %add3A_88 = arith.addf %convert_element_type3A_80, %convert_element_type3A_14 : vector<128x128xf32>
    %mul3A_89 = vector.broadcast %rsqrt3A_87 : vector<128x1xf32> to vector<128x128xf32>
    %mul3A_90 = arith.mulf %add3A_88, %mul3A_89 : vector<128x128xf32>
    %convert_element_type3A_91 = arith.truncf %mul3A_90 : vector<128x128xf32> to vector<128x128xbf16>
    %slice3A_92 = vector.extract_strided_slice %convert_element_type3A {offsets = [12, 0, 0], sizes = [4, 1, 128], strides = [1, 1, 1]} : vector<32x2x128xbf16> to vector<4x1x128xbf16>
    %squeeze3A_93 = vector.shape_cast %slice3A_92 : vector<4x1x128xbf16> to vector<4x128xbf16>
    %slice3A_94 = vector.extract_strided_slice %convert_element_type3A {offsets = [12, 1, 0], sizes = [4, 1, 128], strides = [1, 1, 1]} : vector<32x2x128xbf16> to vector<4x1x128xbf16>
    %squeeze3A_95 = vector.shape_cast %slice3A_94 : vector<4x1x128xbf16> to vector<4x128xbf16>
    %broadcast_in_dim3A_96 = vector.shape_cast %squeeze3A_93 : vector<4x128xbf16> to vector<4x128x1xbf16>
    %eq3A_97 = vector.broadcast %broadcast_in_dim3A_96 : vector<4x128x1xbf16> to vector<4x128x128xbf16>
    %eq3A_98 = arith.cmpf oeq, %eq3A_97, %convert_element_type3A_10 : vector<4x128x128xbf16>
    %convert_element_type3A_99 = arith.extui %eq3A_98 : vector<4x128x128xi1> to vector<4x128x128xi8>
    %reshape3A_100 = vector.shape_cast %convert_element_type3A_99 : vector<4x128x128xi8> to vector<512x128xi8>
    %broadcast_in_dim3A_101 = vector.shape_cast %squeeze3A_95 : vector<4x128xbf16> to vector<4x128x1xbf16>
    %eq3A_102 = vector.broadcast %broadcast_in_dim3A_101 : vector<4x128x1xbf16> to vector<4x128x128xbf16>
    %eq3A_103 = arith.cmpf oeq, %eq3A_102, %convert_element_type3A_10 : vector<4x128x128xbf16>
    %convert_element_type3A_104 = arith.extui %eq3A_103 : vector<4x128x128xi1> to vector<4x128x128xi8>
    %reshape3A_105 = vector.shape_cast %convert_element_type3A_104 : vector<4x128x128xi8> to vector<512x128xi8>
    %dot_general3A_106 = arith.constant dense<0> : vector<128x128xi32>
    %dot_general3A_107 = tpu.matmul %reshape3A_105, %reshape3A_100, %dot_general3A_106 {dimension_numbers = #tpu.dot_dimension_numbers<[0], [0], [1], [1], [0, 1, 1, 1], [], []>, transpose_lhs_hint = false} : vector<512x128xi8>, vector<512x128xi8>, vector<128x128xi32> -> vector<128x128xi32>
    %convert_element_type3A_108 = arith.sitofp %dot_general3A_107 : vector<128x128xi32> to vector<128x128xf32>
    %reduce_sum3A_109 = arith.constant dense<0.000000e+00> : vector<128xf32>
    %reduce_sum3A_110 = vector.multi_reduction <add>, %convert_element_type3A_108, %reduce_sum3A_109 [1] : vector<128x128xf32> to vector<128xf32>
    %broadcast_in_dim3A_111 = vector.shape_cast %reduce_sum3A_110 : vector<128xf32> to vector<128x1xf32>
    %add3A_112 = arith.constant 1.000000e+00 : f32
    %add3A_113 = vector.broadcast %add3A_112 : f32 to vector<128x1xf32>
    %add3A_114 = arith.addf %broadcast_in_dim3A_111, %add3A_113 : vector<128x1xf32>
    %rsqrt3A_115 = math.rsqrt %add3A_114 : vector<128x1xf32>
    %add3A_116 = arith.addf %convert_element_type3A_108, %convert_element_type3A_14 : vector<128x128xf32>
    %mul3A_117 = vector.broadcast %rsqrt3A_115 : vector<128x1xf32> to vector<128x128xf32>
    %mul3A_118 = arith.mulf %add3A_116, %mul3A_117 : vector<128x128xf32>
    %convert_element_type3A_119 = arith.truncf %mul3A_118 : vector<128x128xf32> to vector<128x128xbf16>
    %slice3A_120 = vector.extract_strided_slice %convert_element_type3A {offsets = [16, 0, 0], sizes = [4, 1, 128], strides = [1, 1, 1]} : vector<32x2x128xbf16> to vector<4x1x128xbf16>
    %squeeze3A_121 = vector.shape_cast %slice3A_120 : vector<4x1x128xbf16> to vector<4x128xbf16>
    %slice3A_122 = vector.extract_strided_slice %convert_element_type3A {offsets = [16, 1, 0], sizes = [4, 1, 128], strides = [1, 1, 1]} : vector<32x2x128xbf16> to vector<4x1x128xbf16>
    %squeeze3A_123 = vector.shape_cast %slice3A_122 : vector<4x1x128xbf16> to vector<4x128xbf16>
    %broadcast_in_dim3A_124 = vector.shape_cast %squeeze3A_121 : vector<4x128xbf16> to vector<4x128x1xbf16>
    %eq3A_125 = vector.broadcast %broadcast_in_dim3A_124 : vector<4x128x1xbf16> to vector<4x128x128xbf16>
    %eq3A_126 = arith.cmpf oeq, %eq3A_125, %convert_element_type3A_10 : vector<4x128x128xbf16>
    %convert_element_type3A_127 = arith.extui %eq3A_126 : vector<4x128x128xi1> to vector<4x128x128xi8>
    %reshape3A_128 = vector.shape_cast %convert_element_type3A_127 : vector<4x128x128xi8> to vector<512x128xi8>
    %broadcast_in_dim3A_129 = vector.shape_cast %squeeze3A_123 : vector<4x128xbf16> to vector<4x128x1xbf16>
    %eq3A_130 = vector.broadcast %broadcast_in_dim3A_129 : vector<4x128x1xbf16> to vector<4x128x128xbf16>
    %eq3A_131 = arith.cmpf oeq, %eq3A_130, %convert_element_type3A_10 : vector<4x128x128xbf16>
    %convert_element_type3A_132 = arith.extui %eq3A_131 : vector<4x128x128xi1> to vector<4x128x128xi8>
    %reshape3A_133 = vector.shape_cast %convert_element_type3A_132 : vector<4x128x128xi8> to vector<512x128xi8>
    %dot_general3A_134 = arith.constant dense<0> : vector<128x128xi32>
    %dot_general3A_135 = tpu.matmul %reshape3A_133, %reshape3A_128, %dot_general3A_134 {dimension_numbers = #tpu.dot_dimension_numbers<[0], [0], [1], [1], [0, 1, 1, 1], [], []>, transpose_lhs_hint = false} : vector<512x128xi8>, vector<512x128xi8>, vector<128x128xi32> -> vector<128x128xi32>
    %convert_element_type3A_136 = arith.sitofp %dot_general3A_135 : vector<128x128xi32> to vector<128x128xf32>
    %reduce_sum3A_137 = arith.constant dense<0.000000e+00> : vector<128xf32>
    %reduce_sum3A_138 = vector.multi_reduction <add>, %convert_element_type3A_136, %reduce_sum3A_137 [1] : vector<128x128xf32> to vector<128xf32>
    %broadcast_in_dim3A_139 = vector.shape_cast %reduce_sum3A_138 : vector<128xf32> to vector<128x1xf32>
    %add3A_140 = arith.constant 1.000000e+00 : f32
    %add3A_141 = vector.broadcast %add3A_140 : f32 to vector<128x1xf32>
    %add3A_142 = arith.addf %broadcast_in_dim3A_139, %add3A_141 : vector<128x1xf32>
    %rsqrt3A_143 = math.rsqrt %add3A_142 : vector<128x1xf32>
    %add3A_144 = arith.addf %convert_element_type3A_136, %convert_element_type3A_14 : vector<128x128xf32>
    %mul3A_145 = vector.broadcast %rsqrt3A_143 : vector<128x1xf32> to vector<128x128xf32>
    %mul3A_146 = arith.mulf %add3A_144, %mul3A_145 : vector<128x128xf32>
    %convert_element_type3A_147 = arith.truncf %mul3A_146 : vector<128x128xf32> to vector<128x128xbf16>
    %slice3A_148 = vector.extract_strided_slice %convert_element_type3A {offsets = [20, 0, 0], sizes = [4, 1, 128], strides = [1, 1, 1]} : vector<32x2x128xbf16> to vector<4x1x128xbf16>
    %squeeze3A_149 = vector.shape_cast %slice3A_148 : vector<4x1x128xbf16> to vector<4x128xbf16>
    %slice3A_150 = vector.extract_strided_slice %convert_element_type3A {offsets = [20, 1, 0], sizes = [4, 1, 128], strides = [1, 1, 1]} : vector<32x2x128xbf16> to vector<4x1x128xbf16>
    %squeeze3A_151 = vector.shape_cast %slice3A_150 : vector<4x1x128xbf16> to vector<4x128xbf16>
    %broadcast_in_dim3A_152 = vector.shape_cast %squeeze3A_149 : vector<4x128xbf16> to vector<4x128x1xbf16>
    %eq3A_153 = vector.broadcast %broadcast_in_dim3A_152 : vector<4x128x1xbf16> to vector<4x128x128xbf16>
    %eq3A_154 = arith.cmpf oeq, %eq3A_153, %convert_element_type3A_10 : vector<4x128x128xbf16>
    %convert_element_type3A_155 = arith.extui %eq3A_154 : vector<4x128x128xi1> to vector<4x128x128xi8>
    %reshape3A_156 = vector.shape_cast %convert_element_type3A_155 : vector<4x128x128xi8> to vector<512x128xi8>
    %broadcast_in_dim3A_157 = vector.shape_cast %squeeze3A_151 : vector<4x128xbf16> to vector<4x128x1xbf16>
    %eq3A_158 = vector.broadcast %broadcast_in_dim3A_157 : vector<4x128x1xbf16> to vector<4x128x128xbf16>
    %eq3A_159 = arith.cmpf oeq, %eq3A_158, %convert_element_type3A_10 : vector<4x128x128xbf16>
    %convert_element_type3A_160 = arith.extui %eq3A_159 : vector<4x128x128xi1> to vector<4x128x128xi8>
    %reshape3A_161 = vector.shape_cast %convert_element_type3A_160 : vector<4x128x128xi8> to vector<512x128xi8>
    %dot_general3A_162 = arith.constant dense<0> : vector<128x128xi32>
    %dot_general3A_163 = tpu.matmul %reshape3A_161, %reshape3A_156, %dot_general3A_162 {dimension_numbers = #tpu.dot_dimension_numbers<[0], [0], [1], [1], [0, 1, 1, 1], [], []>, transpose_lhs_hint = false} : vector<512x128xi8>, vector<512x128xi8>, vector<128x128xi32> -> vector<128x128xi32>
    %convert_element_type3A_164 = arith.sitofp %dot_general3A_163 : vector<128x128xi32> to vector<128x128xf32>
    %reduce_sum3A_165 = arith.constant dense<0.000000e+00> : vector<128xf32>
    %reduce_sum3A_166 = vector.multi_reduction <add>, %convert_element_type3A_164, %reduce_sum3A_165 [1] : vector<128x128xf32> to vector<128xf32>
    %broadcast_in_dim3A_167 = vector.shape_cast %reduce_sum3A_166 : vector<128xf32> to vector<128x1xf32>
    %add3A_168 = arith.constant 1.000000e+00 : f32
    %add3A_169 = vector.broadcast %add3A_168 : f32 to vector<128x1xf32>
    %add3A_170 = arith.addf %broadcast_in_dim3A_167, %add3A_169 : vector<128x1xf32>
    %rsqrt3A_171 = math.rsqrt %add3A_170 : vector<128x1xf32>
    %add3A_172 = arith.addf %convert_element_type3A_164, %convert_element_type3A_14 : vector<128x128xf32>
    %mul3A_173 = vector.broadcast %rsqrt3A_171 : vector<128x1xf32> to vector<128x128xf32>
    %mul3A_174 = arith.mulf %add3A_172, %mul3A_173 : vector<128x128xf32>
    %convert_element_type3A_175 = arith.truncf %mul3A_174 : vector<128x128xf32> to vector<128x128xbf16>
    %slice3A_176 = vector.extract_strided_slice %convert_element_type3A {offsets = [24, 0, 0], sizes = [4, 1, 128], strides = [1, 1, 1]} : vector<32x2x128xbf16> to vector<4x1x128xbf16>
    %squeeze3A_177 = vector.shape_cast %slice3A_176 : vector<4x1x128xbf16> to vector<4x128xbf16>
    %slice3A_178 = vector.extract_strided_slice %convert_element_type3A {offsets = [24, 1, 0], sizes = [4, 1, 128], strides = [1, 1, 1]} : vector<32x2x128xbf16> to vector<4x1x128xbf16>
    %squeeze3A_179 = vector.shape_cast %slice3A_178 : vector<4x1x128xbf16> to vector<4x128xbf16>
    %broadcast_in_dim3A_180 = vector.shape_cast %squeeze3A_177 : vector<4x128xbf16> to vector<4x128x1xbf16>
    %eq3A_181 = vector.broadcast %broadcast_in_dim3A_180 : vector<4x128x1xbf16> to vector<4x128x128xbf16>
    %eq3A_182 = arith.cmpf oeq, %eq3A_181, %convert_element_type3A_10 : vector<4x128x128xbf16>
    %convert_element_type3A_183 = arith.extui %eq3A_182 : vector<4x128x128xi1> to vector<4x128x128xi8>
    %reshape3A_184 = vector.shape_cast %convert_element_type3A_183 : vector<4x128x128xi8> to vector<512x128xi8>
    %broadcast_in_dim3A_185 = vector.shape_cast %squeeze3A_179 : vector<4x128xbf16> to vector<4x128x1xbf16>
    %eq3A_186 = vector.broadcast %broadcast_in_dim3A_185 : vector<4x128x1xbf16> to vector<4x128x128xbf16>
    %eq3A_187 = arith.cmpf oeq, %eq3A_186, %convert_element_type3A_10 : vector<4x128x128xbf16>
    %convert_element_type3A_188 = arith.extui %eq3A_187 : vector<4x128x128xi1> to vector<4x128x128xi8>
    %reshape3A_189 = vector.shape_cast %convert_element_type3A_188 : vector<4x128x128xi8> to vector<512x128xi8>
    %dot_general3A_190 = arith.constant dense<0> : vector<128x128xi32>
    %dot_general3A_191 = tpu.matmul %reshape3A_189, %reshape3A_184, %dot_general3A_190 {dimension_numbers = #tpu.dot_dimension_numbers<[0], [0], [1], [1], [0, 1, 1, 1], [], []>, transpose_lhs_hint = false} : vector<512x128xi8>, vector<512x128xi8>, vector<128x128xi32> -> vector<128x128xi32>
    %convert_element_type3A_192 = arith.sitofp %dot_general3A_191 : vector<128x128xi32> to vector<128x128xf32>
    %reduce_sum3A_193 = arith.constant dense<0.000000e+00> : vector<128xf32>
    %reduce_sum3A_194 = vector.multi_reduction <add>, %convert_element_type3A_192, %reduce_sum3A_193 [1] : vector<128x128xf32> to vector<128xf32>
    %broadcast_in_dim3A_195 = vector.shape_cast %reduce_sum3A_194 : vector<128xf32> to vector<128x1xf32>
    %add3A_196 = arith.constant 1.000000e+00 : f32
    %add3A_197 = vector.broadcast %add3A_196 : f32 to vector<128x1xf32>
    %add3A_198 = arith.addf %broadcast_in_dim3A_195, %add3A_197 : vector<128x1xf32>
    %rsqrt3A_199 = math.rsqrt %add3A_198 : vector<128x1xf32>
    %add3A_200 = arith.addf %convert_element_type3A_192, %convert_element_type3A_14 : vector<128x128xf32>
    %mul3A_201 = vector.broadcast %rsqrt3A_199 : vector<128x1xf32> to vector<128x128xf32>
    %mul3A_202 = arith.mulf %add3A_200, %mul3A_201 : vector<128x128xf32>
    %convert_element_type3A_203 = arith.truncf %mul3A_202 : vector<128x128xf32> to vector<128x128xbf16>
    %slice3A_204 = vector.extract_strided_slice %convert_element_type3A {offsets = [28, 0, 0], sizes = [4, 1, 128], strides = [1, 1, 1]} : vector<32x2x128xbf16> to vector<4x1x128xbf16>
    %squeeze3A_205 = vector.shape_cast %slice3A_204 : vector<4x1x128xbf16> to vector<4x128xbf16>
    %slice3A_206 = vector.extract_strided_slice %convert_element_type3A {offsets = [28, 1, 0], sizes = [4, 1, 128], strides = [1, 1, 1]} : vector<32x2x128xbf16> to vector<4x1x128xbf16>
    %squeeze3A_207 = vector.shape_cast %slice3A_206 : vector<4x1x128xbf16> to vector<4x128xbf16>
    %broadcast_in_dim3A_208 = vector.shape_cast %squeeze3A_205 : vector<4x128xbf16> to vector<4x128x1xbf16>
    %eq3A_209 = vector.broadcast %broadcast_in_dim3A_208 : vector<4x128x1xbf16> to vector<4x128x128xbf16>
    %eq3A_210 = arith.cmpf oeq, %eq3A_209, %convert_element_type3A_10 : vector<4x128x128xbf16>
    %convert_element_type3A_211 = arith.extui %eq3A_210 : vector<4x128x128xi1> to vector<4x128x128xi8>
    %reshape3A_212 = vector.shape_cast %convert_element_type3A_211 : vector<4x128x128xi8> to vector<512x128xi8>
    %broadcast_in_dim3A_213 = vector.shape_cast %squeeze3A_207 : vector<4x128xbf16> to vector<4x128x1xbf16>
    %eq3A_214 = vector.broadcast %broadcast_in_dim3A_213 : vector<4x128x1xbf16> to vector<4x128x128xbf16>
    %eq3A_215 = arith.cmpf oeq, %eq3A_214, %convert_element_type3A_10 : vector<4x128x128xbf16>
    %convert_element_type3A_216 = arith.extui %eq3A_215 : vector<4x128x128xi1> to vector<4x128x128xi8>
    %reshape3A_217 = vector.shape_cast %convert_element_type3A_216 : vector<4x128x128xi8> to vector<512x128xi8>
    %dot_general3A_218 = arith.constant dense<0> : vector<128x128xi32>
    %dot_general3A_219 = tpu.matmul %reshape3A_217, %reshape3A_212, %dot_general3A_218 {dimension_numbers = #tpu.dot_dimension_numbers<[0], [0], [1], [1], [0, 1, 1, 1], [], []>, transpose_lhs_hint = false} : vector<512x128xi8>, vector<512x128xi8>, vector<128x128xi32> -> vector<128x128xi32>
    %convert_element_type3A_220 = arith.sitofp %dot_general3A_219 : vector<128x128xi32> to vector<128x128xf32>
    %reduce_sum3A_221 = arith.constant dense<0.000000e+00> : vector<128xf32>
    %reduce_sum3A_222 = vector.multi_reduction <add>, %convert_element_type3A_220, %reduce_sum3A_221 [1] : vector<128x128xf32> to vector<128xf32>
    %broadcast_in_dim3A_223 = vector.shape_cast %reduce_sum3A_222 : vector<128xf32> to vector<128x1xf32>
    %add3A_224 = arith.constant 1.000000e+00 : f32
    %add3A_225 = vector.broadcast %add3A_224 : f32 to vector<128x1xf32>
    %add3A_226 = arith.addf %broadcast_in_dim3A_223, %add3A_225 : vector<128x1xf32>
    %rsqrt3A_227 = math.rsqrt %add3A_226 : vector<128x1xf32>
    %add3A_228 = arith.addf %convert_element_type3A_220, %convert_element_type3A_14 : vector<128x128xf32>
    %mul3A_229 = vector.broadcast %rsqrt3A_227 : vector<128x1xf32> to vector<128x128xf32>
    %mul3A_230 = arith.mulf %add3A_228, %mul3A_229 : vector<128x128xf32>
    %convert_element_type3A_231 = arith.truncf %mul3A_230 : vector<128x128xf32> to vector<128x128xbf16>
    %slice3A_232 = vector.extract_strided_slice %reshape3A {offsets = [0, 0], sizes = [128, 128], strides = [1, 1]} : vector<1024x128xf32> to vector<128x128xf32>
    %mul3A_233 = vector.broadcast %rsqrt3A : vector<128x1xf32> to vector<128x128xf32>
    %mul3A_234 = arith.mulf %mul3A_233, %slice3A_232 : vector<128x128xf32>
    %convert_element_type3A_235 = arith.truncf %mul3A_234 : vector<128x128xf32> to vector<128x128xbf16>
    %dot_general3A_236 = arith.constant dense<0.000000e+00> : vector<128x128xf32>
    %dot_general3A_237 = tpu.matmul %convert_element_type3A_35, %convert_element_type3A_235, %dot_general3A_236 {dimension_numbers = #tpu.dot_dimension_numbers<[1], [0], [0], [1], [0, 0, 1, 1], [], []>, transpose_lhs_hint = false} : vector<128x128xbf16>, vector<128x128xbf16>, vector<128x128xf32> -> vector<128x128xf32>
    %slice3A_238 = vector.extract_strided_slice %reshape3A {offsets = [128, 0], sizes = [128, 128], strides = [1, 1]} : vector<1024x128xf32> to vector<128x128xf32>
    %mul3A_239 = vector.broadcast %rsqrt3A_59 : vector<128x1xf32> to vector<128x128xf32>
    %mul3A_240 = arith.mulf %mul3A_239, %slice3A_238 : vector<128x128xf32>
    %convert_element_type3A_241 = arith.truncf %mul3A_240 : vector<128x128xf32> to vector<128x128xbf16>
    %dot_general3A_242 = arith.constant dense<0.000000e+00> : vector<128x128xf32>
    %dot_general3A_243 = tpu.matmul %convert_element_type3A_63, %convert_element_type3A_241, %dot_general3A_242 {dimension_numbers = #tpu.dot_dimension_numbers<[1], [0], [0], [1], [0, 0, 1, 1], [], []>, transpose_lhs_hint = false} : vector<128x128xbf16>, vector<128x128xbf16>, vector<128x128xf32> -> vector<128x128xf32>
    %slice3A_244 = vector.extract_strided_slice %reshape3A {offsets = [256, 0], sizes = [128, 128], strides = [1, 1]} : vector<1024x128xf32> to vector<128x128xf32>
    %mul3A_245 = vector.broadcast %rsqrt3A_87 : vector<128x1xf32> to vector<128x128xf32>
    %mul3A_246 = arith.mulf %mul3A_245, %slice3A_244 : vector<128x128xf32>
    %convert_element_type3A_247 = arith.truncf %mul3A_246 : vector<128x128xf32> to vector<128x128xbf16>
    %dot_general3A_248 = arith.constant dense<0.000000e+00> : vector<128x128xf32>
    %dot_general3A_249 = tpu.matmul %convert_element_type3A_91, %convert_element_type3A_247, %dot_general3A_248 {dimension_numbers = #tpu.dot_dimension_numbers<[1], [0], [0], [1], [0, 0, 1, 1], [], []>, transpose_lhs_hint = false} : vector<128x128xbf16>, vector<128x128xbf16>, vector<128x128xf32> -> vector<128x128xf32>
    %slice3A_250 = vector.extract_strided_slice %reshape3A {offsets = [384, 0], sizes = [128, 128], strides = [1, 1]} : vector<1024x128xf32> to vector<128x128xf32>
    %mul3A_251 = vector.broadcast %rsqrt3A_115 : vector<128x1xf32> to vector<128x128xf32>
    %mul3A_252 = arith.mulf %mul3A_251, %slice3A_250 : vector<128x128xf32>
    %convert_element_type3A_253 = arith.truncf %mul3A_252 : vector<128x128xf32> to vector<128x128xbf16>
    %dot_general3A_254 = arith.constant dense<0.000000e+00> : vector<128x128xf32>
    %dot_general3A_255 = tpu.matmul %convert_element_type3A_119, %convert_element_type3A_253, %dot_general3A_254 {dimension_numbers = #tpu.dot_dimension_numbers<[1], [0], [0], [1], [0, 0, 1, 1], [], []>, transpose_lhs_hint = false} : vector<128x128xbf16>, vector<128x128xbf16>, vector<128x128xf32> -> vector<128x128xf32>
    %slice3A_256 = vector.extract_strided_slice %reshape3A {offsets = [512, 0], sizes = [128, 128], strides = [1, 1]} : vector<1024x128xf32> to vector<128x128xf32>
    %mul3A_257 = vector.broadcast %rsqrt3A_143 : vector<128x1xf32> to vector<128x128xf32>
    %mul3A_258 = arith.mulf %mul3A_257, %slice3A_256 : vector<128x128xf32>
    %convert_element_type3A_259 = arith.truncf %mul3A_258 : vector<128x128xf32> to vector<128x128xbf16>
    %dot_general3A_260 = arith.constant dense<0.000000e+00> : vector<128x128xf32>
    %dot_general3A_261 = tpu.matmul %convert_element_type3A_147, %convert_element_type3A_259, %dot_general3A_260 {dimension_numbers = #tpu.dot_dimension_numbers<[1], [0], [0], [1], [0, 0, 1, 1], [], []>, transpose_lhs_hint = false} : vector<128x128xbf16>, vector<128x128xbf16>, vector<128x128xf32> -> vector<128x128xf32>
    %slice3A_262 = vector.extract_strided_slice %reshape3A {offsets = [640, 0], sizes = [128, 128], strides = [1, 1]} : vector<1024x128xf32> to vector<128x128xf32>
    %mul3A_263 = vector.broadcast %rsqrt3A_171 : vector<128x1xf32> to vector<128x128xf32>
    %mul3A_264 = arith.mulf %mul3A_263, %slice3A_262 : vector<128x128xf32>
    %convert_element_type3A_265 = arith.truncf %mul3A_264 : vector<128x128xf32> to vector<128x128xbf16>
    %dot_general3A_266 = arith.constant dense<0.000000e+00> : vector<128x128xf32>
    %dot_general3A_267 = tpu.matmul %convert_element_type3A_175, %convert_element_type3A_265, %dot_general3A_266 {dimension_numbers = #tpu.dot_dimension_numbers<[1], [0], [0], [1], [0, 0, 1, 1], [], []>, transpose_lhs_hint = false} : vector<128x128xbf16>, vector<128x128xbf16>, vector<128x128xf32> -> vector<128x128xf32>
    %slice3A_268 = vector.extract_strided_slice %reshape3A {offsets = [768, 0], sizes = [128, 128], strides = [1, 1]} : vector<1024x128xf32> to vector<128x128xf32>
    %mul3A_269 = vector.broadcast %rsqrt3A_199 : vector<128x1xf32> to vector<128x128xf32>
    %mul3A_270 = arith.mulf %mul3A_269, %slice3A_268 : vector<128x128xf32>
    %convert_element_type3A_271 = arith.truncf %mul3A_270 : vector<128x128xf32> to vector<128x128xbf16>
    %dot_general3A_272 = arith.constant dense<0.000000e+00> : vector<128x128xf32>
    %dot_general3A_273 = tpu.matmul %convert_element_type3A_203, %convert_element_type3A_271, %dot_general3A_272 {dimension_numbers = #tpu.dot_dimension_numbers<[1], [0], [0], [1], [0, 0, 1, 1], [], []>, transpose_lhs_hint = false} : vector<128x128xbf16>, vector<128x128xbf16>, vector<128x128xf32> -> vector<128x128xf32>
    %slice3A_274 = vector.extract_strided_slice %reshape3A {offsets = [896, 0], sizes = [128, 128], strides = [1, 1]} : vector<1024x128xf32> to vector<128x128xf32>
    %mul3A_275 = vector.broadcast %rsqrt3A_227 : vector<128x1xf32> to vector<128x128xf32>
    %mul3A_276 = arith.mulf %mul3A_275, %slice3A_274 : vector<128x128xf32>
    %convert_element_type3A_277 = arith.truncf %mul3A_276 : vector<128x128xf32> to vector<128x128xbf16>
    %dot_general3A_278 = arith.constant dense<0.000000e+00> : vector<128x128xf32>
    %dot_general3A_279 = tpu.matmul %convert_element_type3A_231, %convert_element_type3A_277, %dot_general3A_278 {dimension_numbers = #tpu.dot_dimension_numbers<[1], [0], [0], [1], [0, 0, 1, 1], [], []>, transpose_lhs_hint = false} : vector<128x128xbf16>, vector<128x128xbf16>, vector<128x128xf32> -> vector<128x128xf32>
    %concatenate3A = tpu.concatenate %dot_general3A_237, %dot_general3A_243, %dot_general3A_249, %dot_general3A_255, %dot_general3A_261, %dot_general3A_267, %dot_general3A_273, %dot_general3A_279 in 0 : vector<128x128xf32>, vector<128x128xf32>, vector<128x128xf32>, vector<128x128xf32>, vector<128x128xf32>, vector<128x128xf32>, vector<128x128xf32>, vector<128x128xf32> -> vector<1024x128xf32>
    %convert_element_type3A_280 = arith.truncf %concatenate3A : vector<1024x128xf32> to vector<1024x128xbf16>
    %get3A_281 = arith.constant 0 : index
    %get3A_282 = arith.constant 0 : index
    %get3A_283 = vector.load %arg4[%get3A_281, %get3A_282] : memref<128x256xbf16, #tpu.memory_space<vmem>>, vector<128x256xbf16>
    %dot_general3A_284 = arith.constant dense<0.000000e+00> : vector<1024x256xf32>
    %dot_general3A_285 = tpu.matmul %convert_element_type3A_280, %get3A_283, %dot_general3A_284 {dimension_numbers = #tpu.dot_dimension_numbers<[1], [0], [0], [1], [0, 0, 1, 1], [], []>, transpose_lhs_hint = false} : vector<1024x128xbf16>, vector<128x256xbf16>, vector<1024x256xf32> -> vector<1024x256xf32>
    %get3A_286 = arith.constant 0 : index
    %get3A_287 = arith.constant 0 : index
    %get3A_288 = vector.load %arg5[%get3A_286, %get3A_287] : memref<1x256xf32, #tpu.memory_space<vmem>>, vector<1x256xf32>
    %add3A_289 = vector.broadcast %get3A_288 : vector<1x256xf32> to vector<1024x256xf32>
    %add3A_290 = arith.addf %dot_general3A_285, %add3A_289 : vector<1024x256xf32>
    %max3A = arith.constant 0.000000e+00 : f32
    %max3A_291 = vector.broadcast %max3A : f32 to vector<1024x256xf32>
    %max3A_292 = arith.maximumf %add3A_290, %max3A_291 : vector<1024x256xf32>
    %slice3A_293 = vector.extract_strided_slice %max3A_292 {offsets = [0, 0], sizes = [128, 256], strides = [1, 1]} : vector<1024x256xf32> to vector<128x256xf32>
    %mul3A_294 = vector.broadcast %rsqrt3A : vector<128x1xf32> to vector<128x256xf32>
    %mul3A_295 = arith.mulf %mul3A_294, %slice3A_293 : vector<128x256xf32>
    %convert_element_type3A_296 = arith.truncf %mul3A_295 : vector<128x256xf32> to vector<128x256xbf16>
    %dot_general3A_297 = arith.constant dense<0.000000e+00> : vector<128x256xf32>
    %dot_general3A_298 = tpu.matmul %convert_element_type3A_35, %convert_element_type3A_296, %dot_general3A_297 {dimension_numbers = #tpu.dot_dimension_numbers<[1], [0], [0], [1], [0, 0, 1, 1], [], []>, transpose_lhs_hint = false} : vector<128x128xbf16>, vector<128x256xbf16>, vector<128x256xf32> -> vector<128x256xf32>
    %slice3A_299 = vector.extract_strided_slice %max3A_292 {offsets = [128, 0], sizes = [128, 256], strides = [1, 1]} : vector<1024x256xf32> to vector<128x256xf32>
    %mul3A_300 = vector.broadcast %rsqrt3A_59 : vector<128x1xf32> to vector<128x256xf32>
    %mul3A_301 = arith.mulf %mul3A_300, %slice3A_299 : vector<128x256xf32>
    %convert_element_type3A_302 = arith.truncf %mul3A_301 : vector<128x256xf32> to vector<128x256xbf16>
    %dot_general3A_303 = arith.constant dense<0.000000e+00> : vector<128x256xf32>
    %dot_general3A_304 = tpu.matmul %convert_element_type3A_63, %convert_element_type3A_302, %dot_general3A_303 {dimension_numbers = #tpu.dot_dimension_numbers<[1], [0], [0], [1], [0, 0, 1, 1], [], []>, transpose_lhs_hint = false} : vector<128x128xbf16>, vector<128x256xbf16>, vector<128x256xf32> -> vector<128x256xf32>
    %slice3A_305 = vector.extract_strided_slice %max3A_292 {offsets = [256, 0], sizes = [128, 256], strides = [1, 1]} : vector<1024x256xf32> to vector<128x256xf32>
    %mul3A_306 = vector.broadcast %rsqrt3A_87 : vector<128x1xf32> to vector<128x256xf32>
    %mul3A_307 = arith.mulf %mul3A_306, %slice3A_305 : vector<128x256xf32>
    %convert_element_type3A_308 = arith.truncf %mul3A_307 : vector<128x256xf32> to vector<128x256xbf16>
    %dot_general3A_309 = arith.constant dense<0.000000e+00> : vector<128x256xf32>
    %dot_general3A_310 = tpu.matmul %convert_element_type3A_91, %convert_element_type3A_308, %dot_general3A_309 {dimension_numbers = #tpu.dot_dimension_numbers<[1], [0], [0], [1], [0, 0, 1, 1], [], []>, transpose_lhs_hint = false} : vector<128x128xbf16>, vector<128x256xbf16>, vector<128x256xf32> -> vector<128x256xf32>
    %slice3A_311 = vector.extract_strided_slice %max3A_292 {offsets = [384, 0], sizes = [128, 256], strides = [1, 1]} : vector<1024x256xf32> to vector<128x256xf32>
    %mul3A_312 = vector.broadcast %rsqrt3A_115 : vector<128x1xf32> to vector<128x256xf32>
    %mul3A_313 = arith.mulf %mul3A_312, %slice3A_311 : vector<128x256xf32>
    %convert_element_type3A_314 = arith.truncf %mul3A_313 : vector<128x256xf32> to vector<128x256xbf16>
    %dot_general3A_315 = arith.constant dense<0.000000e+00> : vector<128x256xf32>
    %dot_general3A_316 = tpu.matmul %convert_element_type3A_119, %convert_element_type3A_314, %dot_general3A_315 {dimension_numbers = #tpu.dot_dimension_numbers<[1], [0], [0], [1], [0, 0, 1, 1], [], []>, transpose_lhs_hint = false} : vector<128x128xbf16>, vector<128x256xbf16>, vector<128x256xf32> -> vector<128x256xf32>
    %slice3A_317 = vector.extract_strided_slice %max3A_292 {offsets = [512, 0], sizes = [128, 256], strides = [1, 1]} : vector<1024x256xf32> to vector<128x256xf32>
    %mul3A_318 = vector.broadcast %rsqrt3A_143 : vector<128x1xf32> to vector<128x256xf32>
    %mul3A_319 = arith.mulf %mul3A_318, %slice3A_317 : vector<128x256xf32>
    %convert_element_type3A_320 = arith.truncf %mul3A_319 : vector<128x256xf32> to vector<128x256xbf16>
    %dot_general3A_321 = arith.constant dense<0.000000e+00> : vector<128x256xf32>
    %dot_general3A_322 = tpu.matmul %convert_element_type3A_147, %convert_element_type3A_320, %dot_general3A_321 {dimension_numbers = #tpu.dot_dimension_numbers<[1], [0], [0], [1], [0, 0, 1, 1], [], []>, transpose_lhs_hint = false} : vector<128x128xbf16>, vector<128x256xbf16>, vector<128x256xf32> -> vector<128x256xf32>
    %slice3A_323 = vector.extract_strided_slice %max3A_292 {offsets = [640, 0], sizes = [128, 256], strides = [1, 1]} : vector<1024x256xf32> to vector<128x256xf32>
    %mul3A_324 = vector.broadcast %rsqrt3A_171 : vector<128x1xf32> to vector<128x256xf32>
    %mul3A_325 = arith.mulf %mul3A_324, %slice3A_323 : vector<128x256xf32>
    %convert_element_type3A_326 = arith.truncf %mul3A_325 : vector<128x256xf32> to vector<128x256xbf16>
    %dot_general3A_327 = arith.constant dense<0.000000e+00> : vector<128x256xf32>
    %dot_general3A_328 = tpu.matmul %convert_element_type3A_175, %convert_element_type3A_326, %dot_general3A_327 {dimension_numbers = #tpu.dot_dimension_numbers<[1], [0], [0], [1], [0, 0, 1, 1], [], []>, transpose_lhs_hint = false} : vector<128x128xbf16>, vector<128x256xbf16>, vector<128x256xf32> -> vector<128x256xf32>
    %slice3A_329 = vector.extract_strided_slice %max3A_292 {offsets = [768, 0], sizes = [128, 256], strides = [1, 1]} : vector<1024x256xf32> to vector<128x256xf32>
    %mul3A_330 = vector.broadcast %rsqrt3A_199 : vector<128x1xf32> to vector<128x256xf32>
    %mul3A_331 = arith.mulf %mul3A_330, %slice3A_329 : vector<128x256xf32>
    %convert_element_type3A_332 = arith.truncf %mul3A_331 : vector<128x256xf32> to vector<128x256xbf16>
    %dot_general3A_333 = arith.constant dense<0.000000e+00> : vector<128x256xf32>
    %dot_general3A_334 = tpu.matmul %convert_element_type3A_203, %convert_element_type3A_332, %dot_general3A_333 {dimension_numbers = #tpu.dot_dimension_numbers<[1], [0], [0], [1], [0, 0, 1, 1], [], []>, transpose_lhs_hint = false} : vector<128x128xbf16>, vector<128x256xbf16>, vector<128x256xf32> -> vector<128x256xf32>
    %slice3A_335 = vector.extract_strided_slice %max3A_292 {offsets = [896, 0], sizes = [128, 256], strides = [1, 1]} : vector<1024x256xf32> to vector<128x256xf32>
    %mul3A_336 = vector.broadcast %rsqrt3A_227 : vector<128x1xf32> to vector<128x256xf32>
    %mul3A_337 = arith.mulf %mul3A_336, %slice3A_335 : vector<128x256xf32>
    %convert_element_type3A_338 = arith.truncf %mul3A_337 : vector<128x256xf32> to vector<128x256xbf16>
    %dot_general3A_339 = arith.constant dense<0.000000e+00> : vector<128x256xf32>
    %dot_general3A_340 = tpu.matmul %convert_element_type3A_231, %convert_element_type3A_338, %dot_general3A_339 {dimension_numbers = #tpu.dot_dimension_numbers<[1], [0], [0], [1], [0, 0, 1, 1], [], []>, transpose_lhs_hint = false} : vector<128x128xbf16>, vector<128x256xbf16>, vector<128x256xf32> -> vector<128x256xf32>
    %concatenate3A_341 = tpu.concatenate %dot_general3A_298, %dot_general3A_304, %dot_general3A_310, %dot_general3A_316, %dot_general3A_322, %dot_general3A_328, %dot_general3A_334, %dot_general3A_340 in 0 : vector<128x256xf32>, vector<128x256xf32>, vector<128x256xf32>, vector<128x256xf32>, vector<128x256xf32>, vector<128x256xf32>, vector<128x256xf32>, vector<128x256xf32> -> vector<1024x256xf32>
    %convert_element_type3A_342 = arith.truncf %concatenate3A_341 : vector<1024x256xf32> to vector<1024x256xbf16>
    %get3A_343 = arith.constant 0 : index
    %get3A_344 = arith.constant 0 : index
    %get3A_345 = vector.load %arg6[%get3A_343, %get3A_344] : memref<256x256xbf16, #tpu.memory_space<vmem>>, vector<256x256xbf16>
    %dot_general3A_346 = arith.constant dense<0.000000e+00> : vector<1024x256xf32>
    %dot_general3A_347 = tpu.matmul %convert_element_type3A_342, %get3A_345, %dot_general3A_346 {dimension_numbers = #tpu.dot_dimension_numbers<[1], [0], [0], [1], [0, 0, 1, 1], [], []>, transpose_lhs_hint = false} : vector<1024x256xbf16>, vector<256x256xbf16>, vector<1024x256xf32> -> vector<1024x256xf32>
    %get3A_348 = arith.constant 0 : index
    %get3A_349 = arith.constant 0 : index
    %get3A_350 = vector.load %arg7[%get3A_348, %get3A_349] : memref<1x256xf32, #tpu.memory_space<vmem>>, vector<1x256xf32>
    %add3A_351 = vector.broadcast %get3A_350 : vector<1x256xf32> to vector<1024x256xf32>
    %add3A_352 = arith.addf %dot_general3A_347, %add3A_351 : vector<1024x256xf32>
    %max3A_353 = arith.constant 0.000000e+00 : f32
    %max3A_354 = vector.broadcast %max3A_353 : f32 to vector<1024x256xf32>
    %max3A_355 = arith.maximumf %add3A_352, %max3A_354 : vector<1024x256xf32>
    %convert_element_type3A_356 = arith.truncf %max3A_355 : vector<1024x256xf32> to vector<1024x256xbf16>
    %get3A_357 = arith.constant 0 : index
    %get3A_358 = arith.constant 0 : index
    %get3A_359 = vector.load %arg8[%get3A_357, %get3A_358] : memref<256x128xbf16, #tpu.memory_space<vmem>>, vector<256x128xbf16>
    %dot_general3A_360 = arith.constant dense<0.000000e+00> : vector<1024x128xf32>
    %dot_general3A_361 = tpu.matmul %convert_element_type3A_356, %get3A_359, %dot_general3A_360 {dimension_numbers = #tpu.dot_dimension_numbers<[1], [0], [0], [1], [0, 0, 1, 1], [], []>, transpose_lhs_hint = false} : vector<1024x256xbf16>, vector<256x128xbf16>, vector<1024x128xf32> -> vector<1024x128xf32>
    %slice3A_362 = vector.extract_strided_slice %dot_general3A_361 {offsets = [0, 0], sizes = [128, 128], strides = [1, 1]} : vector<1024x128xf32> to vector<128x128xf32>
    %mul3A_363 = vector.broadcast %rsqrt3A : vector<128x1xf32> to vector<128x128xf32>
    %mul3A_364 = arith.mulf %mul3A_363, %slice3A_362 : vector<128x128xf32>
    %convert_element_type3A_365 = arith.truncf %mul3A_364 : vector<128x128xf32> to vector<128x128xbf16>
    %dot_general3A_366 = arith.constant dense<0.000000e+00> : vector<128x128xf32>
    %dot_general3A_367 = tpu.matmul %convert_element_type3A_35, %convert_element_type3A_365, %dot_general3A_366 {dimension_numbers = #tpu.dot_dimension_numbers<[1], [0], [0], [1], [0, 0, 1, 1], [], []>, transpose_lhs_hint = false} : vector<128x128xbf16>, vector<128x128xbf16>, vector<128x128xf32> -> vector<128x128xf32>
    %slice3A_368 = vector.extract_strided_slice %dot_general3A_361 {offsets = [128, 0], sizes = [128, 128], strides = [1, 1]} : vector<1024x128xf32> to vector<128x128xf32>
    %mul3A_369 = vector.broadcast %rsqrt3A_59 : vector<128x1xf32> to vector<128x128xf32>
    %mul3A_370 = arith.mulf %mul3A_369, %slice3A_368 : vector<128x128xf32>
    %convert_element_type3A_371 = arith.truncf %mul3A_370 : vector<128x128xf32> to vector<128x128xbf16>
    %dot_general3A_372 = arith.constant dense<0.000000e+00> : vector<128x128xf32>
    %dot_general3A_373 = tpu.matmul %convert_element_type3A_63, %convert_element_type3A_371, %dot_general3A_372 {dimension_numbers = #tpu.dot_dimension_numbers<[1], [0], [0], [1], [0, 0, 1, 1], [], []>, transpose_lhs_hint = false} : vector<128x128xbf16>, vector<128x128xbf16>, vector<128x128xf32> -> vector<128x128xf32>
    %slice3A_374 = vector.extract_strided_slice %dot_general3A_361 {offsets = [256, 0], sizes = [128, 128], strides = [1, 1]} : vector<1024x128xf32> to vector<128x128xf32>
    %mul3A_375 = vector.broadcast %rsqrt3A_87 : vector<128x1xf32> to vector<128x128xf32>
    %mul3A_376 = arith.mulf %mul3A_375, %slice3A_374 : vector<128x128xf32>
    %convert_element_type3A_377 = arith.truncf %mul3A_376 : vector<128x128xf32> to vector<128x128xbf16>
    %dot_general3A_378 = arith.constant dense<0.000000e+00> : vector<128x128xf32>
    %dot_general3A_379 = tpu.matmul %convert_element_type3A_91, %convert_element_type3A_377, %dot_general3A_378 {dimension_numbers = #tpu.dot_dimension_numbers<[1], [0], [0], [1], [0, 0, 1, 1], [], []>, transpose_lhs_hint = false} : vector<128x128xbf16>, vector<128x128xbf16>, vector<128x128xf32> -> vector<128x128xf32>
    %slice3A_380 = vector.extract_strided_slice %dot_general3A_361 {offsets = [384, 0], sizes = [128, 128], strides = [1, 1]} : vector<1024x128xf32> to vector<128x128xf32>
    %mul3A_381 = vector.broadcast %rsqrt3A_115 : vector<128x1xf32> to vector<128x128xf32>
    %mul3A_382 = arith.mulf %mul3A_381, %slice3A_380 : vector<128x128xf32>
    %convert_element_type3A_383 = arith.truncf %mul3A_382 : vector<128x128xf32> to vector<128x128xbf16>
    %dot_general3A_384 = arith.constant dense<0.000000e+00> : vector<128x128xf32>
    %dot_general3A_385 = tpu.matmul %convert_element_type3A_119, %convert_element_type3A_383, %dot_general3A_384 {dimension_numbers = #tpu.dot_dimension_numbers<[1], [0], [0], [1], [0, 0, 1, 1], [], []>, transpose_lhs_hint = false} : vector<128x128xbf16>, vector<128x128xbf16>, vector<128x128xf32> -> vector<128x128xf32>
    %slice3A_386 = vector.extract_strided_slice %dot_general3A_361 {offsets = [512, 0], sizes = [128, 128], strides = [1, 1]} : vector<1024x128xf32> to vector<128x128xf32>
    %mul3A_387 = vector.broadcast %rsqrt3A_143 : vector<128x1xf32> to vector<128x128xf32>
    %mul3A_388 = arith.mulf %mul3A_387, %slice3A_386 : vector<128x128xf32>
    %convert_element_type3A_389 = arith.truncf %mul3A_388 : vector<128x128xf32> to vector<128x128xbf16>
    %dot_general3A_390 = arith.constant dense<0.000000e+00> : vector<128x128xf32>
    %dot_general3A_391 = tpu.matmul %convert_element_type3A_147, %convert_element_type3A_389, %dot_general3A_390 {dimension_numbers = #tpu.dot_dimension_numbers<[1], [0], [0], [1], [0, 0, 1, 1], [], []>, transpose_lhs_hint = false} : vector<128x128xbf16>, vector<128x128xbf16>, vector<128x128xf32> -> vector<128x128xf32>
    %slice3A_392 = vector.extract_strided_slice %dot_general3A_361 {offsets = [640, 0], sizes = [128, 128], strides = [1, 1]} : vector<1024x128xf32> to vector<128x128xf32>
    %mul3A_393 = vector.broadcast %rsqrt3A_171 : vector<128x1xf32> to vector<128x128xf32>
    %mul3A_394 = arith.mulf %mul3A_393, %slice3A_392 : vector<128x128xf32>
    %convert_element_type3A_395 = arith.truncf %mul3A_394 : vector<128x128xf32> to vector<128x128xbf16>
    %dot_general3A_396 = arith.constant dense<0.000000e+00> : vector<128x128xf32>
    %dot_general3A_397 = tpu.matmul %convert_element_type3A_175, %convert_element_type3A_395, %dot_general3A_396 {dimension_numbers = #tpu.dot_dimension_numbers<[1], [0], [0], [1], [0, 0, 1, 1], [], []>, transpose_lhs_hint = false} : vector<128x128xbf16>, vector<128x128xbf16>, vector<128x128xf32> -> vector<128x128xf32>
    %slice3A_398 = vector.extract_strided_slice %dot_general3A_361 {offsets = [768, 0], sizes = [128, 128], strides = [1, 1]} : vector<1024x128xf32> to vector<128x128xf32>
    %mul3A_399 = vector.broadcast %rsqrt3A_199 : vector<128x1xf32> to vector<128x128xf32>
    %mul3A_400 = arith.mulf %mul3A_399, %slice3A_398 : vector<128x128xf32>
    %convert_element_type3A_401 = arith.truncf %mul3A_400 : vector<128x128xf32> to vector<128x128xbf16>
    %dot_general3A_402 = arith.constant dense<0.000000e+00> : vector<128x128xf32>
    %dot_general3A_403 = tpu.matmul %convert_element_type3A_203, %convert_element_type3A_401, %dot_general3A_402 {dimension_numbers = #tpu.dot_dimension_numbers<[1], [0], [0], [1], [0, 0, 1, 1], [], []>, transpose_lhs_hint = false} : vector<128x128xbf16>, vector<128x128xbf16>, vector<128x128xf32> -> vector<128x128xf32>
    %slice3A_404 = vector.extract_strided_slice %dot_general3A_361 {offsets = [896, 0], sizes = [128, 128], strides = [1, 1]} : vector<1024x128xf32> to vector<128x128xf32>
    %mul3A_405 = vector.broadcast %rsqrt3A_227 : vector<128x1xf32> to vector<128x128xf32>
    %mul3A_406 = arith.mulf %mul3A_405, %slice3A_404 : vector<128x128xf32>
    %convert_element_type3A_407 = arith.truncf %mul3A_406 : vector<128x128xf32> to vector<128x128xbf16>
    %dot_general3A_408 = arith.constant dense<0.000000e+00> : vector<128x128xf32>
    %dot_general3A_409 = tpu.matmul %convert_element_type3A_231, %convert_element_type3A_407, %dot_general3A_408 {dimension_numbers = #tpu.dot_dimension_numbers<[1], [0], [0], [1], [0, 0, 1, 1], [], []>, transpose_lhs_hint = false} : vector<128x128xbf16>, vector<128x128xbf16>, vector<128x128xf32> -> vector<128x128xf32>
    %concatenate3A_410 = tpu.concatenate %dot_general3A_367, %dot_general3A_373, %dot_general3A_379, %dot_general3A_385, %dot_general3A_391, %dot_general3A_397, %dot_general3A_403, %dot_general3A_409 in 0 : vector<128x128xf32>, vector<128x128xf32>, vector<128x128xf32>, vector<128x128xf32>, vector<128x128xf32>, vector<128x128xf32>, vector<128x128xf32>, vector<128x128xf32> -> vector<1024x128xf32>
    %get3A_411 = arith.constant 0 : index
    %get3A_412 = arith.constant 0 : index
    %get3A_413 = vector.load %arg9[%get3A_411, %get3A_412] : memref<1x128xf32, #tpu.memory_space<vmem>>, vector<1x128xf32>
    %add3A_414 = vector.broadcast %get3A_413 : vector<1x128xf32> to vector<1024x128xf32>
    %add3A_415 = arith.addf %concatenate3A_410, %add3A_414 : vector<1024x128xf32>
    %get3A_416 = arith.constant 0 : index
    %get3A_417 = arith.constant 0 : index
    %get3A_418 = vector.load %arg1[%get3A_416, %get3A_417] : memref<32x2xf32, #tpu.memory_space<vmem>>, vector<32x1xf32>
    %get3A_419 = arith.constant 0 : index
    %get3A_420 = arith.constant 1 : index
    %get3A_421 = vector.load %arg1[%get3A_419, %get3A_420] : memref<32x2xf32, #tpu.memory_space<vmem>>, vector<32x1xf32>
    %add3A_422 = arith.addf %get3A_418, %get3A_421 : vector<32x1xf32>
    %add3A_423 = arith.constant 1.000000e+00 : f32
    %add3A_424 = vector.broadcast %add3A_423 : f32 to vector<32x1xf32>
    %add3A_425 = arith.addf %add3A_422, %add3A_424 : vector<32x1xf32>
    %rsqrt3A_426 = math.rsqrt %add3A_425 : vector<32x1xf32>
    %slice3A_427 = vector.extract_strided_slice %add3A_415 {offsets = [0, 0], sizes = [32, 128], strides = [1, 1]} : vector<1024x128xf32> to vector<32x128xf32>
    %reduce_min3A = arith.constant dense<0x7F800000> : vector<128xf32>
    %reduce_min3A_428 = vector.multi_reduction <minimumf>, %slice3A_427, %reduce_min3A [0] : vector<32x128xf32> to vector<128xf32>
    %broadcast_in_dim3A_429 = vector.shape_cast %reduce_min3A_428 : vector<128xf32> to vector<1x128xf32>
    %slice3A_430 = vector.extract_strided_slice %rsqrt3A_426 {offsets = [0, 0], sizes = [1, 1], strides = [1, 1]} : vector<32x1xf32> to vector<1x1xf32>
    %mul3A_431 = vector.broadcast %slice3A_430 : vector<1x1xf32> to vector<1x128xf32>
    %mul3A_432 = arith.mulf %broadcast_in_dim3A_429, %mul3A_431 : vector<1x128xf32>
    %slice3A_433 = vector.extract_strided_slice %add3A_415 {offsets = [32, 0], sizes = [32, 128], strides = [1, 1]} : vector<1024x128xf32> to vector<32x128xf32>
    %reduce_min3A_434 = arith.constant dense<0x7F800000> : vector<128xf32>
    %reduce_min3A_435 = vector.multi_reduction <minimumf>, %slice3A_433, %reduce_min3A_434 [0] : vector<32x128xf32> to vector<128xf32>
    %broadcast_in_dim3A_436 = vector.shape_cast %reduce_min3A_435 : vector<128xf32> to vector<1x128xf32>
    %slice3A_437 = vector.extract_strided_slice %rsqrt3A_426 {offsets = [1, 0], sizes = [1, 1], strides = [1, 1]} : vector<32x1xf32> to vector<1x1xf32>
    %mul3A_438 = vector.broadcast %slice3A_437 : vector<1x1xf32> to vector<1x128xf32>
    %mul3A_439 = arith.mulf %broadcast_in_dim3A_436, %mul3A_438 : vector<1x128xf32>
    %slice3A_440 = vector.extract_strided_slice %add3A_415 {offsets = [64, 0], sizes = [32, 128], strides = [1, 1]} : vector<1024x128xf32> to vector<32x128xf32>
    %reduce_min3A_441 = arith.constant dense<0x7F800000> : vector<128xf32>
    %reduce_min3A_442 = vector.multi_reduction <minimumf>, %slice3A_440, %reduce_min3A_441 [0] : vector<32x128xf32> to vector<128xf32>
    %broadcast_in_dim3A_443 = vector.shape_cast %reduce_min3A_442 : vector<128xf32> to vector<1x128xf32>
    %slice3A_444 = vector.extract_strided_slice %rsqrt3A_426 {offsets = [2, 0], sizes = [1, 1], strides = [1, 1]} : vector<32x1xf32> to vector<1x1xf32>
    %mul3A_445 = vector.broadcast %slice3A_444 : vector<1x1xf32> to vector<1x128xf32>
    %mul3A_446 = arith.mulf %broadcast_in_dim3A_443, %mul3A_445 : vector<1x128xf32>
    %slice3A_447 = vector.extract_strided_slice %add3A_415 {offsets = [96, 0], sizes = [32, 128], strides = [1, 1]} : vector<1024x128xf32> to vector<32x128xf32>
    %reduce_min3A_448 = arith.constant dense<0x7F800000> : vector<128xf32>
    %reduce_min3A_449 = vector.multi_reduction <minimumf>, %slice3A_447, %reduce_min3A_448 [0] : vector<32x128xf32> to vector<128xf32>
    %broadcast_in_dim3A_450 = vector.shape_cast %reduce_min3A_449 : vector<128xf32> to vector<1x128xf32>
    %slice3A_451 = vector.extract_strided_slice %rsqrt3A_426 {offsets = [3, 0], sizes = [1, 1], strides = [1, 1]} : vector<32x1xf32> to vector<1x1xf32>
    %mul3A_452 = vector.broadcast %slice3A_451 : vector<1x1xf32> to vector<1x128xf32>
    %mul3A_453 = arith.mulf %broadcast_in_dim3A_450, %mul3A_452 : vector<1x128xf32>
    %slice3A_454 = vector.extract_strided_slice %add3A_415 {offsets = [128, 0], sizes = [32, 128], strides = [1, 1]} : vector<1024x128xf32> to vector<32x128xf32>
    %reduce_min3A_455 = arith.constant dense<0x7F800000> : vector<128xf32>
    %reduce_min3A_456 = vector.multi_reduction <minimumf>, %slice3A_454, %reduce_min3A_455 [0] : vector<32x128xf32> to vector<128xf32>
    %broadcast_in_dim3A_457 = vector.shape_cast %reduce_min3A_456 : vector<128xf32> to vector<1x128xf32>
    %slice3A_458 = vector.extract_strided_slice %rsqrt3A_426 {offsets = [4, 0], sizes = [1, 1], strides = [1, 1]} : vector<32x1xf32> to vector<1x1xf32>
    %mul3A_459 = vector.broadcast %slice3A_458 : vector<1x1xf32> to vector<1x128xf32>
    %mul3A_460 = arith.mulf %broadcast_in_dim3A_457, %mul3A_459 : vector<1x128xf32>
    %slice3A_461 = vector.extract_strided_slice %add3A_415 {offsets = [160, 0], sizes = [32, 128], strides = [1, 1]} : vector<1024x128xf32> to vector<32x128xf32>
    %reduce_min3A_462 = arith.constant dense<0x7F800000> : vector<128xf32>
    %reduce_min3A_463 = vector.multi_reduction <minimumf>, %slice3A_461, %reduce_min3A_462 [0] : vector<32x128xf32> to vector<128xf32>
    %broadcast_in_dim3A_464 = vector.shape_cast %reduce_min3A_463 : vector<128xf32> to vector<1x128xf32>
    %slice3A_465 = vector.extract_strided_slice %rsqrt3A_426 {offsets = [5, 0], sizes = [1, 1], strides = [1, 1]} : vector<32x1xf32> to vector<1x1xf32>
    %mul3A_466 = vector.broadcast %slice3A_465 : vector<1x1xf32> to vector<1x128xf32>
    %mul3A_467 = arith.mulf %broadcast_in_dim3A_464, %mul3A_466 : vector<1x128xf32>
    %slice3A_468 = vector.extract_strided_slice %add3A_415 {offsets = [192, 0], sizes = [32, 128], strides = [1, 1]} : vector<1024x128xf32> to vector<32x128xf32>
    %reduce_min3A_469 = arith.constant dense<0x7F800000> : vector<128xf32>
    %reduce_min3A_470 = vector.multi_reduction <minimumf>, %slice3A_468, %reduce_min3A_469 [0] : vector<32x128xf32> to vector<128xf32>
    %broadcast_in_dim3A_471 = vector.shape_cast %reduce_min3A_470 : vector<128xf32> to vector<1x128xf32>
    %slice3A_472 = vector.extract_strided_slice %rsqrt3A_426 {offsets = [6, 0], sizes = [1, 1], strides = [1, 1]} : vector<32x1xf32> to vector<1x1xf32>
    %mul3A_473 = vector.broadcast %slice3A_472 : vector<1x1xf32> to vector<1x128xf32>
    %mul3A_474 = arith.mulf %broadcast_in_dim3A_471, %mul3A_473 : vector<1x128xf32>
    %slice3A_475 = vector.extract_strided_slice %add3A_415 {offsets = [224, 0], sizes = [32, 128], strides = [1, 1]} : vector<1024x128xf32> to vector<32x128xf32>
    %reduce_min3A_476 = arith.constant dense<0x7F800000> : vector<128xf32>
    %reduce_min3A_477 = vector.multi_reduction <minimumf>, %slice3A_475, %reduce_min3A_476 [0] : vector<32x128xf32> to vector<128xf32>
    %broadcast_in_dim3A_478 = vector.shape_cast %reduce_min3A_477 : vector<128xf32> to vector<1x128xf32>
    %slice3A_479 = vector.extract_strided_slice %rsqrt3A_426 {offsets = [7, 0], sizes = [1, 1], strides = [1, 1]} : vector<32x1xf32> to vector<1x1xf32>
    %mul3A_480 = vector.broadcast %slice3A_479 : vector<1x1xf32> to vector<1x128xf32>
    %mul3A_481 = arith.mulf %broadcast_in_dim3A_478, %mul3A_480 : vector<1x128xf32>
    %slice3A_482 = vector.extract_strided_slice %add3A_415 {offsets = [256, 0], sizes = [32, 128], strides = [1, 1]} : vector<1024x128xf32> to vector<32x128xf32>
    %reduce_min3A_483 = arith.constant dense<0x7F800000> : vector<128xf32>
    %reduce_min3A_484 = vector.multi_reduction <minimumf>, %slice3A_482, %reduce_min3A_483 [0] : vector<32x128xf32> to vector<128xf32>
    %broadcast_in_dim3A_485 = vector.shape_cast %reduce_min3A_484 : vector<128xf32> to vector<1x128xf32>
    %slice3A_486 = vector.extract_strided_slice %rsqrt3A_426 {offsets = [8, 0], sizes = [1, 1], strides = [1, 1]} : vector<32x1xf32> to vector<1x1xf32>
    %mul3A_487 = vector.broadcast %slice3A_486 : vector<1x1xf32> to vector<1x128xf32>
    %mul3A_488 = arith.mulf %broadcast_in_dim3A_485, %mul3A_487 : vector<1x128xf32>
    %slice3A_489 = vector.extract_strided_slice %add3A_415 {offsets = [288, 0], sizes = [32, 128], strides = [1, 1]} : vector<1024x128xf32> to vector<32x128xf32>
    %reduce_min3A_490 = arith.constant dense<0x7F800000> : vector<128xf32>
    %reduce_min3A_491 = vector.multi_reduction <minimumf>, %slice3A_489, %reduce_min3A_490 [0] : vector<32x128xf32> to vector<128xf32>
    %broadcast_in_dim3A_492 = vector.shape_cast %reduce_min3A_491 : vector<128xf32> to vector<1x128xf32>
    %slice3A_493 = vector.extract_strided_slice %rsqrt3A_426 {offsets = [9, 0], sizes = [1, 1], strides = [1, 1]} : vector<32x1xf32> to vector<1x1xf32>
    %mul3A_494 = vector.broadcast %slice3A_493 : vector<1x1xf32> to vector<1x128xf32>
    %mul3A_495 = arith.mulf %broadcast_in_dim3A_492, %mul3A_494 : vector<1x128xf32>
    %slice3A_496 = vector.extract_strided_slice %add3A_415 {offsets = [320, 0], sizes = [32, 128], strides = [1, 1]} : vector<1024x128xf32> to vector<32x128xf32>
    %reduce_min3A_497 = arith.constant dense<0x7F800000> : vector<128xf32>
    %reduce_min3A_498 = vector.multi_reduction <minimumf>, %slice3A_496, %reduce_min3A_497 [0] : vector<32x128xf32> to vector<128xf32>
    %broadcast_in_dim3A_499 = vector.shape_cast %reduce_min3A_498 : vector<128xf32> to vector<1x128xf32>
    %slice3A_500 = vector.extract_strided_slice %rsqrt3A_426 {offsets = [10, 0], sizes = [1, 1], strides = [1, 1]} : vector<32x1xf32> to vector<1x1xf32>
    %mul3A_501 = vector.broadcast %slice3A_500 : vector<1x1xf32> to vector<1x128xf32>
    %mul3A_502 = arith.mulf %broadcast_in_dim3A_499, %mul3A_501 : vector<1x128xf32>
    %slice3A_503 = vector.extract_strided_slice %add3A_415 {offsets = [352, 0], sizes = [32, 128], strides = [1, 1]} : vector<1024x128xf32> to vector<32x128xf32>
    %reduce_min3A_504 = arith.constant dense<0x7F800000> : vector<128xf32>
    %reduce_min3A_505 = vector.multi_reduction <minimumf>, %slice3A_503, %reduce_min3A_504 [0] : vector<32x128xf32> to vector<128xf32>
    %broadcast_in_dim3A_506 = vector.shape_cast %reduce_min3A_505 : vector<128xf32> to vector<1x128xf32>
    %slice3A_507 = vector.extract_strided_slice %rsqrt3A_426 {offsets = [11, 0], sizes = [1, 1], strides = [1, 1]} : vector<32x1xf32> to vector<1x1xf32>
    %mul3A_508 = vector.broadcast %slice3A_507 : vector<1x1xf32> to vector<1x128xf32>
    %mul3A_509 = arith.mulf %broadcast_in_dim3A_506, %mul3A_508 : vector<1x128xf32>
    %slice3A_510 = vector.extract_strided_slice %add3A_415 {offsets = [384, 0], sizes = [32, 128], strides = [1, 1]} : vector<1024x128xf32> to vector<32x128xf32>
    %reduce_min3A_511 = arith.constant dense<0x7F800000> : vector<128xf32>
    %reduce_min3A_512 = vector.multi_reduction <minimumf>, %slice3A_510, %reduce_min3A_511 [0] : vector<32x128xf32> to vector<128xf32>
    %broadcast_in_dim3A_513 = vector.shape_cast %reduce_min3A_512 : vector<128xf32> to vector<1x128xf32>
    %slice3A_514 = vector.extract_strided_slice %rsqrt3A_426 {offsets = [12, 0], sizes = [1, 1], strides = [1, 1]} : vector<32x1xf32> to vector<1x1xf32>
    %mul3A_515 = vector.broadcast %slice3A_514 : vector<1x1xf32> to vector<1x128xf32>
    %mul3A_516 = arith.mulf %broadcast_in_dim3A_513, %mul3A_515 : vector<1x128xf32>
    %slice3A_517 = vector.extract_strided_slice %add3A_415 {offsets = [416, 0], sizes = [32, 128], strides = [1, 1]} : vector<1024x128xf32> to vector<32x128xf32>
    %reduce_min3A_518 = arith.constant dense<0x7F800000> : vector<128xf32>
    %reduce_min3A_519 = vector.multi_reduction <minimumf>, %slice3A_517, %reduce_min3A_518 [0] : vector<32x128xf32> to vector<128xf32>
    %broadcast_in_dim3A_520 = vector.shape_cast %reduce_min3A_519 : vector<128xf32> to vector<1x128xf32>
    %slice3A_521 = vector.extract_strided_slice %rsqrt3A_426 {offsets = [13, 0], sizes = [1, 1], strides = [1, 1]} : vector<32x1xf32> to vector<1x1xf32>
    %mul3A_522 = vector.broadcast %slice3A_521 : vector<1x1xf32> to vector<1x128xf32>
    %mul3A_523 = arith.mulf %broadcast_in_dim3A_520, %mul3A_522 : vector<1x128xf32>
    %slice3A_524 = vector.extract_strided_slice %add3A_415 {offsets = [448, 0], sizes = [32, 128], strides = [1, 1]} : vector<1024x128xf32> to vector<32x128xf32>
    %reduce_min3A_525 = arith.constant dense<0x7F800000> : vector<128xf32>
    %reduce_min3A_526 = vector.multi_reduction <minimumf>, %slice3A_524, %reduce_min3A_525 [0] : vector<32x128xf32> to vector<128xf32>
    %broadcast_in_dim3A_527 = vector.shape_cast %reduce_min3A_526 : vector<128xf32> to vector<1x128xf32>
    %slice3A_528 = vector.extract_strided_slice %rsqrt3A_426 {offsets = [14, 0], sizes = [1, 1], strides = [1, 1]} : vector<32x1xf32> to vector<1x1xf32>
    %mul3A_529 = vector.broadcast %slice3A_528 : vector<1x1xf32> to vector<1x128xf32>
    %mul3A_530 = arith.mulf %broadcast_in_dim3A_527, %mul3A_529 : vector<1x128xf32>
    %slice3A_531 = vector.extract_strided_slice %add3A_415 {offsets = [480, 0], sizes = [32, 128], strides = [1, 1]} : vector<1024x128xf32> to vector<32x128xf32>
    %reduce_min3A_532 = arith.constant dense<0x7F800000> : vector<128xf32>
    %reduce_min3A_533 = vector.multi_reduction <minimumf>, %slice3A_531, %reduce_min3A_532 [0] : vector<32x128xf32> to vector<128xf32>
    %broadcast_in_dim3A_534 = vector.shape_cast %reduce_min3A_533 : vector<128xf32> to vector<1x128xf32>
    %slice3A_535 = vector.extract_strided_slice %rsqrt3A_426 {offsets = [15, 0], sizes = [1, 1], strides = [1, 1]} : vector<32x1xf32> to vector<1x1xf32>
    %mul3A_536 = vector.broadcast %slice3A_535 : vector<1x1xf32> to vector<1x128xf32>
    %mul3A_537 = arith.mulf %broadcast_in_dim3A_534, %mul3A_536 : vector<1x128xf32>
    %slice3A_538 = vector.extract_strided_slice %add3A_415 {offsets = [512, 0], sizes = [32, 128], strides = [1, 1]} : vector<1024x128xf32> to vector<32x128xf32>
    %reduce_min3A_539 = arith.constant dense<0x7F800000> : vector<128xf32>
    %reduce_min3A_540 = vector.multi_reduction <minimumf>, %slice3A_538, %reduce_min3A_539 [0] : vector<32x128xf32> to vector<128xf32>
    %broadcast_in_dim3A_541 = vector.shape_cast %reduce_min3A_540 : vector<128xf32> to vector<1x128xf32>
    %slice3A_542 = vector.extract_strided_slice %rsqrt3A_426 {offsets = [16, 0], sizes = [1, 1], strides = [1, 1]} : vector<32x1xf32> to vector<1x1xf32>
    %mul3A_543 = vector.broadcast %slice3A_542 : vector<1x1xf32> to vector<1x128xf32>
    %mul3A_544 = arith.mulf %broadcast_in_dim3A_541, %mul3A_543 : vector<1x128xf32>
    %slice3A_545 = vector.extract_strided_slice %add3A_415 {offsets = [544, 0], sizes = [32, 128], strides = [1, 1]} : vector<1024x128xf32> to vector<32x128xf32>
    %reduce_min3A_546 = arith.constant dense<0x7F800000> : vector<128xf32>
    %reduce_min3A_547 = vector.multi_reduction <minimumf>, %slice3A_545, %reduce_min3A_546 [0] : vector<32x128xf32> to vector<128xf32>
    %broadcast_in_dim3A_548 = vector.shape_cast %reduce_min3A_547 : vector<128xf32> to vector<1x128xf32>
    %slice3A_549 = vector.extract_strided_slice %rsqrt3A_426 {offsets = [17, 0], sizes = [1, 1], strides = [1, 1]} : vector<32x1xf32> to vector<1x1xf32>
    %mul3A_550 = vector.broadcast %slice3A_549 : vector<1x1xf32> to vector<1x128xf32>
    %mul3A_551 = arith.mulf %broadcast_in_dim3A_548, %mul3A_550 : vector<1x128xf32>
    %slice3A_552 = vector.extract_strided_slice %add3A_415 {offsets = [576, 0], sizes = [32, 128], strides = [1, 1]} : vector<1024x128xf32> to vector<32x128xf32>
    %reduce_min3A_553 = arith.constant dense<0x7F800000> : vector<128xf32>
    %reduce_min3A_554 = vector.multi_reduction <minimumf>, %slice3A_552, %reduce_min3A_553 [0] : vector<32x128xf32> to vector<128xf32>
    %broadcast_in_dim3A_555 = vector.shape_cast %reduce_min3A_554 : vector<128xf32> to vector<1x128xf32>
    %slice3A_556 = vector.extract_strided_slice %rsqrt3A_426 {offsets = [18, 0], sizes = [1, 1], strides = [1, 1]} : vector<32x1xf32> to vector<1x1xf32>
    %mul3A_557 = vector.broadcast %slice3A_556 : vector<1x1xf32> to vector<1x128xf32>
    %mul3A_558 = arith.mulf %broadcast_in_dim3A_555, %mul3A_557 : vector<1x128xf32>
    %slice3A_559 = vector.extract_strided_slice %add3A_415 {offsets = [608, 0], sizes = [32, 128], strides = [1, 1]} : vector<1024x128xf32> to vector<32x128xf32>
    %reduce_min3A_560 = arith.constant dense<0x7F800000> : vector<128xf32>
    %reduce_min3A_561 = vector.multi_reduction <minimumf>, %slice3A_559, %reduce_min3A_560 [0] : vector<32x128xf32> to vector<128xf32>
    %broadcast_in_dim3A_562 = vector.shape_cast %reduce_min3A_561 : vector<128xf32> to vector<1x128xf32>
    %slice3A_563 = vector.extract_strided_slice %rsqrt3A_426 {offsets = [19, 0], sizes = [1, 1], strides = [1, 1]} : vector<32x1xf32> to vector<1x1xf32>
    %mul3A_564 = vector.broadcast %slice3A_563 : vector<1x1xf32> to vector<1x128xf32>
    %mul3A_565 = arith.mulf %broadcast_in_dim3A_562, %mul3A_564 : vector<1x128xf32>
    %slice3A_566 = vector.extract_strided_slice %add3A_415 {offsets = [640, 0], sizes = [32, 128], strides = [1, 1]} : vector<1024x128xf32> to vector<32x128xf32>
    %reduce_min3A_567 = arith.constant dense<0x7F800000> : vector<128xf32>
    %reduce_min3A_568 = vector.multi_reduction <minimumf>, %slice3A_566, %reduce_min3A_567 [0] : vector<32x128xf32> to vector<128xf32>
    %broadcast_in_dim3A_569 = vector.shape_cast %reduce_min3A_568 : vector<128xf32> to vector<1x128xf32>
    %slice3A_570 = vector.extract_strided_slice %rsqrt3A_426 {offsets = [20, 0], sizes = [1, 1], strides = [1, 1]} : vector<32x1xf32> to vector<1x1xf32>
    %mul3A_571 = vector.broadcast %slice3A_570 : vector<1x1xf32> to vector<1x128xf32>
    %mul3A_572 = arith.mulf %broadcast_in_dim3A_569, %mul3A_571 : vector<1x128xf32>
    %slice3A_573 = vector.extract_strided_slice %add3A_415 {offsets = [672, 0], sizes = [32, 128], strides = [1, 1]} : vector<1024x128xf32> to vector<32x128xf32>
    %reduce_min3A_574 = arith.constant dense<0x7F800000> : vector<128xf32>
    %reduce_min3A_575 = vector.multi_reduction <minimumf>, %slice3A_573, %reduce_min3A_574 [0] : vector<32x128xf32> to vector<128xf32>
    %broadcast_in_dim3A_576 = vector.shape_cast %reduce_min3A_575 : vector<128xf32> to vector<1x128xf32>
    %slice3A_577 = vector.extract_strided_slice %rsqrt3A_426 {offsets = [21, 0], sizes = [1, 1], strides = [1, 1]} : vector<32x1xf32> to vector<1x1xf32>
    %mul3A_578 = vector.broadcast %slice3A_577 : vector<1x1xf32> to vector<1x128xf32>
    %mul3A_579 = arith.mulf %broadcast_in_dim3A_576, %mul3A_578 : vector<1x128xf32>
    %slice3A_580 = vector.extract_strided_slice %add3A_415 {offsets = [704, 0], sizes = [32, 128], strides = [1, 1]} : vector<1024x128xf32> to vector<32x128xf32>
    %reduce_min3A_581 = arith.constant dense<0x7F800000> : vector<128xf32>
    %reduce_min3A_582 = vector.multi_reduction <minimumf>, %slice3A_580, %reduce_min3A_581 [0] : vector<32x128xf32> to vector<128xf32>
    %broadcast_in_dim3A_583 = vector.shape_cast %reduce_min3A_582 : vector<128xf32> to vector<1x128xf32>
    %slice3A_584 = vector.extract_strided_slice %rsqrt3A_426 {offsets = [22, 0], sizes = [1, 1], strides = [1, 1]} : vector<32x1xf32> to vector<1x1xf32>
    %mul3A_585 = vector.broadcast %slice3A_584 : vector<1x1xf32> to vector<1x128xf32>
    %mul3A_586 = arith.mulf %broadcast_in_dim3A_583, %mul3A_585 : vector<1x128xf32>
    %slice3A_587 = vector.extract_strided_slice %add3A_415 {offsets = [736, 0], sizes = [32, 128], strides = [1, 1]} : vector<1024x128xf32> to vector<32x128xf32>
    %reduce_min3A_588 = arith.constant dense<0x7F800000> : vector<128xf32>
    %reduce_min3A_589 = vector.multi_reduction <minimumf>, %slice3A_587, %reduce_min3A_588 [0] : vector<32x128xf32> to vector<128xf32>
    %broadcast_in_dim3A_590 = vector.shape_cast %reduce_min3A_589 : vector<128xf32> to vector<1x128xf32>
    %slice3A_591 = vector.extract_strided_slice %rsqrt3A_426 {offsets = [23, 0], sizes = [1, 1], strides = [1, 1]} : vector<32x1xf32> to vector<1x1xf32>
    %mul3A_592 = vector.broadcast %slice3A_591 : vector<1x1xf32> to vector<1x128xf32>
    %mul3A_593 = arith.mulf %broadcast_in_dim3A_590, %mul3A_592 : vector<1x128xf32>
    %slice3A_594 = vector.extract_strided_slice %add3A_415 {offsets = [768, 0], sizes = [32, 128], strides = [1, 1]} : vector<1024x128xf32> to vector<32x128xf32>
    %reduce_min3A_595 = arith.constant dense<0x7F800000> : vector<128xf32>
    %reduce_min3A_596 = vector.multi_reduction <minimumf>, %slice3A_594, %reduce_min3A_595 [0] : vector<32x128xf32> to vector<128xf32>
    %broadcast_in_dim3A_597 = vector.shape_cast %reduce_min3A_596 : vector<128xf32> to vector<1x128xf32>
    %slice3A_598 = vector.extract_strided_slice %rsqrt3A_426 {offsets = [24, 0], sizes = [1, 1], strides = [1, 1]} : vector<32x1xf32> to vector<1x1xf32>
    %mul3A_599 = vector.broadcast %slice3A_598 : vector<1x1xf32> to vector<1x128xf32>
    %mul3A_600 = arith.mulf %broadcast_in_dim3A_597, %mul3A_599 : vector<1x128xf32>
    %slice3A_601 = vector.extract_strided_slice %add3A_415 {offsets = [800, 0], sizes = [32, 128], strides = [1, 1]} : vector<1024x128xf32> to vector<32x128xf32>
    %reduce_min3A_602 = arith.constant dense<0x7F800000> : vector<128xf32>
    %reduce_min3A_603 = vector.multi_reduction <minimumf>, %slice3A_601, %reduce_min3A_602 [0] : vector<32x128xf32> to vector<128xf32>
    %broadcast_in_dim3A_604 = vector.shape_cast %reduce_min3A_603 : vector<128xf32> to vector<1x128xf32>
    %slice3A_605 = vector.extract_strided_slice %rsqrt3A_426 {offsets = [25, 0], sizes = [1, 1], strides = [1, 1]} : vector<32x1xf32> to vector<1x1xf32>
    %mul3A_606 = vector.broadcast %slice3A_605 : vector<1x1xf32> to vector<1x128xf32>
    %mul3A_607 = arith.mulf %broadcast_in_dim3A_604, %mul3A_606 : vector<1x128xf32>
    %slice3A_608 = vector.extract_strided_slice %add3A_415 {offsets = [832, 0], sizes = [32, 128], strides = [1, 1]} : vector<1024x128xf32> to vector<32x128xf32>
    %reduce_min3A_609 = arith.constant dense<0x7F800000> : vector<128xf32>
    %reduce_min3A_610 = vector.multi_reduction <minimumf>, %slice3A_608, %reduce_min3A_609 [0] : vector<32x128xf32> to vector<128xf32>
    %broadcast_in_dim3A_611 = vector.shape_cast %reduce_min3A_610 : vector<128xf32> to vector<1x128xf32>
    %slice3A_612 = vector.extract_strided_slice %rsqrt3A_426 {offsets = [26, 0], sizes = [1, 1], strides = [1, 1]} : vector<32x1xf32> to vector<1x1xf32>
    %mul3A_613 = vector.broadcast %slice3A_612 : vector<1x1xf32> to vector<1x128xf32>
    %mul3A_614 = arith.mulf %broadcast_in_dim3A_611, %mul3A_613 : vector<1x128xf32>
    %slice3A_615 = vector.extract_strided_slice %add3A_415 {offsets = [864, 0], sizes = [32, 128], strides = [1, 1]} : vector<1024x128xf32> to vector<32x128xf32>
    %reduce_min3A_616 = arith.constant dense<0x7F800000> : vector<128xf32>
    %reduce_min3A_617 = vector.multi_reduction <minimumf>, %slice3A_615, %reduce_min3A_616 [0] : vector<32x128xf32> to vector<128xf32>
    %broadcast_in_dim3A_618 = vector.shape_cast %reduce_min3A_617 : vector<128xf32> to vector<1x128xf32>
    %slice3A_619 = vector.extract_strided_slice %rsqrt3A_426 {offsets = [27, 0], sizes = [1, 1], strides = [1, 1]} : vector<32x1xf32> to vector<1x1xf32>
    %mul3A_620 = vector.broadcast %slice3A_619 : vector<1x1xf32> to vector<1x128xf32>
    %mul3A_621 = arith.mulf %broadcast_in_dim3A_618, %mul3A_620 : vector<1x128xf32>
    %slice3A_622 = vector.extract_strided_slice %add3A_415 {offsets = [896, 0], sizes = [32, 128], strides = [1, 1]} : vector<1024x128xf32> to vector<32x128xf32>
    %reduce_min3A_623 = arith.constant dense<0x7F800000> : vector<128xf32>
    %reduce_min3A_624 = vector.multi_reduction <minimumf>, %slice3A_622, %reduce_min3A_623 [0] : vector<32x128xf32> to vector<128xf32>
    %broadcast_in_dim3A_625 = vector.shape_cast %reduce_min3A_624 : vector<128xf32> to vector<1x128xf32>
    %slice3A_626 = vector.extract_strided_slice %rsqrt3A_426 {offsets = [28, 0], sizes = [1, 1], strides = [1, 1]} : vector<32x1xf32> to vector<1x1xf32>
    %mul3A_627 = vector.broadcast %slice3A_626 : vector<1x1xf32> to vector<1x128xf32>
    %mul3A_628 = arith.mulf %broadcast_in_dim3A_625, %mul3A_627 : vector<1x128xf32>
    %slice3A_629 = vector.extract_strided_slice %add3A_415 {offsets = [928, 0], sizes = [32, 128], strides = [1, 1]} : vector<1024x128xf32> to vector<32x128xf32>
    %reduce_min3A_630 = arith.constant dense<0x7F800000> : vector<128xf32>
    %reduce_min3A_631 = vector.multi_reduction <minimumf>, %slice3A_629, %reduce_min3A_630 [0] : vector<32x128xf32> to vector<128xf32>
    %broadcast_in_dim3A_632 = vector.shape_cast %reduce_min3A_631 : vector<128xf32> to vector<1x128xf32>
    %slice3A_633 = vector.extract_strided_slice %rsqrt3A_426 {offsets = [29, 0], sizes = [1, 1], strides = [1, 1]} : vector<32x1xf32> to vector<1x1xf32>
    %mul3A_634 = vector.broadcast %slice3A_633 : vector<1x1xf32> to vector<1x128xf32>
    %mul3A_635 = arith.mulf %broadcast_in_dim3A_632, %mul3A_634 : vector<1x128xf32>
    %slice3A_636 = vector.extract_strided_slice %add3A_415 {offsets = [960, 0], sizes = [32, 128], strides = [1, 1]} : vector<1024x128xf32> to vector<32x128xf32>
    %reduce_min3A_637 = arith.constant dense<0x7F800000> : vector<128xf32>
    %reduce_min3A_638 = vector.multi_reduction <minimumf>, %slice3A_636, %reduce_min3A_637 [0] : vector<32x128xf32> to vector<128xf32>
    %broadcast_in_dim3A_639 = vector.shape_cast %reduce_min3A_638 : vector<128xf32> to vector<1x128xf32>
    %slice3A_640 = vector.extract_strided_slice %rsqrt3A_426 {offsets = [30, 0], sizes = [1, 1], strides = [1, 1]} : vector<32x1xf32> to vector<1x1xf32>
    %mul3A_641 = vector.broadcast %slice3A_640 : vector<1x1xf32> to vector<1x128xf32>
    %mul3A_642 = arith.mulf %broadcast_in_dim3A_639, %mul3A_641 : vector<1x128xf32>
    %slice3A_643 = vector.extract_strided_slice %add3A_415 {offsets = [992, 0], sizes = [32, 128], strides = [1, 1]} : vector<1024x128xf32> to vector<32x128xf32>
    %reduce_min3A_644 = arith.constant dense<0x7F800000> : vector<128xf32>
    %reduce_min3A_645 = vector.multi_reduction <minimumf>, %slice3A_643, %reduce_min3A_644 [0] : vector<32x128xf32> to vector<128xf32>
    %broadcast_in_dim3A_646 = vector.shape_cast %reduce_min3A_645 : vector<128xf32> to vector<1x128xf32>
    %slice3A_647 = vector.extract_strided_slice %rsqrt3A_426 {offsets = [31, 0], sizes = [1, 1], strides = [1, 1]} : vector<32x1xf32> to vector<1x1xf32>
    %mul3A_648 = vector.broadcast %slice3A_647 : vector<1x1xf32> to vector<1x128xf32>
    %mul3A_649 = arith.mulf %broadcast_in_dim3A_646, %mul3A_648 : vector<1x128xf32>
    %concatenate3A_650 = tpu.concatenate %mul3A_432, %mul3A_439, %mul3A_446, %mul3A_453, %mul3A_460, %mul3A_467, %mul3A_474, %mul3A_481, %mul3A_488, %mul3A_495, %mul3A_502, %mul3A_509, %mul3A_516, %mul3A_523, %mul3A_530, %mul3A_537, %mul3A_544, %mul3A_551, %mul3A_558, %mul3A_565, %mul3A_572, %mul3A_579, %mul3A_586, %mul3A_593, %mul3A_600, %mul3A_607, %mul3A_614, %mul3A_621, %mul3A_628, %mul3A_635, %mul3A_642, %mul3A_649 in 0 : vector<1x128xf32>, vector<1x128xf32>, vector<1x128xf32>, vector<1x128xf32>, vector<1x128xf32>, vector<1x128xf32>, vector<1x128xf32>, vector<1x128xf32>, vector<1x128xf32>, vector<1x128xf32>, vector<1x128xf32>, vector<1x128xf32>, vector<1x128xf32>, vector<1x128xf32>, vector<1x128xf32>, vector<1x128xf32>, vector<1x128xf32>, vector<1x128xf32>, vector<1x128xf32>, vector<1x128xf32>, vector<1x128xf32>, vector<1x128xf32>, vector<1x128xf32>, vector<1x128xf32>, vector<1x128xf32>, vector<1x128xf32>, vector<1x128xf32>, vector<1x128xf32>, vector<1x128xf32>, vector<1x128xf32>, vector<1x128xf32>, vector<1x128xf32> -> vector<32x128xf32>
    %swap3A = arith.constant 0 : index
    %swap3A_651 = arith.constant 0 : index
    %swap3A_652 = vector.load %arg10[%swap3A, %swap3A_651] : memref<32x128xf32, #tpu.memory_space<vmem>>, vector<32x128xf32>
    tpu.vector_store %arg10[%swap3A, %swap3A_651], %concatenate3A_650 {strides = array<i32>} : memref<32x128xf32, #tpu.memory_space<vmem>>, vector<32x128xf32>,
    return
  }
  func.func @transform_0(%arg0: i32) -> (i32, i32) {
    %c0_i32 = arith.constant 0 : i32
    %c0_i32_0 = arith.constant 0 : i32
    return %arg0, %c0_i32 : i32, i32
  }
  func.func @transform_1(%arg0: i32) -> (i32, i32, i32) {
    %c0_i32 = arith.constant 0 : i32
    %c0_i32_0 = arith.constant 0 : i32
    %c0_i32_1 = arith.constant 0 : i32
    return %arg0, %c0_i32, %c0_i32_0 : i32, i32, i32
  }
  func.func @transform_2(%arg0: i32) -> (i32, i32, i32) {
    %c0_i32 = arith.constant 0 : i32
    %c0_i32_0 = arith.constant 0 : i32
    %c0_i32_1 = arith.constant 0 : i32
    return %arg0, %c0_i32, %c0_i32_0 : i32, i32, i32
  }
  func.func @transform_3(%arg0: i32) -> (i32, i32) {
    %c0_i32 = arith.constant 0 : i32
    %c0_i32_0 = arith.constant 0 : i32
    %c0_i32_1 = arith.constant 0 : i32
    return %c0_i32, %c0_i32_0 : i32, i32
  }
  func.func @transform_4(%arg0: i32) -> (i32, i32) {
    %c0_i32 = arith.constant 0 : i32
    %c0_i32_0 = arith.constant 0 : i32
    %c0_i32_1 = arith.constant 0 : i32
    return %c0_i32, %c0_i32_0 : i32, i32
  }
  func.func @transform_5(%arg0: i32) -> (i32, i32) {
    %c0_i32 = arith.constant 0 : i32
    %c0_i32_0 = arith.constant 0 : i32
    %c0_i32_1 = arith.constant 0 : i32
    return %c0_i32, %c0_i32_0 : i32, i32
  }
  func.func @transform_6(%arg0: i32) -> (i32, i32) {
    %c0_i32 = arith.constant 0 : i32
    %c0_i32_0 = arith.constant 0 : i32
    %c0_i32_1 = arith.constant 0 : i32
    return %c0_i32, %c0_i32_0 : i32, i32
  }
  func.func @transform_7(%arg0: i32) -> (i32, i32) {
    %c0_i32 = arith.constant 0 : i32
    %c0_i32_0 = arith.constant 0 : i32
    %c0_i32_1 = arith.constant 0 : i32
    return %c0_i32, %c0_i32_0 : i32, i32
  }
  func.func @transform_8(%arg0: i32) -> (i32, i32) {
    %c0_i32 = arith.constant 0 : i32
    %c0_i32_0 = arith.constant 0 : i32
    %c0_i32_1 = arith.constant 0 : i32
    return %c0_i32, %c0_i32_0 : i32, i32
  }
  func.func @transform_9(%arg0: i32) -> (i32, i32) {
    %c0_i32 = arith.constant 0 : i32
    %c0_i32_0 = arith.constant 0 : i32
    return %arg0, %c0_i32 : i32, i32
  }
}

module attributes {stable_mosaic.version = 14 : i64} {
  func.func @_fin_body(%arg0: i32, %arg1: memref<256x2xf32, #tpu.memory_space<vmem>>, %arg2: memref<2x256x128xf32, #tpu.memory_space<vmem>>, %arg3: memref<1x128xf32, #tpu.memory_space<vmem>>, %arg4: memref<256x128xf32, #tpu.memory_space<vmem>>) attributes {dimension_semantics = [#tpu.dimension_semantics<arbitrary>], iteration_bounds = array<i64: 16>, scalar_prefetch = 0 : i64, scratch_operands = 0 : i64, tpu.core_type = #tpu.core_type<tc>, window_params = [{transform_indices = @transform_0, window_bounds = array<i64: 256, 2>}, {transform_indices = @transform_1, window_bounds = array<i64: 2, 256, 128>}, {pipeline_mode = #tpu.pipeline_mode<synchronous>, transform_indices = @transform_2, window_bounds = array<i64: 1, 128>}, {transform_indices = @transform_3, window_bounds = array<i64: 256, 128>}]} {
    %get3A = arith.constant 0 : index
    %get3A_0 = arith.constant 0 : index
    %get3A_1 = vector.load %arg1[%get3A, %get3A_0] : memref<256x2xf32, #tpu.memory_space<vmem>>, vector<256x1xf32>
    %get3A_2 = arith.constant 0 : index
    %get3A_3 = arith.constant 1 : index
    %get3A_4 = vector.load %arg1[%get3A_2, %get3A_3] : memref<256x2xf32, #tpu.memory_space<vmem>>, vector<256x1xf32>
    %add3A = arith.addf %get3A_1, %get3A_4 : vector<256x1xf32>
    %add3A_5 = arith.constant 1.000000e+00 : f32
    %add3A_6 = vector.broadcast %add3A_5 : f32 to vector<256x1xf32>
    %add3A_7 = arith.addf %add3A, %add3A_6 : vector<256x1xf32>
    %rsqrt3A = math.rsqrt %add3A_7 : vector<256x1xf32>
    %get3A_8 = arith.constant 0 : index
    %get3A_9 = arith.constant 0 : index
    %get3A_10 = arith.constant 0 : index
    %get3A_11 = vector.load %arg2[%get3A_8, %get3A_9, %get3A_10] : memref<2x256x128xf32, #tpu.memory_space<vmem>>, vector<2x256x128xf32>
    %slice3A = vector.extract_strided_slice %get3A_11 {offsets = [0, 0, 0], sizes = [1, 256, 128], strides = [1, 1, 1]} : vector<2x256x128xf32> to vector<1x256x128xf32>
    %squeeze3A = vector.shape_cast %slice3A : vector<1x256x128xf32> to vector<256x128xf32>
    %slice3A_12 = vector.extract_strided_slice %get3A_11 {offsets = [1, 0, 0], sizes = [1, 256, 128], strides = [1, 1, 1]} : vector<2x256x128xf32> to vector<1x256x128xf32>
    %squeeze3A_13 = vector.shape_cast %slice3A_12 : vector<1x256x128xf32> to vector<256x128xf32>
    %add3A_14 = arith.addf %squeeze3A, %squeeze3A_13 : vector<256x128xf32>
    %mul3A = vector.broadcast %rsqrt3A : vector<256x1xf32> to vector<256x128xf32>
    %mul3A_15 = arith.mulf %mul3A, %add3A_14 : vector<256x128xf32>
    %get3A_16 = arith.constant 0 : index
    %get3A_17 = arith.constant 0 : index
    %get3A_18 = vector.load %arg3[%get3A_16, %get3A_17] : memref<1x128xf32, #tpu.memory_space<vmem>>, vector<1x128xf32>
    %add3A_19 = vector.broadcast %get3A_18 : vector<1x128xf32> to vector<256x128xf32>
    %add3A_20 = arith.addf %mul3A_15, %add3A_19 : vector<256x128xf32>
    %swap3A = arith.constant 0 : index
    %swap3A_21 = arith.constant 0 : index
    %swap3A_22 = vector.load %arg4[%swap3A, %swap3A_21] : memref<256x128xf32, #tpu.memory_space<vmem>>, vector<256x128xf32>
    tpu.vector_store %arg4[%swap3A, %swap3A_21], %add3A_20 {strides = array<i32>} : memref<256x128xf32, #tpu.memory_space<vmem>>, vector<256x128xf32>,
    return
  }
  func.func @transform_0(%arg0: i32) -> (i32, i32) {
    %c0_i32 = arith.constant 0 : i32
    %c0_i32_0 = arith.constant 0 : i32
    return %arg0, %c0_i32 : i32, i32
  }
  func.func @transform_1(%arg0: i32) -> (i32, i32, i32) {
    %c0_i32 = arith.constant 0 : i32
    %c0_i32_0 = arith.constant 0 : i32
    %c0_i32_1 = arith.constant 0 : i32
    return %c0_i32, %arg0, %c0_i32_0 : i32, i32, i32
  }
  func.func @transform_2(%arg0: i32) -> (i32, i32) {
    %c0_i32 = arith.constant 0 : i32
    %c0_i32_0 = arith.constant 0 : i32
    %c0_i32_1 = arith.constant 0 : i32
    return %c0_i32, %c0_i32_0 : i32, i32
  }
  func.func @transform_3(%arg0: i32) -> (i32, i32) {
    %c0_i32 = arith.constant 0 : i32
    %c0_i32_0 = arith.constant 0 : i32
    return %arg0, %c0_i32 : i32, i32
  }
}

</mosaic_0001>

<sc_bundles>
// kernel: kernel.11.cloned.1.call-start
scs
__scs_entry_jumppad:
0x0: {  	(pc) =	sbr.rel $0x88, $3  }
0x1: {  	(tag) =	ssettag $0x0;
	lr =	simm.s32 $0x1  }
0x2: {  	[smem:$0x3F94] =	sst lr;
	_ =	strace $0xD0000000  }
0x3: {  	_ = 	snop  }
0x4: {  	_ = 	snop  }
0x5: {  	_ = 	snop  }
0x6: {  	_ = 	snop  }
0x7: {  	_ = 	snop  }
__scs_overlays_trampoline_lowered:
0x8: {  	[smem:$0x3FA3] =	sst s0  }
0x9: {  	[smem:$0x3FA4] =	sst s1  }
0xa: {  	[smem:$0x3FA5] =	sst s2  }
0xb: {  	[smem:$0x3FA6] =	sst s3  }
0xc: {  	[smem:$0x3FA7] =	sst s4  }
0xd: {  	[smem:$0x3FA8] =	sst s5  }
0xe: {  	[smem:$0x3FA9] =	sst s6  }
0xf: {  	[smem:$0x3FAA] =	sst s7  }
0x10: {  	[smem:$0x3FAB] =	sst s8  }
0x11: {  	[smem:$0x3FAC] =	sst s9;
	s0 =	simm.s32 @!p0 $0x0  }
0x12: {  	s1 =	sld [smem:$0x3F92];
	s0 =	simm.s32 @p0 $0x1  }
0x13: {  	[smem:$0x3FAD] =	sst s0;
	s0 =	simm.s32 @!p1 $0x0  }
0x14: {  	s2 =	sld [smem:$0x3F91];
	s0 =	simm.s32 @p1 $0x1  }
0x15: {  	[smem:$0x3FAE] =	sst s0;
	s0 =	simm.s32 @!p2 $0x0  }
0x16: {  	s3 =	sld [smem:$0x3FDB];
	s0 =	simm.s32 @p2 $0x1  }
0x17: {  	s4 =	simm.s32 $0x1BF5;
	[smem:$0x3FB0] =	sst s0  }
0x18: {  	s0 =	sld [smem:$0x3F93];
	_ =	swait.ge [sflag:s4], $0x0  }
0x19: {  	s7 =	sld [smem:$0x3F94]  }
0x1a: {  	s8 =	sadd.s32 $0xFFFFE003, lr  }
0x1b: {  	s9 =	sadd.s32 $0xFFFFFEF7, lr;
	s5 =	simm.s32 $0xFFFFFFFF;
	p2 =	slt.u32 s8, $0xFFFFF086  }
0x1c: {  	p1 =	slt.u32 s9, $0xF7A;
	s5 =	simm.s32 @!p2 $0x0  }
0x1d: {  	s5 =	simm.s32 @p1 $0x1;
	p0 =	seq.s32 s7, s2  }
0x1e: {  	s7 =	smul.u32 @!p0 $0xF7A, s2;
	p2 =	seq.s32 @!p0 s5, $0x0  }
0x1f: {  	s9 =	smul.u32 $0xF7A, s1;
	s8 =	simm.s32 @!p0 $0x1BF5;
	p2 =	por !p2, p0  }
0x20: {  	[sflag:s8] =	ssyncset.s32 @!p0 $0xFFFFF086;
	s6 =	sadd.s32 @!p0 s3, s7;
	s7 =	simm.s32 @!p0 $0x108  }
0x21: {  	s3 =	sadd.s32 s3, s9;
	s6 =	sadd.s32 @!p0 $0x88, s6;
	s7 =	simm.s32 @p2 $0x1082  }
0x22: {  	[simem:s7], [sflag:s8] =	dma.local @!p0 [hbm:s6], $0xF7A  }
0x23: {  	s9 =	sor.u32 $0xD0000000, s2;
	s6 =	simm.s32 $0x108;
	_ =	swait.ge @!p0 [sflag:s8], $0x0  }
0x24: {  	s3 =	sadd.s32 $0x88, s3;
	s6 =	simm.s32 @!p1 $0x1082;
	[sflag:s4] =	ssyncset.s32 $0xFFFFF086  }
0x25: {  	[simem:s6], [sflag:s4] =	dma.local [hbm:s3], $0xF7A  }
0x26: {  	[smem:$0x3F94] =	sst s1;
	(tag) =	ssettag s2;
	_ =	strace s9  }
0x27: {  	s1 =	sld [smem:$0x3FA4]  }
0x28: {  	s2 =	sld [smem:$0x3FA5]  }
0x29: {  	s4 =	sld [smem:$0x3FA7]  }
0x2a: {  	p0 =	seq.s32 s5, $0x0;
	s5 =	sld [smem:$0x3FA8]  }
0x2b: {  	s6 =	sld [smem:$0x3FA9]  }
0x2c: {  	s7 =	sld [smem:$0x3FAA]  }
0x2d: {  	s3 =	simm.s32 $0x108;
	s8 =	sld [smem:$0x3FAB]  }
0x2e: {  	s3 =	simm.s32 @!p0 $0x1082;
	s9 =	sld [smem:$0x3FAC]  }
0x2f: {  	lr =	sadd.s32 s0, s3;
	s0 =	sld [smem:$0x3FA3]  }
0x30: {  	s3 =	sld [smem:$0x3FA6]  }
0x31: {  	[smem:$0x3FAF] =	sst s10  }
0x32: {  	s10 =	sld [smem:$0x3FAD];
	_ =	sdelay $0x3  }
0x33: {  	p0 =	seq.s32 s10, $0x1;
	s10 =	sld [smem:$0x3FAF];
	_ =	sdelay $0x3  }
0x34: {  	[smem:$0x3FAF] =	sst s10  }
0x35: {  	s10 =	sld [smem:$0x3FAE];
	_ =	sdelay $0x3  }
0x36: {  	p1 =	seq.s32 s10, $0x1;
	s10 =	sld [smem:$0x3FAF];
	_ =	sdelay $0x3  }
0x37: {  	[smem:$0x3FAF] =	sst s10  }
0x38: {  	s10 =	sld [smem:$0x3FB0]  }
0x39: {  	_ = 	snop;
	(pc) =	sbr.ind lr, $3  }
0x3a: {  	_ = 	snop  }
0x3b: {  	_ = 	snop  }
0x3c: {  	p2 =	seq.s32 s10, $0x1;
	s10 =	sld [smem:$0x3FAF]  }
0x3d: {  	_ =	shalt  }
0x3e: {  	_ =	shalt  }
0x3f: {  	_ =	shalt  }
0x40: {  	_ =	shalt  }
0x41: {  	_ =	shalt  }
0x42: {  	_ =	shalt  }
0x43: {  	_ =	shalt  }
0x44: {  	_ =	shalt  }
0x45: {  	_ =	shalt  }
0x46: {  	_ =	shalt  }
0x47: {  	_ =	shalt  }
0x48: {  	_ =	shalt  }
0x49: {  	_ =	shalt  }
0x4a: {  	_ =	shalt  }
0x4b: {  	_ =	shalt  }
0x4c: {  	_ =	shalt  }
0x4d: {  	_ =	shalt  }
0x4e: {  	_ =	shalt  }
0x4f: {  	_ =	shalt  }
0x50: {  	_ =	shalt  }
0x51: {  	_ =	shalt  }
0x52: {  	_ =	shalt  }
0x53: {  	_ =	shalt  }
0x54: {  	_ =	shalt  }
0x55: {  	_ =	shalt  }
0x56: {  	_ =	shalt  }
0x57: {  	_ =	shalt  }
0x58: {  	_ =	shalt  }
0x59: {  	_ =	shalt  }
0x5a: {  	_ =	shalt  }
0x5b: {  	_ =	shalt  }
0x5c: {  	_ =	shalt  }
0x5d: {  	_ =	shalt  }
0x5e: {  	_ =	shalt  }
0x5f: {  	_ =	shalt  }
0x60: {  	_ =	shalt  }
0x61: {  	_ =	shalt  }
0x62: {  	_ =	shalt  }
0x63: {  	_ =	shalt  }
0x64: {  	_ =	shalt  }
0x65: {  	_ =	shalt  }
0x66: {  	_ =	shalt  }
0x67: {  	_ =	shalt  }
0x68: {  	_ =	shalt  }
0x69: {  	_ =	shalt  }
0x6a: {  	_ =	shalt  }
0x6b: {  	_ =	shalt  }
0x6c: {  	_ =	shalt  }
0x6d: {  	_ =	shalt  }
0x6e: {  	_ =	shalt  }
0x6f: {  	_ =	shalt  }
0x70: {  	_ =	shalt  }
0x71: {  	_ =	shalt  }
0x72: {  	_ =	shalt  }
0x73: {  	_ =	shalt  }
0x74: {  	_ =	shalt  }
0x75: {  	_ =	shalt  }
0x76: {  	_ =	shalt  }
0x77: {  	_ =	shalt  }
0x78: {  	_ =	shalt  }
0x79: {  	_ =	shalt  }
0x7a: {  	_ =	shalt  }
0x7b: {  	_ =	shalt  }
0x7c: {  	_ =	shalt  }
0x7d: {  	_ =	shalt  }
0x7e: {  	_ =	shalt  }
0x7f: {  	_ =	shalt  }
0x80: {  	_ =	shalt  }
0x81: {  	_ =	shalt  }
0x82: {  	_ =	shalt  }
0x83: {  	_ =	shalt  }
0x84: {  	_ =	shalt  }
0x85: {  	_ =	shalt  }
0x86: {  	_ =	shalt  }
0x87: {  	_ =	shalt  }
.Lfunc_end0:
.L_simem_size_0:
called_computation.1_lowered:
.L_overlay_start_0:
0x88: {  	s2 =	sld [smem:$0x3FD9]  }
0x89: {  	s3 =	sld [smem:$0x3FFE];
	_ =	sdelay $0x1  }
0x8a: {  	s1 =	srdreg.scid  }
0x8b: {  	s0 =	sand.u32 $0x1, s1  }
0x8c: {  	s17 =	sshll.u32 s0, $0xA;
	s2 =	sadd.s32 s3, s2  }
0x8d: {  	s2 =	sadd.s32 s2, s17  }
0x8e: {  	[smem:$0x3FBB] =	sst s2  }
0x8f: {  	_ = 	snop  }
0x90: {  	s2 =	sld [smem:$0x3FD0];
	(tm) =	ssettm $0x1  }
0x91: {  	s18 =	sld [smem:$0x3FFB];
	_ =	sdelay $0x3  }
0x92: {  	_ =	strace s18  }
0x93: {  	s3 =	sld [smem:$0x3FFC];
	_ =	sdelay $0x3  }
0x94: {  	_ =	strace s3  }
0x95: {  	s3 =	sld [smem:$0x3FFD];
	_ =	sdelay $0x3  }
0x96: {  	_ =	strace s3  }
0x97: {  	_ =	strace $0x8FFFFFFF  }
0x98: {  	s19 =	sld [smem:$0x3FDB];
	_ =	sdelay $0x1  }
0x99: {  	s4 =	simm.s32 $_scs_section_size  }
0x9a: {  	s5 =	simm.s32 $_size__tile_overlayer_lowered;
	s6 =	simm.s32 $_tile_overlayer_lowered  }
0x9b: {  	s22 =	simm.s32 $0x1BFF;
	s21 =	sshll.u32 s6, $0x1;
	s3 =	sadd.s32 s4, s19  }
0x9c: {  	s7 =	simm.s32 $0x0;
	s20 =	sshll.u32 s5, $0x1;
	s5 =	sadd.s32 s21, s3  }
0x9d: {  	[timem:s7], [sflag:s22] =	dma.local [hbm:s5], s20  }
0x9e: {  	_ =	swait.ge [sflag:s22], s20  }
0x9f: {  	s4 =	ssub.s32 $0x0, s20;
	[sflag:s22] =	ssyncset.done $0x0  }
0xa0: {  	[sflag:s22] =	ssyncadd.s32 s4;
	_ =	sdelay $0x1  }
0xa1: {  	s23 =	simm.s32 $0x1B8B  }
0xa2: {  	_ =	swait.ge [sflag:s23], $0x1  }
0xa3: {  	[sflag:s23] =	ssyncset.done $0x0  }
0xa4: {  	s25 =	simm.s32 $0x1B8E;
	s24 =	sld [smem:$0x3FFE];
	[sflag:s23] =	ssyncadd.s32 $0xFFFFFFFF  }
0xa5: {  	s26 =	simm.s32 $execute0_lowered;
	[smem:$0x3FD2] =	sst s25  }
0xa6: {  	s5 =	sshll.u32 s26, $0x1;
	_ =	strace $0x80000049;
	[dreg:$0x1] =	wrdreg $0xFFFFFFFF  }
0xa7: {  	s28 =	simm.s32 $_size_execute0_lowered;
	s3 =	sadd.s32 s3, s5;
	[dreg:$0x0] =	wrdreg $0x0  }
0xa8: {  	s5 =	sshll.u32 s28, $0x1;
	[dreg:$0x2] =	wrdreg s3  }
0xa9: {  	[dreg:$0x3] =	wrdreg s5  }
0xaa: {  	[dreg:$0x4] =	wrdreg $0xC0  }
0xab: {  	_ =	task [dreg:s7], $0x5FFFF  }
0xac: {  	[dreg:$0x1] =	wrdreg $0xFFFFFFFF  }
0xad: {  	[dreg:$0x0] =	wrdreg $0x60  }
0xae: {  	[dreg:$0x2] =	wrdreg s2  }
0xaf: {  	[dreg:$0x3] =	wrdreg s24  }
0xb0: {  	[dreg:$0x4] =	wrdreg $0xA0000  }
0xb1: {  	[dreg:$0x5] =	wrdreg $0x9  }
0xb2: {  	_ =	task.clear_ibuf [dreg:s7], $0x6FFFF;
	_ =	strace $0x90000049  }
0xb3: {  	s29 =	simm.s32 $0x9;
	_ =	strace $0x8000004B  }
0xb4: {  	_ =	swait.ge [sflag:s29], $0x1  }
0xb5: {  	[sflag:s29] =	ssyncadd.s32 $0xFFFFFFFF  }
0xb6: {  	_ =	strace $0x9000004B  }
0xb7: {  	_ =	sfence  }
0xb8: {  	s30 =	sld [smem:$0x0];
	_ =	sdelay $0x2  }
0xb9: {  	s31 =	sshll.u32 s1, $0xD;
	s1 =	sshrl.u32 s1, $0x2  }
0xba: {  	s3 =	sand.u32 $0x4000, s31;
	s1 =	sadd.s32 s1, s30  }
0xbb: {  	s0 =	sor.u32 s3, s0;
	s1 =	sshll.u32 s1, $0x11  }
0xbc: {  	s0 =	sor.u32 s1, s0  }
0xbd: {  	s0 =	sadd.s32 $0x8F2B, s0  }
0xbe: {  	[sflag:s0] =	ssyncadd.remote.s32 $0x1  }
0xbf: {  	_ =	sfence.sel $0xFFFF  }
0xc0: {  	[dreg:$0x0] =	wrdreg $0xFFFFFFFF;
	(pc) =	sbr.abs _section_cstart, $3  }
0xc1: {  	[dreg:$0x1] =	wrdreg $0xFFFFFFFF  }
0xc2: {  	_ =	task.clear_ibuf [dreg:s7], $0x2FFFF;
	_ =	strace $0x9FFFFFFF  }
0xc3: {  	(tm) =	ssettm $0x7FFFFFFF  }
tec
execute0_lowered:
.L_overlay_start_1:
0x0: {  	(tag) =	ssettag $0x1  }
0x1: {  	s1 =	rddreg [dreg:$0x0]  }
0x2: {  	s2 =	srdreg.scid;
	s5 =	rddreg [dreg:$0x1]  }
0x3: {  	s0 =	stileid.u32;
	s3 =	rddreg [dreg:$0x2]  }
0x4: {  	s4 =	simm.s32 $0x0;
	s15 =	simm.s32 $0x2000;
	s16 =	simm.s32 $0x6000  }
0x5: {  	s17 =	simm.s32 $0x1;
	s18 =	simm.s32 $0x2;
	s19 =	simm.s32 $0xF80  }
0x6: {  	s20 =	simm.s32 $0x1F00;
	s21 =	simm.s32 $0x1F80;
	s22 =	simm.s32 $0x0  }
0x7: {  	s10 =	sand.u32 $0x1, s2;
	s7 =	sshll.u32 s0, $0xC;
	s2 =	rddreg [dreg:$0x3]  }
0x8: {  	[smem:$0x7FF] =	sst s4;
	s12 =	sadd.s32 $0xAC00, s5;
	s30 =	sshll.u32 s0, $0xF  }
0x9: {  	s31 =	sshll.u32 s0, $0x6;
	s8 =	sshll.u32 s10, $0x10;
	s9 =	ssub.s32 $0x2, s10  }
0xa: {  	_ =	strace $0x8000004A;
	s13 =	sadd.s32 s7, s5;
	s14 =	sadd.s32 s30, s3  }
0xb: {  	p0 =	sne.s32 s10, $0x0;
	s10 =	simm.s32 $0x3;
	s6 =	sor.u32 s7, s8  }
0xc: {  	s11 =	sshrl.u32 s9, $0x1;
	s7 =	sadd.s32 s1, s7;
	s8 =	sadd.s32 s8, s13  }
0xd: {  	s13 =	sshrl.u32 s14, $0x3;
	s14 =	simm.s32 $0x80;
	s6 =	sshrl.u32 s6, $0x3  }
0xe: {  	s9 =	ssub.s32 s9, s11;
	s8 =	sadd.s32 $0xBC00, s8;
	s11 =	simm.s32 $0x1000  }
0xf: {  	s7 =	smov.u32 @p0 s12;
	s12 =	sor.u32 $0x1C03, s31;
	s6 =	sadd.s32 s6, s5  }
0x10: {  	s9 =	smax.u32 s9, $0x1;
	s5 =	sadd.s32 $0x2C00, s6;
	s6 =	sadd.s32 $0x6C00, s6  }
.LBB2_1:
0x11: {  	[tilespmem:s4], [sflag:$0x3] =	stream.linear.gather [hbm4b:s5+s4], $0x1000, $0x38;
	[tilespmem:$0x12000] =	vst v63  }
0x12: {  	_ =	swait.ge [sflag:s10], $0x1000  }
0x13: {  	[sflag:s10] =	ssyncset.done $0x0  }
0x14: {  	[sflag:s10] =	ssyncadd.s32 $0xFFFFF000  }
0x15: {  	[tilespmem:s11], [sflag:$0x3] =	stream.linear.gather [hbm4b:s6+s4], $0x1000, $0x38;
	[tilespmem:$0x12000] =	vst v63  }
0x16: {  	_ =	swait.ge [sflag:s10], $0x1000  }
0x17: {  	[sflag:s10] =	ssyncset.done $0x0  }
0x18: {  	[sflag:s10] =	ssyncadd.s32 $0xFFFFF000  }
0x19: {  	[spmem:s13], [sflag:s12] =	dma.local [hbm:s7], $0x1000  }
0x1a: {  	_ =	swait.ge [sflag:s10], $0x1000  }
0x1b: {  	[sflag:s10] =	ssyncset.done $0x0  }
0x1c: {  	[sflag:s10] =	ssyncadd.s32 $0xFFFFF000  }
0x1d: {  	[bflag:$0x0] =	sbarrier.arrive $0xFFFF  }
0x1e: {  	[tilespmem:s15], [sflag:$0x1] =	stream.indirect.gather [hbm4b:s1+s14], $0x80, s4, s14, $0xb8;
	[tilespmem:$0x12000] =	vst v63  }
0x1f: {  	s23 =	simm.s32 $0x80  }
0x20: {  	[tilespmem:s16], [sflag:$0x2] =	stream.indirect.gather [hbm4b:s1+s14], $0x80, s23, s14, $0xb8;
	[tilespmem:$0x12000] =	vst v63  }
0x21: {  	_ =	swait.ge [sflag:s17], $0x4000  }
0x22: {  	[sflag:s17] =	ssyncset.done $0x0  }
0x23: {  	s29 =	simm.s32 $0x1000;
	[sflag:s17] =	ssyncadd.s32 $0xFFFFC000  }
0x24: {  	[spmem:s3] =	stream.indirect.scatter.add.f32 [tilespmem:s15], [sflag:$0x3], $0x80, s29, s14, $0xb8;
	[tilespmem:$0x12000] =	vst v63  }
0x25: {  	_ =	swait.ge [sflag:s10], $0x4000  }
0x26: {  	[sflag:s10] =	ssyncset.done $0x0  }
0x27: {  	s30 =	simm.s32 $0x100;
	[sflag:s10] =	ssyncadd.s32 $0xFFFFC000  }
0x28: {  	[tilespmem:s15], [sflag:$0x1] =	stream.indirect.gather [hbm4b:s1+s14], $0x80, s30, s14, $0xb8;
	[tilespmem:$0x12000] =	vst v63  }
0x29: {  	_ =	swait.ge [sflag:s18], $0x4000  }
0x2a: {  	[sflag:s18] =	ssyncset.done $0x0  }
0x2b: {  	s31 =	simm.s32 $0x1080;
	[sflag:s18] =	ssyncadd.s32 $0xFFFFC000  }
0x2c: {  	[spmem:s3] =	stream.indirect.scatter.add.f32 [tilespmem:s16], [sflag:$0x3], $0x80, s31, s14, $0xb8;
	[tilespmem:$0x12000] =	vst v63  }
0x2d: {  	_ =	swait.ge [sflag:s10], $0x4000  }
0x2e: {  	s24 =	simm.s32 $0x800;
	s23 =	simm.s32 $0x100;
	[sflag:s10] =	ssyncset.done $0x0  }
.LBB2_2:
0x2f: {  	s25 =	sadd.s32 $0x80, s23  }
0x30: {  	[sflag:s10] =	ssyncadd.s32 $0xFFFFC000;
	s26 =	smov.u32 s24;
	s28 =	sadd.s32 $0x400, s24  }
0x31: {  	[tilespmem:s16], [sflag:$0x2] =	stream.indirect.gather [hbm4b:s1+s14], $0x80, s25, s14, $0xb8;
	[tilespmem:$0x12000] =	vst v63  }
0x32: {  	p0 =	sne.s32 s24, $0x3800;
	_ =	swait.ge [sflag:s17], $0x4000  }
0x33: {  	[sflag:s17] =	ssyncset.done $0x0  }
0x34: {  	s24 =	sadd.s32 $0x1000, s23;
	[sflag:s17] =	ssyncadd.s32 $0xFFFFC000  }
0x35: {  	[spmem:s3] =	stream.indirect.scatter.add.f32 [tilespmem:s15], [sflag:$0x3], $0x80, s24, s14, $0xb8;
	[tilespmem:$0x12000] =	vst v63  }
0x36: {  	_ =	swait.ge [sflag:s10], $0x4000  }
0x37: {  	[sflag:s10] =	ssyncset.done $0x0  }
0x38: {  	s24 =	sadd.s32 $0x100, s23;
	[sflag:s10] =	ssyncadd.s32 $0xFFFFC000  }
0x39: {  	[tilespmem:s15], [sflag:$0x1] =	stream.indirect.gather [hbm4b:s1+s14], $0x80, s24, s14, $0xb8;
	[tilespmem:$0x12000] =	vst v63  }
0x3a: {  	_ =	swait.ge [sflag:s18], $0x4000  }
.Ltmp0:
0x3b: {  	[sflag:s18] =	ssyncset.done $0x0;
	(pc) =	sbr.rel @p0 .LBB2_2-.Ltmp0, $4  }
0x3c: {  	s23 =	sadd.s32 $0x1080, s23;
	[sflag:s18] =	ssyncadd.s32 $0xFFFFC000  }
0x3d: {  	[spmem:s3] =	stream.indirect.scatter.add.f32 [tilespmem:s16], [sflag:$0x3], $0x80, s23, s14, $0xb8;
	[tilespmem:$0x12000] =	vst v63  }
0x3e: {  	_ =	swait.ge [sflag:s10], $0x4000  }
0x3f: {  	s24 =	smov.u32 s28;
	s23 =	sshra.s32 s26, $0x2;
	[sflag:s10] =	ssyncset.done $0x0  }
0x40: {  	s24 =	sadd.s32 $0x80, s23;
	[sflag:s10] =	ssyncadd.s32 $0xFFFFC000  }
0x41: {  	[tilespmem:s16], [sflag:$0x2] =	stream.indirect.gather [hbm4b:s1+s14], $0x80, s24, s14, $0xb8;
	[tilespmem:$0x12000] =	vst v63  }
0x42: {  	_ =	swait.ge [sflag:s17], $0x4000  }
0x43: {  	[sflag:s17] =	ssyncset.done $0x0  }
0x44: {  	s29 =	sadd.s32 $0x1000, s23;
	[sflag:s17] =	ssyncadd.s32 $0xFFFFC000  }
0x45: {  	[spmem:s3] =	stream.indirect.scatter.add.f32 [tilespmem:s15], [sflag:$0x3], $0x80, s29, s14, $0xb8;
	[tilespmem:$0x12000] =	vst v63  }
0x46: {  	_ =	swait.ge [sflag:s10], $0x4000  }
0x47: {  	[sflag:s10] =	ssyncset.done $0x0  }
0x48: {  	s30 =	sadd.s32 $0x100, s23;
	[sflag:s10] =	ssyncadd.s32 $0xFFFFC000  }
0x49: {  	[tilespmem:s15], [sflag:$0x1] =	stream.indirect.gather [hbm4b:s1+s14], $0x80, s30, s14, $0xb8;
	[tilespmem:$0x12000] =	vst v63  }
0x4a: {  	_ =	swait.ge [sflag:s18], $0x4000  }
0x4b: {  	[sflag:s18] =	ssyncset.done $0x0  }
0x4c: {  	s31 =	sadd.s32 $0x1080, s23;
	[sflag:s18] =	ssyncadd.s32 $0xFFFFC000  }
0x4d: {  	[spmem:s3] =	stream.indirect.scatter.add.f32 [tilespmem:s16], [sflag:$0x3], $0x80, s31, s14, $0xb8;
	[tilespmem:$0x12000] =	vst v63  }
0x4e: {  	_ =	swait.ge [sflag:s10], $0x4000  }
0x4f: {  	[sflag:s10] =	ssyncset.done $0x0  }
0x50: {  	[sflag:s10] =	ssyncadd.s32 $0xFFFFC000  }
0x51: {  	[tilespmem:s16], [sflag:$0x2] =	stream.indirect.gather [hbm4b:s1+s14], $0x80, s19, s14, $0xb8;
	[tilespmem:$0x12000] =	vst v63  }
0x52: {  	_ =	swait.ge [sflag:s17], $0x4000  }
0x53: {  	[sflag:s17] =	ssyncset.done $0x0  }
0x54: {  	[sflag:s17] =	ssyncadd.s32 $0xFFFFC000  }
0x55: {  	[spmem:s3] =	stream.indirect.scatter.add.f32 [tilespmem:s15], [sflag:$0x3], $0x80, s20, s14, $0xb8;
	[tilespmem:$0x12000] =	vst v63  }
0x56: {  	_ =	swait.ge [sflag:s10], $0x4000  }
0x57: {  	[sflag:s10] =	ssyncset.done $0x0  }
0x58: {  	[sflag:s10] =	ssyncadd.s32 $0xFFFFC000  }
0x59: {  	_ =	swait.ge [sflag:s18], $0x4000  }
0x5a: {  	[sflag:s18] =	ssyncset.done $0x0  }
0x5b: {  	[sflag:s18] =	ssyncadd.s32 $0xFFFFC000  }
0x5c: {  	[spmem:s3] =	stream.indirect.scatter.add.f32 [tilespmem:s16], [sflag:$0x3], $0x80, s21, s14, $0xb8;
	[tilespmem:$0x12000] =	vst v63  }
0x5d: {  	_ =	swait.ge [sflag:s10], $0x4000  }
0x5e: {  	s22 =	sadd.s32 $0x1, s22;
	[sflag:s10] =	ssyncset.done $0x0  }
0x5f: {  	p0 =	sne.s32 s22, s9;
	[sflag:s10] =	ssyncadd.s32 $0xFFFFC000  }
.Ltmp1:
0x60: {  	[bflag:$0x0] =	sbarrier.arrive $0xFFFF;
	(pc) =	sbr.rel @p0 .LBB2_1-.Ltmp1, $4  }
0x61: {  	[hbm:s8], [sflag:s12] =	dma.local [spmem:s13], $0x1000  }
0x62: {  	_ =	swait.ge [sflag:s10], $0x1000  }
0x63: {  	[sflag:s10] =	ssyncset.done $0x0  }
0x64: {  	[sflag:s10] =	ssyncadd.s32 $0xFFFFF000  }
0x65: {  	_ =	sfence.sel $0x180000  }
0x66: {  	[bflag:$0x0] =	sbarrier.arrive $0xFFFF  }
0x67: {  	p0 =	sne.s32 s0, $0x0;
	_ =	strace $0x9000004A  }
0x68: {  	s0 =	sadd.s32 @!p0 $0x100000, s2;
	[bflag:$0x2] =	sbarrier.arrive $0xFFFF  }
0x69: {  	[sflag:s0] =	ssyncadd.tile.s32 @!p0 $0x1;
	_ =	shalt  }
.Lfunc_end2:
_tile_overlayer_lowered:
.L_overlay_start_2:
0x6a: {  	(tag) =	ssettag $0x2  }
0x6b: {  	s0 =	rddreg [dreg:$0x0];
	s2 =	stileid.u32  }
0x6c: {  	s1 =	rddreg [dreg:$0x1];
	p0 =	sne.s32 s2, $0x0  }
0x6d: {  	s3 =	rddreg [dreg:$0x2];
	[bflag:$0x3] =	sbarrier.arrive $0xFFFF;
	s2 =	simm.s32 @!p0 $0x1C03  }
0x6e: {  	[timem:s3], [sflag:s2] =	dma.local @!p0 [hbm:s0], s1  }
0x6f: {  	s0 =	simm.s32 @!p0 $0x3  }
0x70: {  	_ =	swait.ge @!p0 [sflag:s0], s1  }
0x71: {  	s1 =	ssub.s32 @!p0 $0x0, s1;
	[sflag:s0] =	ssyncset.done @!p0 $0x0  }
0x72: {  	[sflag:s0] =	ssyncadd.s32 @!p0 s1  }
0x73: {  	[bflag:$0x3] =	sbarrier.arrive $0xFFFF  }
0x74: {  	_ =	shalt  }

// kernel: kernel.14.cloned.1.call-start
scs
__scs_entry_jumppad:
0x0: {  	(pc) =	sbr.rel $0x88, $3  }
0x1: {  	(tag) =	ssettag $0x0;
	lr =	simm.s32 $0x1  }
0x2: {  	[smem:$0x3F94] =	sst lr;
	_ =	strace $0xD0000000  }
0x3: {  	_ = 	snop  }
0x4: {  	_ = 	snop  }
0x5: {  	_ = 	snop  }
0x6: {  	_ = 	snop  }
0x7: {  	_ = 	snop  }
__scs_overlays_trampoline_lowered:
0x8: {  	[smem:$0x3FA3] =	sst s0  }
0x9: {  	[smem:$0x3FA4] =	sst s1  }
0xa: {  	[smem:$0x3FA5] =	sst s2  }
0xb: {  	[smem:$0x3FA6] =	sst s3  }
0xc: {  	[smem:$0x3FA7] =	sst s4  }
0xd: {  	[smem:$0x3FA8] =	sst s5  }
0xe: {  	[smem:$0x3FA9] =	sst s6  }
0xf: {  	[smem:$0x3FAA] =	sst s7  }
0x10: {  	[smem:$0x3FAB] =	sst s8  }
0x11: {  	[smem:$0x3FAC] =	sst s9;
	s0 =	simm.s32 @!p0 $0x0  }
0x12: {  	s1 =	sld [smem:$0x3F92];
	s0 =	simm.s32 @p0 $0x1  }
0x13: {  	[smem:$0x3FAD] =	sst s0;
	s0 =	simm.s32 @!p1 $0x0  }
0x14: {  	s2 =	sld [smem:$0x3F91];
	s0 =	simm.s32 @p1 $0x1  }
0x15: {  	[smem:$0x3FAE] =	sst s0;
	s0 =	simm.s32 @!p2 $0x0  }
0x16: {  	s3 =	sld [smem:$0x3FDB];
	s0 =	simm.s32 @p2 $0x1  }
0x17: {  	s4 =	simm.s32 $0x1BF5;
	[smem:$0x3FB0] =	sst s0  }
0x18: {  	s0 =	sld [smem:$0x3F93];
	_ =	swait.ge [sflag:s4], $0x0  }
0x19: {  	s7 =	sld [smem:$0x3F94]  }
0x1a: {  	s8 =	sadd.s32 $0xFFFFE003, lr  }
0x1b: {  	s9 =	sadd.s32 $0xFFFFFEF7, lr;
	s5 =	simm.s32 $0xFFFFFFFF;
	p2 =	slt.u32 s8, $0xFFFFF086  }
0x1c: {  	p1 =	slt.u32 s9, $0xF7A;
	s5 =	simm.s32 @!p2 $0x0  }
0x1d: {  	s5 =	simm.s32 @p1 $0x1;
	p0 =	seq.s32 s7, s2  }
0x1e: {  	s7 =	smul.u32 @!p0 $0xF7A, s2;
	p2 =	seq.s32 @!p0 s5, $0x0  }
0x1f: {  	s9 =	smul.u32 $0xF7A, s1;
	s8 =	simm.s32 @!p0 $0x1BF5;
	p2 =	por !p2, p0  }
0x20: {  	[sflag:s8] =	ssyncset.s32 @!p0 $0xFFFFF086;
	s6 =	sadd.s32 @!p0 s3, s7;
	s7 =	simm.s32 @!p0 $0x108  }
0x21: {  	s3 =	sadd.s32 s3, s9;
	s6 =	sadd.s32 @!p0 $0x88, s6;
	s7 =	simm.s32 @p2 $0x1082  }
0x22: {  	[simem:s7], [sflag:s8] =	dma.local @!p0 [hbm:s6], $0xF7A  }
0x23: {  	s9 =	sor.u32 $0xD0000000, s2;
	s6 =	simm.s32 $0x108;
	_ =	swait.ge @!p0 [sflag:s8], $0x0  }
0x24: {  	s3 =	sadd.s32 $0x88, s3;
	s6 =	simm.s32 @!p1 $0x1082;
	[sflag:s4] =	ssyncset.s32 $0xFFFFF086  }
0x25: {  	[simem:s6], [sflag:s4] =	dma.local [hbm:s3], $0xF7A  }
0x26: {  	[smem:$0x3F94] =	sst s1;
	(tag) =	ssettag s2;
	_ =	strace s9  }
0x27: {  	s1 =	sld [smem:$0x3FA4]  }
0x28: {  	s2 =	sld [smem:$0x3FA5]  }
0x29: {  	s4 =	sld [smem:$0x3FA7]  }
0x2a: {  	p0 =	seq.s32 s5, $0x0;
	s5 =	sld [smem:$0x3FA8]  }
0x2b: {  	s6 =	sld [smem:$0x3FA9]  }
0x2c: {  	s7 =	sld [smem:$0x3FAA]  }
0x2d: {  	s3 =	simm.s32 $0x108;
	s8 =	sld [smem:$0x3FAB]  }
0x2e: {  	s3 =	simm.s32 @!p0 $0x1082;
	s9 =	sld [smem:$0x3FAC]  }
0x2f: {  	lr =	sadd.s32 s0, s3;
	s0 =	sld [smem:$0x3FA3]  }
0x30: {  	s3 =	sld [smem:$0x3FA6]  }
0x31: {  	[smem:$0x3FAF] =	sst s10  }
0x32: {  	s10 =	sld [smem:$0x3FAD];
	_ =	sdelay $0x3  }
0x33: {  	p0 =	seq.s32 s10, $0x1;
	s10 =	sld [smem:$0x3FAF];
	_ =	sdelay $0x3  }
0x34: {  	[smem:$0x3FAF] =	sst s10  }
0x35: {  	s10 =	sld [smem:$0x3FAE];
	_ =	sdelay $0x3  }
0x36: {  	p1 =	seq.s32 s10, $0x1;
	s10 =	sld [smem:$0x3FAF];
	_ =	sdelay $0x3  }
0x37: {  	[smem:$0x3FAF] =	sst s10  }
0x38: {  	s10 =	sld [smem:$0x3FB0]  }
0x39: {  	_ = 	snop;
	(pc) =	sbr.ind lr, $3  }
0x3a: {  	_ = 	snop  }
0x3b: {  	_ = 	snop  }
0x3c: {  	p2 =	seq.s32 s10, $0x1;
	s10 =	sld [smem:$0x3FAF]  }
0x3d: {  	_ =	shalt  }
0x3e: {  	_ =	shalt  }
0x3f: {  	_ =	shalt  }
0x40: {  	_ =	shalt  }
0x41: {  	_ =	shalt  }
0x42: {  	_ =	shalt  }
0x43: {  	_ =	shalt  }
0x44: {  	_ =	shalt  }
0x45: {  	_ =	shalt  }
0x46: {  	_ =	shalt  }
0x47: {  	_ =	shalt  }
0x48: {  	_ =	shalt  }
0x49: {  	_ =	shalt  }
0x4a: {  	_ =	shalt  }
0x4b: {  	_ =	shalt  }
0x4c: {  	_ =	shalt  }
0x4d: {  	_ =	shalt  }
0x4e: {  	_ =	shalt  }
0x4f: {  	_ =	shalt  }
0x50: {  	_ =	shalt  }
0x51: {  	_ =	shalt  }
0x52: {  	_ =	shalt  }
0x53: {  	_ =	shalt  }
0x54: {  	_ =	shalt  }
0x55: {  	_ =	shalt  }
0x56: {  	_ =	shalt  }
0x57: {  	_ =	shalt  }
0x58: {  	_ =	shalt  }
0x59: {  	_ =	shalt  }
0x5a: {  	_ =	shalt  }
0x5b: {  	_ =	shalt  }
0x5c: {  	_ =	shalt  }
0x5d: {  	_ =	shalt  }
0x5e: {  	_ =	shalt  }
0x5f: {  	_ =	shalt  }
0x60: {  	_ =	shalt  }
0x61: {  	_ =	shalt  }
0x62: {  	_ =	shalt  }
0x63: {  	_ =	shalt  }
0x64: {  	_ =	shalt  }
0x65: {  	_ =	shalt  }
0x66: {  	_ =	shalt  }
0x67: {  	_ =	shalt  }
0x68: {  	_ =	shalt  }
0x69: {  	_ =	shalt  }
0x6a: {  	_ =	shalt  }
0x6b: {  	_ =	shalt  }
0x6c: {  	_ =	shalt  }
0x6d: {  	_ =	shalt  }
0x6e: {  	_ =	shalt  }
0x6f: {  	_ =	shalt  }
0x70: {  	_ =	shalt  }
0x71: {  	_ =	shalt  }
0x72: {  	_ =	shalt  }
0x73: {  	_ =	shalt  }
0x74: {  	_ =	shalt  }
0x75: {  	_ =	shalt  }
0x76: {  	_ =	shalt  }
0x77: {  	_ =	shalt  }
0x78: {  	_ =	shalt  }
0x79: {  	_ =	shalt  }
0x7a: {  	_ =	shalt  }
0x7b: {  	_ =	shalt  }
0x7c: {  	_ =	shalt  }
0x7d: {  	_ =	shalt  }
0x7e: {  	_ =	shalt  }
0x7f: {  	_ =	shalt  }
0x80: {  	_ =	shalt  }
0x81: {  	_ =	shalt  }
0x82: {  	_ =	shalt  }
0x83: {  	_ =	shalt  }
0x84: {  	_ =	shalt  }
0x85: {  	_ =	shalt  }
0x86: {  	_ =	shalt  }
0x87: {  	_ =	shalt  }
.Lfunc_end0:
.L_simem_size_0:
called_computation.2_lowered:
.L_overlay_start_0:
0x88: {  	s2 =	sld [smem:$0x3FD9]  }
0x89: {  	s3 =	sld [smem:$0x3FFE];
	_ =	sdelay $0x1  }
0x8a: {  	s1 =	srdreg.scid  }
0x8b: {  	s0 =	sand.u32 $0x1, s1  }
0x8c: {  	s17 =	sshll.u32 s0, $0xA;
	s2 =	sadd.s32 s3, s2  }
0x8d: {  	s2 =	sadd.s32 s2, s17  }
0x8e: {  	[smem:$0x3FBB] =	sst s2  }
0x8f: {  	_ = 	snop  }
0x90: {  	s2 =	sld [smem:$0x3FD0];
	(tm) =	ssettm $0x1  }
0x91: {  	s18 =	sld [smem:$0x3FFB];
	_ =	sdelay $0x3  }
0x92: {  	_ =	strace s18  }
0x93: {  	s3 =	sld [smem:$0x3FFC];
	_ =	sdelay $0x3  }
0x94: {  	_ =	strace s3  }
0x95: {  	s3 =	sld [smem:$0x3FFD];
	_ =	sdelay $0x3  }
0x96: {  	_ =	strace s3  }
0x97: {  	_ =	strace $0x8FFFFFFF  }
0x98: {  	s19 =	sld [smem:$0x3FDB];
	_ =	sdelay $0x1  }
0x99: {  	s4 =	simm.s32 $_scs_section_size  }
0x9a: {  	s5 =	simm.s32 $_size__tile_overlayer_lowered;
	s6 =	simm.s32 $_tile_overlayer_lowered  }
0x9b: {  	s22 =	simm.s32 $0x1BFF;
	s21 =	sshll.u32 s6, $0x1;
	s3 =	sadd.s32 s4, s19  }
0x9c: {  	s7 =	simm.s32 $0x0;
	s20 =	sshll.u32 s5, $0x1;
	s5 =	sadd.s32 s21, s3  }
0x9d: {  	[timem:s7], [sflag:s22] =	dma.local [hbm:s5], s20  }
0x9e: {  	_ =	swait.ge [sflag:s22], s20  }
0x9f: {  	s4 =	ssub.s32 $0x0, s20;
	[sflag:s22] =	ssyncset.done $0x0  }
0xa0: {  	[sflag:s22] =	ssyncadd.s32 s4;
	_ =	sdelay $0x1  }
0xa1: {  	s23 =	simm.s32 $0x1B8B  }
0xa2: {  	_ =	swait.ge [sflag:s23], $0x1  }
0xa3: {  	[sflag:s23] =	ssyncset.done $0x0  }
0xa4: {  	s25 =	simm.s32 $0x1B8E;
	s24 =	sld [smem:$0x3FFE];
	[sflag:s23] =	ssyncadd.s32 $0xFFFFFFFF  }
0xa5: {  	s26 =	simm.s32 $execute0_lowered;
	[smem:$0x3FD2] =	sst s25  }
0xa6: {  	s5 =	sshll.u32 s26, $0x1;
	_ =	strace $0x8000004C;
	[dreg:$0x1] =	wrdreg $0xFFFFFFFF  }
0xa7: {  	s28 =	simm.s32 $_size_execute0_lowered;
	s3 =	sadd.s32 s3, s5;
	[dreg:$0x0] =	wrdreg $0x0  }
0xa8: {  	s5 =	sshll.u32 s28, $0x1;
	[dreg:$0x2] =	wrdreg s3  }
0xa9: {  	[dreg:$0x3] =	wrdreg s5  }
0xaa: {  	[dreg:$0x4] =	wrdreg $0xC0  }
0xab: {  	_ =	task [dreg:s7], $0x5FFFF  }
0xac: {  	[dreg:$0x1] =	wrdreg $0xFFFFFFFF  }
0xad: {  	[dreg:$0x0] =	wrdreg $0x60  }
0xae: {  	[dreg:$0x2] =	wrdreg s2  }
0xaf: {  	[dreg:$0x3] =	wrdreg s24  }
0xb0: {  	[dreg:$0x4] =	wrdreg $0xA0000  }
0xb1: {  	[dreg:$0x5] =	wrdreg $0x9  }
0xb2: {  	_ =	task.clear_ibuf [dreg:s7], $0x6FFFF;
	_ =	strace $0x9000004C  }
0xb3: {  	s29 =	simm.s32 $0x9;
	_ =	strace $0x8000004E  }
0xb4: {  	_ =	swait.ge [sflag:s29], $0x1  }
0xb5: {  	[sflag:s29] =	ssyncadd.s32 $0xFFFFFFFF  }
0xb6: {  	_ =	strace $0x9000004E  }
0xb7: {  	_ =	sfence  }
0xb8: {  	s30 =	sld [smem:$0x0];
	_ =	sdelay $0x2  }
0xb9: {  	s31 =	sshll.u32 s1, $0xD;
	s1 =	sshrl.u32 s1, $0x2  }
0xba: {  	s3 =	sand.u32 $0x4000, s31;
	s1 =	sadd.s32 s1, s30  }
0xbb: {  	s0 =	sor.u32 s3, s0;
	s1 =	sshll.u32 s1, $0x11  }
0xbc: {  	s0 =	sor.u32 s1, s0  }
0xbd: {  	s0 =	sadd.s32 $0x8F2B, s0  }
0xbe: {  	[sflag:s0] =	ssyncadd.remote.s32 $0x1  }
0xbf: {  	_ =	sfence.sel $0xFFFF  }
0xc0: {  	[dreg:$0x0] =	wrdreg $0xFFFFFFFF;
	(pc) =	sbr.abs _section_cstart, $3  }
0xc1: {  	[dreg:$0x1] =	wrdreg $0xFFFFFFFF  }
0xc2: {  	_ =	task.clear_ibuf [dreg:s7], $0x2FFFF;
	_ =	strace $0x9FFFFFFF  }
0xc3: {  	(tm) =	ssettm $0x7FFFFFFF  }
tec
execute0_lowered:
.L_overlay_start_1:
0x0: {  	(tag) =	ssettag $0x1  }
0x1: {  	s1 =	rddreg [dreg:$0x0]  }
0x2: {  	s2 =	srdreg.scid;
	s5 =	rddreg [dreg:$0x1]  }
0x3: {  	s0 =	stileid.u32;
	s3 =	rddreg [dreg:$0x2]  }
0x4: {  	s4 =	simm.s32 $0x0;
	s15 =	simm.s32 $0x2000;
	s16 =	simm.s32 $0x6000  }
0x5: {  	s17 =	simm.s32 $0x1;
	s18 =	simm.s32 $0x2;
	s19 =	simm.s32 $0xF80  }
0x6: {  	s20 =	simm.s32 $0x1F00;
	s21 =	simm.s32 $0x1F80;
	s22 =	simm.s32 $0x0  }
0x7: {  	s10 =	sand.u32 $0x1, s2;
	s7 =	sshll.u32 s0, $0xC;
	s2 =	rddreg [dreg:$0x3]  }
0x8: {  	[smem:$0x7FF] =	sst s4;
	s12 =	sadd.s32 $0xAC00, s5;
	s30 =	sshll.u32 s0, $0xF  }
0x9: {  	s31 =	sshll.u32 s0, $0x6;
	s8 =	sshll.u32 s10, $0x10;
	s9 =	ssub.s32 $0x2, s10  }
0xa: {  	_ =	strace $0x8000004D;
	s13 =	sadd.s32 s7, s5;
	s14 =	sadd.s32 s30, s3  }
0xb: {  	p0 =	sne.s32 s10, $0x0;
	s10 =	simm.s32 $0x3;
	s6 =	sor.u32 s7, s8  }
0xc: {  	s11 =	sshrl.u32 s9, $0x1;
	s7 =	sadd.s32 s1, s7;
	s8 =	sadd.s32 s8, s13  }
0xd: {  	s13 =	sshrl.u32 s14, $0x3;
	s14 =	simm.s32 $0x80;
	s6 =	sshrl.u32 s6, $0x3  }
0xe: {  	s9 =	ssub.s32 s9, s11;
	s8 =	sadd.s32 $0xBC00, s8;
	s11 =	simm.s32 $0x1000  }
0xf: {  	s7 =	smov.u32 @p0 s12;
	s12 =	sor.u32 $0x1C03, s31;
	s6 =	sadd.s32 s6, s5  }
0x10: {  	s9 =	smax.u32 s9, $0x1;
	s5 =	sadd.s32 $0x2C00, s6;
	s6 =	sadd.s32 $0x6C00, s6  }
.LBB2_1:
0x11: {  	[tilespmem:s4], [sflag:$0x3] =	stream.linear.gather [hbm4b:s5+s4], $0x1000, $0x38;
	[tilespmem:$0x12000] =	vst v63  }
0x12: {  	_ =	swait.ge [sflag:s10], $0x1000  }
0x13: {  	[sflag:s10] =	ssyncset.done $0x0  }
0x14: {  	[sflag:s10] =	ssyncadd.s32 $0xFFFFF000  }
0x15: {  	[tilespmem:s11], [sflag:$0x3] =	stream.linear.gather [hbm4b:s6+s4], $0x1000, $0x38;
	[tilespmem:$0x12000] =	vst v63  }
0x16: {  	_ =	swait.ge [sflag:s10], $0x1000  }
0x17: {  	[sflag:s10] =	ssyncset.done $0x0  }
0x18: {  	[sflag:s10] =	ssyncadd.s32 $0xFFFFF000  }
0x19: {  	[spmem:s13], [sflag:s12] =	dma.local [hbm:s7], $0x1000  }
0x1a: {  	_ =	swait.ge [sflag:s10], $0x1000  }
0x1b: {  	[sflag:s10] =	ssyncset.done $0x0  }
0x1c: {  	[sflag:s10] =	ssyncadd.s32 $0xFFFFF000  }
0x1d: {  	[bflag:$0x0] =	sbarrier.arrive $0xFFFF  }
0x1e: {  	[tilespmem:s15], [sflag:$0x1] =	stream.indirect.gather [hbm4b:s1+s14], $0x80, s4, s14, $0xb8;
	[tilespmem:$0x12000] =	vst v63  }
0x1f: {  	s23 =	simm.s32 $0x80  }
0x20: {  	[tilespmem:s16], [sflag:$0x2] =	stream.indirect.gather [hbm4b:s1+s14], $0x80, s23, s14, $0xb8;
	[tilespmem:$0x12000] =	vst v63  }
0x21: {  	_ =	swait.ge [sflag:s17], $0x4000  }
0x22: {  	[sflag:s17] =	ssyncset.done $0x0  }
0x23: {  	s29 =	simm.s32 $0x1000;
	[sflag:s17] =	ssyncadd.s32 $0xFFFFC000  }
0x24: {  	[spmem:s3] =	stream.indirect.scatter.add.f32 [tilespmem:s15], [sflag:$0x3], $0x80, s29, s14, $0xb8;
	[tilespmem:$0x12000] =	vst v63  }
0x25: {  	_ =	swait.ge [sflag:s10], $0x4000  }
0x26: {  	[sflag:s10] =	ssyncset.done $0x0  }
0x27: {  	s30 =	simm.s32 $0x100;
	[sflag:s10] =	ssyncadd.s32 $0xFFFFC000  }
0x28: {  	[tilespmem:s15], [sflag:$0x1] =	stream.indirect.gather [hbm4b:s1+s14], $0x80, s30, s14, $0xb8;
	[tilespmem:$0x12000] =	vst v63  }
0x29: {  	_ =	swait.ge [sflag:s18], $0x4000  }
0x2a: {  	[sflag:s18] =	ssyncset.done $0x0  }
0x2b: {  	s31 =	simm.s32 $0x1080;
	[sflag:s18] =	ssyncadd.s32 $0xFFFFC000  }
0x2c: {  	[spmem:s3] =	stream.indirect.scatter.add.f32 [tilespmem:s16], [sflag:$0x3], $0x80, s31, s14, $0xb8;
	[tilespmem:$0x12000] =	vst v63  }
0x2d: {  	_ =	swait.ge [sflag:s10], $0x4000  }
0x2e: {  	s24 =	simm.s32 $0x800;
	s23 =	simm.s32 $0x100;
	[sflag:s10] =	ssyncset.done $0x0  }
.LBB2_2:
0x2f: {  	s25 =	sadd.s32 $0x80, s23  }
0x30: {  	[sflag:s10] =	ssyncadd.s32 $0xFFFFC000;
	s26 =	smov.u32 s24;
	s28 =	sadd.s32 $0x400, s24  }
0x31: {  	[tilespmem:s16], [sflag:$0x2] =	stream.indirect.gather [hbm4b:s1+s14], $0x80, s25, s14, $0xb8;
	[tilespmem:$0x12000] =	vst v63  }
0x32: {  	p0 =	sne.s32 s24, $0x3800;
	_ =	swait.ge [sflag:s17], $0x4000  }
0x33: {  	[sflag:s17] =	ssyncset.done $0x0  }
0x34: {  	s24 =	sadd.s32 $0x1000, s23;
	[sflag:s17] =	ssyncadd.s32 $0xFFFFC000  }
0x35: {  	[spmem:s3] =	stream.indirect.scatter.add.f32 [tilespmem:s15], [sflag:$0x3], $0x80, s24, s14, $0xb8;
	[tilespmem:$0x12000] =	vst v63  }
0x36: {  	_ =	swait.ge [sflag:s10], $0x4000  }
0x37: {  	[sflag:s10] =	ssyncset.done $0x0  }
0x38: {  	s24 =	sadd.s32 $0x100, s23;
	[sflag:s10] =	ssyncadd.s32 $0xFFFFC000  }
0x39: {  	[tilespmem:s15], [sflag:$0x1] =	stream.indirect.gather [hbm4b:s1+s14], $0x80, s24, s14, $0xb8;
	[tilespmem:$0x12000] =	vst v63  }
0x3a: {  	_ =	swait.ge [sflag:s18], $0x4000  }
.Ltmp0:
0x3b: {  	[sflag:s18] =	ssyncset.done $0x0;
	(pc) =	sbr.rel @p0 .LBB2_2-.Ltmp0, $4  }
0x3c: {  	s23 =	sadd.s32 $0x1080, s23;
	[sflag:s18] =	ssyncadd.s32 $0xFFFFC000  }
0x3d: {  	[spmem:s3] =	stream.indirect.scatter.add.f32 [tilespmem:s16], [sflag:$0x3], $0x80, s23, s14, $0xb8;
	[tilespmem:$0x12000] =	vst v63  }
0x3e: {  	_ =	swait.ge [sflag:s10], $0x4000  }
0x3f: {  	s24 =	smov.u32 s28;
	s23 =	sshra.s32 s26, $0x2;
	[sflag:s10] =	ssyncset.done $0x0  }
0x40: {  	s24 =	sadd.s32 $0x80, s23;
	[sflag:s10] =	ssyncadd.s32 $0xFFFFC000  }
0x41: {  	[tilespmem:s16], [sflag:$0x2] =	stream.indirect.gather [hbm4b:s1+s14], $0x80, s24, s14, $0xb8;
	[tilespmem:$0x12000] =	vst v63  }
0x42: {  	_ =	swait.ge [sflag:s17], $0x4000  }
0x43: {  	[sflag:s17] =	ssyncset.done $0x0  }
0x44: {  	s29 =	sadd.s32 $0x1000, s23;
	[sflag:s17] =	ssyncadd.s32 $0xFFFFC000  }
0x45: {  	[spmem:s3] =	stream.indirect.scatter.add.f32 [tilespmem:s15], [sflag:$0x3], $0x80, s29, s14, $0xb8;
	[tilespmem:$0x12000] =	vst v63  }
0x46: {  	_ =	swait.ge [sflag:s10], $0x4000  }
0x47: {  	[sflag:s10] =	ssyncset.done $0x0  }
0x48: {  	s30 =	sadd.s32 $0x100, s23;
	[sflag:s10] =	ssyncadd.s32 $0xFFFFC000  }
0x49: {  	[tilespmem:s15], [sflag:$0x1] =	stream.indirect.gather [hbm4b:s1+s14], $0x80, s30, s14, $0xb8;
	[tilespmem:$0x12000] =	vst v63  }
0x4a: {  	_ =	swait.ge [sflag:s18], $0x4000  }
0x4b: {  	[sflag:s18] =	ssyncset.done $0x0  }
0x4c: {  	s31 =	sadd.s32 $0x1080, s23;
	[sflag:s18] =	ssyncadd.s32 $0xFFFFC000  }
0x4d: {  	[spmem:s3] =	stream.indirect.scatter.add.f32 [tilespmem:s16], [sflag:$0x3], $0x80, s31, s14, $0xb8;
	[tilespmem:$0x12000] =	vst v63  }
0x4e: {  	_ =	swait.ge [sflag:s10], $0x4000  }
0x4f: {  	[sflag:s10] =	ssyncset.done $0x0  }
0x50: {  	[sflag:s10] =	ssyncadd.s32 $0xFFFFC000  }
0x51: {  	[tilespmem:s16], [sflag:$0x2] =	stream.indirect.gather [hbm4b:s1+s14], $0x80, s19, s14, $0xb8;
	[tilespmem:$0x12000] =	vst v63  }
0x52: {  	_ =	swait.ge [sflag:s17], $0x4000  }
0x53: {  	[sflag:s17] =	ssyncset.done $0x0  }
0x54: {  	[sflag:s17] =	ssyncadd.s32 $0xFFFFC000  }
0x55: {  	[spmem:s3] =	stream.indirect.scatter.add.f32 [tilespmem:s15], [sflag:$0x3], $0x80, s20, s14, $0xb8;
	[tilespmem:$0x12000] =	vst v63  }
0x56: {  	_ =	swait.ge [sflag:s10], $0x4000  }
0x57: {  	[sflag:s10] =	ssyncset.done $0x0  }
0x58: {  	[sflag:s10] =	ssyncadd.s32 $0xFFFFC000  }
0x59: {  	_ =	swait.ge [sflag:s18], $0x4000  }
0x5a: {  	[sflag:s18] =	ssyncset.done $0x0  }
0x5b: {  	[sflag:s18] =	ssyncadd.s32 $0xFFFFC000  }
0x5c: {  	[spmem:s3] =	stream.indirect.scatter.add.f32 [tilespmem:s16], [sflag:$0x3], $0x80, s21, s14, $0xb8;
	[tilespmem:$0x12000] =	vst v63  }
0x5d: {  	_ =	swait.ge [sflag:s10], $0x4000  }
0x5e: {  	s22 =	sadd.s32 $0x1, s22;
	[sflag:s10] =	ssyncset.done $0x0  }
0x5f: {  	p0 =	sne.s32 s22, s9;
	[sflag:s10] =	ssyncadd.s32 $0xFFFFC000  }
.Ltmp1:
0x60: {  	[bflag:$0x0] =	sbarrier.arrive $0xFFFF;
	(pc) =	sbr.rel @p0 .LBB2_1-.Ltmp1, $4  }
0x61: {  	[hbm:s8], [sflag:s12] =	dma.local [spmem:s13], $0x1000  }
0x62: {  	_ =	swait.ge [sflag:s10], $0x1000  }
0x63: {  	[sflag:s10] =	ssyncset.done $0x0  }
0x64: {  	[sflag:s10] =	ssyncadd.s32 $0xFFFFF000  }
0x65: {  	_ =	sfence.sel $0x180000  }
0x66: {  	[bflag:$0x0] =	sbarrier.arrive $0xFFFF  }
0x67: {  	p0 =	sne.s32 s0, $0x0;
	_ =	strace $0x9000004D  }
0x68: {  	s0 =	sadd.s32 @!p0 $0x100000, s2;
	[bflag:$0x2] =	sbarrier.arrive $0xFFFF  }
0x69: {  	[sflag:s0] =	ssyncadd.tile.s32 @!p0 $0x1;
	_ =	shalt  }
.Lfunc_end2:
_tile_overlayer_lowered:
.L_overlay_start_2:
0x6a: {  	(tag) =	ssettag $0x2  }
0x6b: {  	s0 =	rddreg [dreg:$0x0];
	s2 =	stileid.u32  }
0x6c: {  	s1 =	rddreg [dreg:$0x1];
	p0 =	sne.s32 s2, $0x0  }
0x6d: {  	s3 =	rddreg [dreg:$0x2];
	[bflag:$0x3] =	sbarrier.arrive $0xFFFF;
	s2 =	simm.s32 @!p0 $0x1C03  }
0x6e: {  	[timem:s3], [sflag:s2] =	dma.local @!p0 [hbm:s0], s1  }
0x6f: {  	s0 =	simm.s32 @!p0 $0x3  }
0x70: {  	_ =	swait.ge @!p0 [sflag:s0], s1  }
0x71: {  	s1 =	ssub.s32 @!p0 $0x0, s1;
	[sflag:s0] =	ssyncset.done @!p0 $0x0  }
0x72: {  	[sflag:s0] =	ssyncadd.s32 @!p0 s1  }
0x73: {  	[bflag:$0x3] =	sbarrier.arrive $0xFFFF  }
0x74: {  	_ =	shalt  }

// kernel: kernel.8.cloned.1.call-start
scs
__scs_entry_jumppad:
0x0: {  	(pc) =	sbr.rel $0x88, $3  }
0x1: {  	(tag) =	ssettag $0x0;
	lr =	simm.s32 $0x1  }
0x2: {  	[smem:$0x3F94] =	sst lr;
	_ =	strace $0xD0000000  }
0x3: {  	_ = 	snop  }
0x4: {  	_ = 	snop  }
0x5: {  	_ = 	snop  }
0x6: {  	_ = 	snop  }
0x7: {  	_ = 	snop  }
__scs_overlays_trampoline_lowered:
0x8: {  	[smem:$0x3FA3] =	sst s0  }
0x9: {  	[smem:$0x3FA4] =	sst s1  }
0xa: {  	[smem:$0x3FA5] =	sst s2  }
0xb: {  	[smem:$0x3FA6] =	sst s3  }
0xc: {  	[smem:$0x3FA7] =	sst s4  }
0xd: {  	[smem:$0x3FA8] =	sst s5  }
0xe: {  	[smem:$0x3FA9] =	sst s6  }
0xf: {  	[smem:$0x3FAA] =	sst s7  }
0x10: {  	[smem:$0x3FAB] =	sst s8  }
0x11: {  	[smem:$0x3FAC] =	sst s9;
	s0 =	simm.s32 @!p0 $0x0  }
0x12: {  	s1 =	sld [smem:$0x3F92];
	s0 =	simm.s32 @p0 $0x1  }
0x13: {  	[smem:$0x3FAD] =	sst s0;
	s0 =	simm.s32 @!p1 $0x0  }
0x14: {  	s2 =	sld [smem:$0x3F91];
	s0 =	simm.s32 @p1 $0x1  }
0x15: {  	[smem:$0x3FAE] =	sst s0;
	s0 =	simm.s32 @!p2 $0x0  }
0x16: {  	s3 =	sld [smem:$0x3FDB];
	s0 =	simm.s32 @p2 $0x1  }
0x17: {  	s4 =	simm.s32 $0x1BF5;
	[smem:$0x3FB0] =	sst s0  }
0x18: {  	s0 =	sld [smem:$0x3F93];
	_ =	swait.ge [sflag:s4], $0x0  }
0x19: {  	s7 =	sld [smem:$0x3F94]  }
0x1a: {  	s8 =	sadd.s32 $0xFFFFE003, lr  }
0x1b: {  	s9 =	sadd.s32 $0xFFFFFEF7, lr;
	s5 =	simm.s32 $0xFFFFFFFF;
	p2 =	slt.u32 s8, $0xFFFFF086  }
0x1c: {  	p1 =	slt.u32 s9, $0xF7A;
	s5 =	simm.s32 @!p2 $0x0  }
0x1d: {  	s5 =	simm.s32 @p1 $0x1;
	p0 =	seq.s32 s7, s2  }
0x1e: {  	s7 =	smul.u32 @!p0 $0xF7A, s2;
	p2 =	seq.s32 @!p0 s5, $0x0  }
0x1f: {  	s9 =	smul.u32 $0xF7A, s1;
	s8 =	simm.s32 @!p0 $0x1BF5;
	p2 =	por !p2, p0  }
0x20: {  	[sflag:s8] =	ssyncset.s32 @!p0 $0xFFFFF086;
	s6 =	sadd.s32 @!p0 s3, s7;
	s7 =	simm.s32 @!p0 $0x108  }
0x21: {  	s3 =	sadd.s32 s3, s9;
	s6 =	sadd.s32 @!p0 $0x88, s6;
	s7 =	simm.s32 @p2 $0x1082  }
0x22: {  	[simem:s7], [sflag:s8] =	dma.local @!p0 [hbm:s6], $0xF7A  }
0x23: {  	s9 =	sor.u32 $0xD0000000, s2;
	s6 =	simm.s32 $0x108;
	_ =	swait.ge @!p0 [sflag:s8], $0x0  }
0x24: {  	s3 =	sadd.s32 $0x88, s3;
	s6 =	simm.s32 @!p1 $0x1082;
	[sflag:s4] =	ssyncset.s32 $0xFFFFF086  }
0x25: {  	[simem:s6], [sflag:s4] =	dma.local [hbm:s3], $0xF7A  }
0x26: {  	[smem:$0x3F94] =	sst s1;
	(tag) =	ssettag s2;
	_ =	strace s9  }
0x27: {  	s1 =	sld [smem:$0x3FA4]  }
0x28: {  	s2 =	sld [smem:$0x3FA5]  }
0x29: {  	s4 =	sld [smem:$0x3FA7]  }
0x2a: {  	p0 =	seq.s32 s5, $0x0;
	s5 =	sld [smem:$0x3FA8]  }
0x2b: {  	s6 =	sld [smem:$0x3FA9]  }
0x2c: {  	s7 =	sld [smem:$0x3FAA]  }
0x2d: {  	s3 =	simm.s32 $0x108;
	s8 =	sld [smem:$0x3FAB]  }
0x2e: {  	s3 =	simm.s32 @!p0 $0x1082;
	s9 =	sld [smem:$0x3FAC]  }
0x2f: {  	lr =	sadd.s32 s0, s3;
	s0 =	sld [smem:$0x3FA3]  }
0x30: {  	s3 =	sld [smem:$0x3FA6]  }
0x31: {  	[smem:$0x3FAF] =	sst s10  }
0x32: {  	s10 =	sld [smem:$0x3FAD];
	_ =	sdelay $0x3  }
0x33: {  	p0 =	seq.s32 s10, $0x1;
	s10 =	sld [smem:$0x3FAF];
	_ =	sdelay $0x3  }
0x34: {  	[smem:$0x3FAF] =	sst s10  }
0x35: {  	s10 =	sld [smem:$0x3FAE];
	_ =	sdelay $0x3  }
0x36: {  	p1 =	seq.s32 s10, $0x1;
	s10 =	sld [smem:$0x3FAF];
	_ =	sdelay $0x3  }
0x37: {  	[smem:$0x3FAF] =	sst s10  }
0x38: {  	s10 =	sld [smem:$0x3FB0]  }
0x39: {  	_ = 	snop;
	(pc) =	sbr.ind lr, $3  }
0x3a: {  	_ = 	snop  }
0x3b: {  	_ = 	snop  }
0x3c: {  	p2 =	seq.s32 s10, $0x1;
	s10 =	sld [smem:$0x3FAF]  }
0x3d: {  	_ =	shalt  }
0x3e: {  	_ =	shalt  }
0x3f: {  	_ =	shalt  }
0x40: {  	_ =	shalt  }
0x41: {  	_ =	shalt  }
0x42: {  	_ =	shalt  }
0x43: {  	_ =	shalt  }
0x44: {  	_ =	shalt  }
0x45: {  	_ =	shalt  }
0x46: {  	_ =	shalt  }
0x47: {  	_ =	shalt  }
0x48: {  	_ =	shalt  }
0x49: {  	_ =	shalt  }
0x4a: {  	_ =	shalt  }
0x4b: {  	_ =	shalt  }
0x4c: {  	_ =	shalt  }
0x4d: {  	_ =	shalt  }
0x4e: {  	_ =	shalt  }
0x4f: {  	_ =	shalt  }
0x50: {  	_ =	shalt  }
0x51: {  	_ =	shalt  }
0x52: {  	_ =	shalt  }
0x53: {  	_ =	shalt  }
0x54: {  	_ =	shalt  }
0x55: {  	_ =	shalt  }
0x56: {  	_ =	shalt  }
0x57: {  	_ =	shalt  }
0x58: {  	_ =	shalt  }
0x59: {  	_ =	shalt  }
0x5a: {  	_ =	shalt  }
0x5b: {  	_ =	shalt  }
0x5c: {  	_ =	shalt  }
0x5d: {  	_ =	shalt  }
0x5e: {  	_ =	shalt  }
0x5f: {  	_ =	shalt  }
0x60: {  	_ =	shalt  }
0x61: {  	_ =	shalt  }
0x62: {  	_ =	shalt  }
0x63: {  	_ =	shalt  }
0x64: {  	_ =	shalt  }
0x65: {  	_ =	shalt  }
0x66: {  	_ =	shalt  }
0x67: {  	_ =	shalt  }
0x68: {  	_ =	shalt  }
0x69: {  	_ =	shalt  }
0x6a: {  	_ =	shalt  }
0x6b: {  	_ =	shalt  }
0x6c: {  	_ =	shalt  }
0x6d: {  	_ =	shalt  }
0x6e: {  	_ =	shalt  }
0x6f: {  	_ =	shalt  }
0x70: {  	_ =	shalt  }
0x71: {  	_ =	shalt  }
0x72: {  	_ =	shalt  }
0x73: {  	_ =	shalt  }
0x74: {  	_ =	shalt  }
0x75: {  	_ =	shalt  }
0x76: {  	_ =	shalt  }
0x77: {  	_ =	shalt  }
0x78: {  	_ =	shalt  }
0x79: {  	_ =	shalt  }
0x7a: {  	_ =	shalt  }
0x7b: {  	_ =	shalt  }
0x7c: {  	_ =	shalt  }
0x7d: {  	_ =	shalt  }
0x7e: {  	_ =	shalt  }
0x7f: {  	_ =	shalt  }
0x80: {  	_ =	shalt  }
0x81: {  	_ =	shalt  }
0x82: {  	_ =	shalt  }
0x83: {  	_ =	shalt  }
0x84: {  	_ =	shalt  }
0x85: {  	_ =	shalt  }
0x86: {  	_ =	shalt  }
0x87: {  	_ =	shalt  }
.Lfunc_end0:
.L_simem_size_0:
called_computation_lowered:
.L_overlay_start_0:
0x88: {  	s2 =	sld [smem:$0x3FD9]  }
0x89: {  	s3 =	sld [smem:$0x3FFE];
	_ =	sdelay $0x1  }
0x8a: {  	s1 =	srdreg.scid  }
0x8b: {  	s0 =	sand.u32 $0x1, s1  }
0x8c: {  	s17 =	sshll.u32 s0, $0xA;
	s2 =	sadd.s32 s3, s2  }
0x8d: {  	s2 =	sadd.s32 s2, s17  }
0x8e: {  	[smem:$0x3FBB] =	sst s2  }
0x8f: {  	_ = 	snop  }
0x90: {  	s2 =	sld [smem:$0x3FD0];
	(tm) =	ssettm $0x1  }
0x91: {  	s18 =	sld [smem:$0x3FFB];
	_ =	sdelay $0x3  }
0x92: {  	_ =	strace s18  }
0x93: {  	s3 =	sld [smem:$0x3FFC];
	_ =	sdelay $0x3  }
0x94: {  	_ =	strace s3  }
0x95: {  	s3 =	sld [smem:$0x3FFD];
	_ =	sdelay $0x3  }
0x96: {  	_ =	strace s3  }
0x97: {  	_ =	strace $0x8FFFFFFF  }
0x98: {  	s19 =	sld [smem:$0x3FDB];
	_ =	sdelay $0x1  }
0x99: {  	s4 =	simm.s32 $_scs_section_size  }
0x9a: {  	s5 =	simm.s32 $_size__tile_overlayer_lowered;
	s6 =	simm.s32 $_tile_overlayer_lowered  }
0x9b: {  	s22 =	simm.s32 $0x1BFF;
	s21 =	sshll.u32 s6, $0x1;
	s3 =	sadd.s32 s4, s19  }
0x9c: {  	s7 =	simm.s32 $0x0;
	s20 =	sshll.u32 s5, $0x1;
	s5 =	sadd.s32 s21, s3  }
0x9d: {  	[timem:s7], [sflag:s22] =	dma.local [hbm:s5], s20  }
0x9e: {  	_ =	swait.ge [sflag:s22], s20  }
0x9f: {  	s4 =	ssub.s32 $0x0, s20;
	[sflag:s22] =	ssyncset.done $0x0  }
0xa0: {  	[sflag:s22] =	ssyncadd.s32 s4;
	_ =	sdelay $0x1  }
0xa1: {  	s23 =	simm.s32 $0x1B8B  }
0xa2: {  	_ =	swait.ge [sflag:s23], $0x1  }
0xa3: {  	[sflag:s23] =	ssyncset.done $0x0  }
0xa4: {  	s25 =	simm.s32 $0x1B8E;
	s24 =	sld [smem:$0x3FFE];
	[sflag:s23] =	ssyncadd.s32 $0xFFFFFFFF  }
0xa5: {  	s26 =	simm.s32 $execute0_lowered;
	[smem:$0x3FD2] =	sst s25  }
0xa6: {  	s5 =	sshll.u32 s26, $0x1;
	_ =	strace $0x80000046;
	[dreg:$0x1] =	wrdreg $0xFFFFFFFF  }
0xa7: {  	s28 =	simm.s32 $_size_execute0_lowered;
	s3 =	sadd.s32 s3, s5;
	[dreg:$0x0] =	wrdreg $0x0  }
0xa8: {  	s5 =	sshll.u32 s28, $0x1;
	[dreg:$0x2] =	wrdreg s3  }
0xa9: {  	[dreg:$0x3] =	wrdreg s5  }
0xaa: {  	[dreg:$0x4] =	wrdreg $0xC0  }
0xab: {  	_ =	task [dreg:s7], $0x5FFFF  }
0xac: {  	[dreg:$0x1] =	wrdreg $0xFFFFFFFF  }
0xad: {  	[dreg:$0x0] =	wrdreg $0x60  }
0xae: {  	[dreg:$0x2] =	wrdreg s24  }
0xaf: {  	[dreg:$0x3] =	wrdreg s2  }
0xb0: {  	[dreg:$0x4] =	wrdreg $0x50000  }
0xb1: {  	[dreg:$0x5] =	wrdreg $0x9  }
0xb2: {  	_ =	task.clear_ibuf [dreg:s7], $0x6FFFF;
	_ =	strace $0x90000046  }
0xb3: {  	s29 =	simm.s32 $0x9;
	_ =	strace $0x80000048  }
0xb4: {  	_ =	swait.ge [sflag:s29], $0x1  }
0xb5: {  	[sflag:s29] =	ssyncadd.s32 $0xFFFFFFFF  }
0xb6: {  	_ =	strace $0x90000048  }
0xb7: {  	_ =	sfence  }
0xb8: {  	s30 =	sld [smem:$0x0];
	_ =	sdelay $0x2  }
0xb9: {  	s31 =	sshll.u32 s1, $0xD;
	s1 =	sshrl.u32 s1, $0x2  }
0xba: {  	s3 =	sand.u32 $0x4000, s31;
	s1 =	sadd.s32 s1, s30  }
0xbb: {  	s0 =	sor.u32 s3, s0;
	s1 =	sshll.u32 s1, $0x11  }
0xbc: {  	s0 =	sor.u32 s1, s0  }
0xbd: {  	s0 =	sadd.s32 $0x8F2B, s0  }
0xbe: {  	[sflag:s0] =	ssyncadd.remote.s32 $0x1  }
0xbf: {  	_ =	sfence.sel $0xFFFF  }
0xc0: {  	[dreg:$0x0] =	wrdreg $0xFFFFFFFF;
	(pc) =	sbr.abs _section_cstart, $3  }
0xc1: {  	[dreg:$0x1] =	wrdreg $0xFFFFFFFF  }
0xc2: {  	_ =	task.clear_ibuf [dreg:s7], $0x2FFFF;
	_ =	strace $0x9FFFFFFF  }
0xc3: {  	(tm) =	ssettm $0x7FFFFFFF  }
tec
execute0_lowered:
.L_overlay_start_1:
0x0: {  	(tag) =	ssettag $0x1  }
0x1: {  	s0 =	rddreg [dreg:$0x0]  }
0x2: {  	s1 =	rddreg [dreg:$0x1]  }
0x3: {  	s6 =	rddreg [dreg:$0x2]  }
0x4: {  	s10 =	rddreg [dreg:$0x3];
	s8 =	simm.s32 $0x0;
	s9 =	stileid.u32  }
0x5: {  	s2 =	srdreg.scid;
	s17 =	simm.s32 $0x100;
	s18 =	simm.s32 $0x180  }
0x6: {  	s19 =	simm.s32 $0x200;
	s7 =	simm.s32 $0x1000;
	s20 =	simm.s32 $0x280  }
0x7: {  	s21 =	simm.s32 $0x300;
	s23 =	simm.s32 $0x380;
	[dreg:$0x5] =	wrdreg s1  }
0x8: {  	s24 =	simm.s32 $0x400;
	[smem:$0x7FF] =	sst s8;
	s3 =	sadd.s32 $0xAC00, s0  }
0x9: {  	s25 =	simm.s32 $0x480;
	_ =	strace $0x80000047;
	[dreg:$0x4] =	wrdreg s3  }
0xa: {  	s26 =	simm.s32 $0x500;
	p0 =	por $0x0, $0x0;
	[dreg:$0x8] =	wrdreg s17  }
0xb: {  	s28 =	simm.s32 $0xD80;
	s29 =	simm.s32 $0xE00;
	[dreg:$0x9] =	wrdreg s18  }
0xc: {  	s30 =	simm.s32 $0xE80;
	s31 =	simm.s32 $0xF00;
	[dreg:$0xa] =	wrdreg s19  }
0xd: {  	s11 =	sshll.u32 s9, $0x9;
	s4 =	sshll.u32 s9, $0xC;
	[dreg:$0xb] =	wrdreg s20  }
0xe: {  	s2 =	sand.u32 $0x1, s2;
	s16 =	sshll.u32 s9, $0xF;
	[dreg:$0xc] =	wrdreg s21  }
0xf: {  	s22 =	sshll.u32 s9, $0x6;
	s9 =	simm.s32 $0x80;
	[dreg:$0xd] =	wrdreg s23  }
0x10: {  	s1 =	sadd.s32 s11, s0;
	s0 =	sadd.s32 s4, s0;
	[dreg:$0xe] =	wrdreg s24  }
0x11: {  	s12 =	sshll.u32 s2, $0xD;
	s13 =	ssub.s32 $0x2, s2;
	[dreg:$0xf] =	wrdreg s25  }
0x12: {  	s2 =	sshll.u32 s2, $0x10;
	s3 =	sor.u32 $0x1C02, s22;
	[dreg:$0x10] =	wrdreg s26  }
0x13: {  	s17 =	simm.s32 $0x880;
	s18 =	simm.s32 $0x900;
	s19 =	simm.s32 $0x980  }
0x14: {  	s20 =	simm.s32 $0xA00;
	s21 =	simm.s32 $0xA80;
	s22 =	simm.s32 $0xB00  }
0x15: {  	s23 =	simm.s32 $0xB80;
	s24 =	simm.s32 $0xC00;
	s14 =	sshrl.u32 s13, $0x1  }
0x16: {  	s25 =	simm.s32 $0xC80;
	s26 =	simm.s32 $0xD00;
	s15 =	ssub.s32 s13, s14  }
0x17: {  	s11 =	simm.s32 $0xF80;
	s1 =	sadd.s32 s12, s1;
	s5 =	smax.u32 s15, $0x1  }
0x18: {  	s0 =	sadd.s32 s2, s0;
	s2 =	simm.s32 $0x2;
	p1 =	sne.s32 s5, $0x1  }
.Ltmp0:
0x19: {  	s12 =	simm.s32 $0x600;
	s1 =	sadd.s32 $0x6C00, s1;
	(pc) =	sbr.rel @!p1 .LBB2_1-.Ltmp0, $4  }
0x1a: {  	s0 =	sadd.s32 $0xBC00, s0;
	s13 =	simm.s32 $0x680;
	[dreg:$0x6] =	wrdreg s1  }
0x1b: {  	s14 =	simm.s32 $0x700;
	[dreg:$0x7] =	wrdreg s0;
	s1 =	sadd.s32 s16, s6  }
0x1c: {  	s15 =	simm.s32 $0x780;
	s16 =	simm.s32 $0x800;
	s4 =	sshrl.u32 s1, $0x3  }
0x1d: {  	s0 =	sadd.s32 $0xFFFFFFFF, s5;
	s5 =	simm.s32 $0x1;
	s1 =	rddreg [dreg:$0x5]  }
0x1e: {  	[tilespmem:s7], [sflag:$0x2] =	stream.linear.gather [hbm4b:s1+s8], $0x4000, $0x38;
	[tilespmem:$0xD000] =	vst v63  }
0x1f: {  	_ =	swait.ge [sflag:s2], $0x4000  }
0x20: {  	[sflag:s2] =	ssyncset.done $0x0  }
0x21: {  	s10 =	rddreg [dreg:$0x6];
	[sflag:s2] =	ssyncadd.s32 $0xFFFFC000  }
0x22: {  	[tilespmem:s8], [sflag:$0x2] =	stream.linear.gather [hbm4b:s10+s8], $0x1000, $0x38;
	[tilespmem:$0xD000] =	vst v63  }
0x23: {  	_ =	swait.ge [sflag:s2], $0x1000  }
0x24: {  	[sflag:s2] =	ssyncset.done $0x0  }
0x25: {  	s10 =	rddreg [dreg:$0x4];
	[sflag:s2] =	ssyncadd.s32 $0xFFFFF000  }
0x26: {  	[spmem:s4], [sflag:s3] =	dma.local [hbm:s10], $0x1000  }
0x27: {  	_ =	swait.ge [sflag:s2], $0x1000  }
0x28: {  	[sflag:s2] =	ssyncset.done $0x0  }
0x29: {  	[sflag:s2] =	ssyncadd.s32 $0xFFFFF000  }
0x2a: {  	[bflag:$0x0] =	sbarrier.arrive $0xFFFF  }
0x2b: {  	[spmem:s6] =	stream.indirect.scatter.add.f32 [tilespmem:s7], [sflag:$0x1], $0x80, s8, s9, $0xb8;
	[tilespmem:$0xD000] =	vst v63  }
0x2c: {  	_ = 	snop  }
0x2d: {  	[spmem:s6] =	stream.indirect.scatter.add.f32 [tilespmem:s7], [sflag:$0x1], $0x80, s9, s9, $0xb8;
	[tilespmem:$0xD000] =	vst v63  }
0x2e: {  	s1 =	rddreg [dreg:$0x8]  }
0x2f: {  	[spmem:s6] =	stream.indirect.scatter.add.f32 [tilespmem:s7], [sflag:$0x1], $0x80, s1, s9, $0xb8;
	[tilespmem:$0xD000] =	vst v63  }
0x30: {  	s10 =	smov.u32 s0;
	s0 =	rddreg [dreg:$0x9]  }
0x31: {  	[spmem:s6] =	stream.indirect.scatter.add.f32 [tilespmem:s7], [sflag:$0x1], $0x80, s0, s9, $0xb8;
	[tilespmem:$0xD000] =	vst v63  }
0x32: {  	s1 =	rddreg [dreg:$0xa]  }
0x33: {  	[spmem:s6] =	stream.indirect.scatter.add.f32 [tilespmem:s7], [sflag:$0x1], $0x80, s1, s9, $0xb8;
	[tilespmem:$0xD000] =	vst v63  }
0x34: {  	s0 =	rddreg [dreg:$0xb]  }
0x35: {  	[spmem:s6] =	stream.indirect.scatter.add.f32 [tilespmem:s7], [sflag:$0x1], $0x80, s0, s9, $0xb8;
	[tilespmem:$0xD000] =	vst v63  }
0x36: {  	s1 =	rddreg [dreg:$0xc]  }
0x37: {  	[spmem:s6] =	stream.indirect.scatter.add.f32 [tilespmem:s7], [sflag:$0x1], $0x80, s1, s9, $0xb8;
	[tilespmem:$0xD000] =	vst v63  }
0x38: {  	s0 =	rddreg [dreg:$0xd]  }
0x39: {  	[spmem:s6] =	stream.indirect.scatter.add.f32 [tilespmem:s7], [sflag:$0x1], $0x80, s0, s9, $0xb8;
	[tilespmem:$0xD000] =	vst v63  }
0x3a: {  	s1 =	rddreg [dreg:$0xe]  }
0x3b: {  	[spmem:s6] =	stream.indirect.scatter.add.f32 [tilespmem:s7], [sflag:$0x1], $0x80, s1, s9, $0xb8;
	[tilespmem:$0xD000] =	vst v63  }
0x3c: {  	s0 =	rddreg [dreg:$0xf]  }
0x3d: {  	[spmem:s6] =	stream.indirect.scatter.add.f32 [tilespmem:s7], [sflag:$0x1], $0x80, s0, s9, $0xb8;
	[tilespmem:$0xD000] =	vst v63  }
0x3e: {  	s1 =	rddreg [dreg:$0x10]  }
0x3f: {  	[spmem:s6] =	stream.indirect.scatter.add.f32 [tilespmem:s7], [sflag:$0x1], $0x80, s1, s9, $0xb8;
	[tilespmem:$0xD000] =	vst v63  }
0x40: {  	s1 =	simm.s32 $0x580  }
0x41: {  	[spmem:s6] =	stream.indirect.scatter.add.f32 [tilespmem:s7], [sflag:$0x1], $0x80, s1, s9, $0xb8;
	[tilespmem:$0xD000] =	vst v63  }
0x42: {  	_ = 	snop  }
0x43: {  	[spmem:s6] =	stream.indirect.scatter.add.f32 [tilespmem:s7], [sflag:$0x1], $0x80, s12, s9, $0xb8;
	[tilespmem:$0xD000] =	vst v63  }
0x44: {  	_ = 	snop  }
0x45: {  	[spmem:s6] =	stream.indirect.scatter.add.f32 [tilespmem:s7], [sflag:$0x1], $0x80, s13, s9, $0xb8;
	[tilespmem:$0xD000] =	vst v63  }
0x46: {  	_ = 	snop  }
0x47: {  	[spmem:s6] =	stream.indirect.scatter.add.f32 [tilespmem:s7], [sflag:$0x1], $0x80, s14, s9, $0xb8;
	[tilespmem:$0xD000] =	vst v63  }
0x48: {  	_ = 	snop  }
0x49: {  	[spmem:s6] =	stream.indirect.scatter.add.f32 [tilespmem:s7], [sflag:$0x1], $0x80, s15, s9, $0xb8;
	[tilespmem:$0xD000] =	vst v63  }
0x4a: {  	_ = 	snop  }
0x4b: {  	[spmem:s6] =	stream.indirect.scatter.add.f32 [tilespmem:s7], [sflag:$0x1], $0x80, s16, s9, $0xb8;
	[tilespmem:$0xD000] =	vst v63  }
0x4c: {  	_ = 	snop  }
0x4d: {  	[spmem:s6] =	stream.indirect.scatter.add.f32 [tilespmem:s7], [sflag:$0x1], $0x80, s17, s9, $0xb8;
	[tilespmem:$0xD000] =	vst v63  }
0x4e: {  	_ = 	snop  }
0x4f: {  	[spmem:s6] =	stream.indirect.scatter.add.f32 [tilespmem:s7], [sflag:$0x1], $0x80, s18, s9, $0xb8;
	[tilespmem:$0xD000] =	vst v63  }
0x50: {  	_ = 	snop  }
0x51: {  	[spmem:s6] =	stream.indirect.scatter.add.f32 [tilespmem:s7], [sflag:$0x1], $0x80, s19, s9, $0xb8;
	[tilespmem:$0xD000] =	vst v63  }
0x52: {  	_ = 	snop  }
0x53: {  	[spmem:s6] =	stream.indirect.scatter.add.f32 [tilespmem:s7], [sflag:$0x1], $0x80, s20, s9, $0xb8;
	[tilespmem:$0xD000] =	vst v63  }
0x54: {  	_ = 	snop  }
0x55: {  	[spmem:s6] =	stream.indirect.scatter.add.f32 [tilespmem:s7], [sflag:$0x1], $0x80, s21, s9, $0xb8;
	[tilespmem:$0xD000] =	vst v63  }
0x56: {  	_ = 	snop  }
0x57: {  	[spmem:s6] =	stream.indirect.scatter.add.f32 [tilespmem:s7], [sflag:$0x1], $0x80, s22, s9, $0xb8;
	[tilespmem:$0xD000] =	vst v63  }
0x58: {  	_ = 	snop  }
0x59: {  	[spmem:s6] =	stream.indirect.scatter.add.f32 [tilespmem:s7], [sflag:$0x1], $0x80, s23, s9, $0xb8;
	[tilespmem:$0xD000] =	vst v63  }
0x5a: {  	_ = 	snop  }
0x5b: {  	[spmem:s6] =	stream.indirect.scatter.add.f32 [tilespmem:s7], [sflag:$0x1], $0x80, s24, s9, $0xb8;
	[tilespmem:$0xD000] =	vst v63  }
0x5c: {  	_ = 	snop  }
0x5d: {  	[spmem:s6] =	stream.indirect.scatter.add.f32 [tilespmem:s7], [sflag:$0x1], $0x80, s25, s9, $0xb8;
	[tilespmem:$0xD000] =	vst v63  }
0x5e: {  	_ = 	snop  }
0x5f: {  	[spmem:s6] =	stream.indirect.scatter.add.f32 [tilespmem:s7], [sflag:$0x1], $0x80, s26, s9, $0xb8;
	[tilespmem:$0xD000] =	vst v63  }
0x60: {  	_ = 	snop  }
0x61: {  	[spmem:s6] =	stream.indirect.scatter.add.f32 [tilespmem:s7], [sflag:$0x1], $0x80, s28, s9, $0xb8;
	[tilespmem:$0xD000] =	vst v63  }
0x62: {  	_ = 	snop  }
0x63: {  	[spmem:s6] =	stream.indirect.scatter.add.f32 [tilespmem:s7], [sflag:$0x1], $0x80, s29, s9, $0xb8;
	[tilespmem:$0xD000] =	vst v63  }
0x64: {  	_ = 	snop  }
0x65: {  	[spmem:s6] =	stream.indirect.scatter.add.f32 [tilespmem:s7], [sflag:$0x1], $0x80, s30, s9, $0xb8;
	[tilespmem:$0xD000] =	vst v63  }
0x66: {  	_ = 	snop  }
0x67: {  	[spmem:s6] =	stream.indirect.scatter.add.f32 [tilespmem:s7], [sflag:$0x1], $0x80, s31, s9, $0xb8;
	[tilespmem:$0xD000] =	vst v63  }
0x68: {  	_ = 	snop  }
0x69: {  	[spmem:s6] =	stream.indirect.scatter.add.f32 [tilespmem:s7], [sflag:$0x1], $0x80, s11, s9, $0xb8;
	[tilespmem:$0xD000] =	vst v63  }
0x6a: {  	_ =	swait.ge [sflag:s5], $0x4000  }
0x6b: {  	[sflag:s5] =	ssyncset.done $0x0  }
0x6c: {  	[sflag:s5] =	ssyncadd.s32 $0xFFFFC000  }
0x6d: {  	_ =	swait.ge [sflag:s5], $0x4000  }
0x6e: {  	[sflag:s5] =	ssyncset.done $0x0  }
0x6f: {  	[sflag:s5] =	ssyncadd.s32 $0xFFFFC000  }
0x70: {  	_ =	swait.ge [sflag:s5], $0x4000  }
0x71: {  	[sflag:s5] =	ssyncset.done $0x0  }
0x72: {  	[sflag:s5] =	ssyncadd.s32 $0xFFFFC000  }
0x73: {  	_ =	swait.ge [sflag:s5], $0x4000  }
0x74: {  	[sflag:s5] =	ssyncset.done $0x0  }
0x75: {  	[sflag:s5] =	ssyncadd.s32 $0xFFFFC000  }
0x76: {  	_ =	swait.ge [sflag:s5], $0x4000  }
0x77: {  	[sflag:s5] =	ssyncset.done $0x0  }
0x78: {  	[sflag:s5] =	ssyncadd.s32 $0xFFFFC000  }
0x79: {  	_ =	swait.ge [sflag:s5], $0x4000  }
0x7a: {  	[sflag:s5] =	ssyncset.done $0x0  }
0x7b: {  	[sflag:s5] =	ssyncadd.s32 $0xFFFFC000  }
0x7c: {  	_ =	swait.ge [sflag:s5], $0x4000  }
0x7d: {  	[sflag:s5] =	ssyncset.done $0x0  }
0x7e: {  	[sflag:s5] =	ssyncadd.s32 $0xFFFFC000  }
0x7f: {  	_ =	swait.ge [sflag:s5], $0x4000  }
0x80: {  	[sflag:s5] =	ssyncset.done $0x0  }
0x81: {  	[sflag:s5] =	ssyncadd.s32 $0xFFFFC000  }
0x82: {  	_ =	swait.ge [sflag:s5], $0x4000  }
0x83: {  	[sflag:s5] =	ssyncset.done $0x0  }
0x84: {  	[sflag:s5] =	ssyncadd.s32 $0xFFFFC000  }
0x85: {  	_ =	swait.ge [sflag:s5], $0x4000  }
0x86: {  	[sflag:s5] =	ssyncset.done $0x0  }
0x87: {  	[sflag:s5] =	ssyncadd.s32 $0xFFFFC000  }
0x88: {  	_ =	swait.ge [sflag:s5], $0x4000  }
0x89: {  	[sflag:s5] =	ssyncset.done $0x0  }
0x8a: {  	[sflag:s5] =	ssyncadd.s32 $0xFFFFC000  }
0x8b: {  	_ =	swait.ge [sflag:s5], $0x4000  }
0x8c: {  	[sflag:s5] =	ssyncset.done $0x0  }
0x8d: {  	[sflag:s5] =	ssyncadd.s32 $0xFFFFC000  }
0x8e: {  	_ =	swait.ge [sflag:s5], $0x4000  }
0x8f: {  	[sflag:s5] =	ssyncset.done $0x0  }
0x90: {  	[sflag:s5] =	ssyncadd.s32 $0xFFFFC000  }
0x91: {  	_ =	swait.ge [sflag:s5], $0x4000  }
0x92: {  	[sflag:s5] =	ssyncset.done $0x0  }
0x93: {  	[sflag:s5] =	ssyncadd.s32 $0xFFFFC000  }
0x94: {  	_ =	swait.ge [sflag:s5], $0x4000  }
0x95: {  	[sflag:s5] =	ssyncset.done $0x0  }
0x96: {  	[sflag:s5] =	ssyncadd.s32 $0xFFFFC000  }
0x97: {  	_ =	swait.ge [sflag:s5], $0x4000  }
0x98: {  	[sflag:s5] =	ssyncset.done $0x0  }
0x99: {  	[sflag:s5] =	ssyncadd.s32 $0xFFFFC000  }
0x9a: {  	_ =	swait.ge [sflag:s5], $0x4000  }
0x9b: {  	[sflag:s5] =	ssyncset.done $0x0  }
0x9c: {  	[sflag:s5] =	ssyncadd.s32 $0xFFFFC000  }
0x9d: {  	_ =	swait.ge [sflag:s5], $0x4000  }
0x9e: {  	[sflag:s5] =	ssyncset.done $0x0  }
0x9f: {  	[sflag:s5] =	ssyncadd.s32 $0xFFFFC000  }
0xa0: {  	_ =	swait.ge [sflag:s5], $0x4000  }
0xa1: {  	[sflag:s5] =	ssyncset.done $0x0  }
0xa2: {  	[sflag:s5] =	ssyncadd.s32 $0xFFFFC000  }
0xa3: {  	_ =	swait.ge [sflag:s5], $0x4000  }
0xa4: {  	[sflag:s5] =	ssyncset.done $0x0  }
0xa5: {  	[sflag:s5] =	ssyncadd.s32 $0xFFFFC000  }
0xa6: {  	_ =	swait.ge [sflag:s5], $0x4000  }
0xa7: {  	[sflag:s5] =	ssyncset.done $0x0  }
0xa8: {  	[sflag:s5] =	ssyncadd.s32 $0xFFFFC000  }
0xa9: {  	_ =	swait.ge [sflag:s5], $0x4000  }
0xaa: {  	[sflag:s5] =	ssyncset.done $0x0  }
0xab: {  	[sflag:s5] =	ssyncadd.s32 $0xFFFFC000  }
0xac: {  	_ =	swait.ge [sflag:s5], $0x4000  }
0xad: {  	[sflag:s5] =	ssyncset.done $0x0  }
0xae: {  	[sflag:s5] =	ssyncadd.s32 $0xFFFFC000  }
0xaf: {  	_ =	swait.ge [sflag:s5], $0x4000  }
0xb0: {  	[sflag:s5] =	ssyncset.done $0x0  }
0xb1: {  	[sflag:s5] =	ssyncadd.s32 $0xFFFFC000  }
0xb2: {  	_ =	swait.ge [sflag:s5], $0x4000  }
0xb3: {  	[sflag:s5] =	ssyncset.done $0x0  }
0xb4: {  	[sflag:s5] =	ssyncadd.s32 $0xFFFFC000  }
0xb5: {  	_ =	swait.ge [sflag:s5], $0x4000  }
0xb6: {  	[sflag:s5] =	ssyncset.done $0x0  }
0xb7: {  	[sflag:s5] =	ssyncadd.s32 $0xFFFFC000  }
0xb8: {  	_ =	swait.ge [sflag:s5], $0x4000  }
0xb9: {  	[sflag:s5] =	ssyncset.done $0x0  }
0xba: {  	[sflag:s5] =	ssyncadd.s32 $0xFFFFC000  }
0xbb: {  	_ =	swait.ge [sflag:s5], $0x4000  }
0xbc: {  	[sflag:s5] =	ssyncset.done $0x0  }
0xbd: {  	[sflag:s5] =	ssyncadd.s32 $0xFFFFC000  }
0xbe: {  	_ =	swait.ge [sflag:s5], $0x4000  }
0xbf: {  	[sflag:s5] =	ssyncset.done $0x0  }
0xc0: {  	[sflag:s5] =	ssyncadd.s32 $0xFFFFC000  }
0xc1: {  	_ =	swait.ge [sflag:s5], $0x4000  }
0xc2: {  	[sflag:s5] =	ssyncset.done $0x0  }
0xc3: {  	[sflag:s5] =	ssyncadd.s32 $0xFFFFC000  }
0xc4: {  	_ =	swait.ge [sflag:s5], $0x4000  }
0xc5: {  	[sflag:s5] =	ssyncset.done $0x0  }
0xc6: {  	[sflag:s5] =	ssyncadd.s32 $0xFFFFC000  }
0xc7: {  	_ =	swait.ge [sflag:s5], $0x4000  }
0xc8: {  	[sflag:s5] =	ssyncset.done $0x0  }
0xc9: {  	p1 =	sne.s32 s10, $0x1;
	[sflag:s5] =	ssyncadd.s32 $0xFFFFC000  }
.Ltmp1:
0xca: {  	[bflag:$0x0] =	sbarrier.arrive $0xFFFF;
	(pc) =	sbr.rel @!p1 .LBB2_3-.Ltmp1, $4  }
0xcb: {  	s1 =	rddreg [dreg:$0x7]  }
0xcc: {  	[hbm:s1], [sflag:s3] =	dma.local [spmem:s4], $0x1000  }
0xcd: {  	p0 =	por $0x1, $0x1;
	_ =	swait.ge [sflag:s2], $0x1000  }
0xce: {  	s0 =	sadd.s32 $0xFFFFFFFF, s10;
	s1 =	rddreg [dreg:$0x5];
	[sflag:s2] =	ssyncset.done $0x0  }
.LBB2_4:
0xcf: {  	[sflag:s2] =	ssyncadd.s32 $0xFFFFF000  }
0xd0: {  	[tilespmem:s7], [sflag:$0x2] =	stream.linear.gather [hbm4b:s1+s8], $0x4000, $0x38;
	[tilespmem:$0xD000] =	vst v63  }
0xd1: {  	_ =	swait.ge [sflag:s2], $0x4000  }
0xd2: {  	[sflag:s2] =	ssyncset.done $0x0  }
0xd3: {  	s10 =	rddreg [dreg:$0x6];
	[sflag:s2] =	ssyncadd.s32 $0xFFFFC000  }
0xd4: {  	[tilespmem:s8], [sflag:$0x2] =	stream.linear.gather [hbm4b:s10+s8], $0x1000, $0x38;
	[tilespmem:$0xD000] =	vst v63  }
0xd5: {  	_ =	swait.ge [sflag:s2], $0x1000  }
0xd6: {  	[sflag:s2] =	ssyncset.done $0x0  }
0xd7: {  	s10 =	rddreg [dreg:$0x4];
	[sflag:s2] =	ssyncadd.s32 $0xFFFFF000  }
0xd8: {  	[spmem:s4], [sflag:s3] =	dma.local [hbm:s10], $0x1000  }
0xd9: {  	_ =	swait.ge [sflag:s2], $0x1000  }
0xda: {  	[sflag:s2] =	ssyncset.done $0x0  }
0xdb: {  	[sflag:s2] =	ssyncadd.s32 $0xFFFFF000  }
0xdc: {  	[bflag:$0x0] =	sbarrier.arrive $0xFFFF  }
0xdd: {  	[spmem:s6] =	stream.indirect.scatter.add.f32 [tilespmem:s7], [sflag:$0x1], $0x80, s8, s9, $0xb8;
	[tilespmem:$0xD000] =	vst v63  }
0xde: {  	_ = 	snop  }
0xdf: {  	[spmem:s6] =	stream.indirect.scatter.add.f32 [tilespmem:s7], [sflag:$0x1], $0x80, s9, s9, $0xb8;
	[tilespmem:$0xD000] =	vst v63  }
0xe0: {  	s1 =	rddreg [dreg:$0x8]  }
0xe1: {  	[spmem:s6] =	stream.indirect.scatter.add.f32 [tilespmem:s7], [sflag:$0x1], $0x80, s1, s9, $0xb8;
	[tilespmem:$0xD000] =	vst v63  }
0xe2: {  	s10 =	rddreg [dreg:$0x9]  }
0xe3: {  	[spmem:s6] =	stream.indirect.scatter.add.f32 [tilespmem:s7], [sflag:$0x1], $0x80, s10, s9, $0xb8;
	[tilespmem:$0xD000] =	vst v63  }
0xe4: {  	s1 =	rddreg [dreg:$0xa]  }
0xe5: {  	[spmem:s6] =	stream.indirect.scatter.add.f32 [tilespmem:s7], [sflag:$0x1], $0x80, s1, s9, $0xb8;
	[tilespmem:$0xD000] =	vst v63  }
0xe6: {  	s10 =	rddreg [dreg:$0xb]  }
0xe7: {  	[spmem:s6] =	stream.indirect.scatter.add.f32 [tilespmem:s7], [sflag:$0x1], $0x80, s10, s9, $0xb8;
	[tilespmem:$0xD000] =	vst v63  }
0xe8: {  	s1 =	rddreg [dreg:$0xc]  }
0xe9: {  	[spmem:s6] =	stream.indirect.scatter.add.f32 [tilespmem:s7], [sflag:$0x1], $0x80, s1, s9, $0xb8;
	[tilespmem:$0xD000] =	vst v63  }
0xea: {  	s10 =	rddreg [dreg:$0xd]  }
0xeb: {  	[spmem:s6] =	stream.indirect.scatter.add.f32 [tilespmem:s7], [sflag:$0x1], $0x80, s10, s9, $0xb8;
	[tilespmem:$0xD000] =	vst v63  }
0xec: {  	s1 =	rddreg [dreg:$0xe]  }
0xed: {  	[spmem:s6] =	stream.indirect.scatter.add.f32 [tilespmem:s7], [sflag:$0x1], $0x80, s1, s9, $0xb8;
	[tilespmem:$0xD000] =	vst v63  }
0xee: {  	s10 =	rddreg [dreg:$0xf]  }
0xef: {  	[spmem:s6] =	stream.indirect.scatter.add.f32 [tilespmem:s7], [sflag:$0x1], $0x80, s10, s9, $0xb8;
	[tilespmem:$0xD000] =	vst v63  }
0xf0: {  	s1 =	rddreg [dreg:$0x10]  }
0xf1: {  	[spmem:s6] =	stream.indirect.scatter.add.f32 [tilespmem:s7], [sflag:$0x1], $0x80, s1, s9, $0xb8;
	[tilespmem:$0xD000] =	vst v63  }
0xf2: {  	s10 =	simm.s32 $0x580  }
0xf3: {  	[spmem:s6] =	stream.indirect.scatter.add.f32 [tilespmem:s7], [sflag:$0x1], $0x80, s10, s9, $0xb8;
	[tilespmem:$0xD000] =	vst v63  }
0xf4: {  	_ = 	snop  }
0xf5: {  	[spmem:s6] =	stream.indirect.scatter.add.f32 [tilespmem:s7], [sflag:$0x1], $0x80, s12, s9, $0xb8;
	[tilespmem:$0xD000] =	vst v63  }
0xf6: {  	_ = 	snop  }
0xf7: {  	[spmem:s6] =	stream.indirect.scatter.add.f32 [tilespmem:s7], [sflag:$0x1], $0x80, s13, s9, $0xb8;
	[tilespmem:$0xD000] =	vst v63  }
0xf8: {  	_ = 	snop  }
0xf9: {  	[spmem:s6] =	stream.indirect.scatter.add.f32 [tilespmem:s7], [sflag:$0x1], $0x80, s14, s9, $0xb8;
	[tilespmem:$0xD000] =	vst v63  }
0xfa: {  	_ = 	snop  }
0xfb: {  	[spmem:s6] =	stream.indirect.scatter.add.f32 [tilespmem:s7], [sflag:$0x1], $0x80, s15, s9, $0xb8;
	[tilespmem:$0xD000] =	vst v63  }
0xfc: {  	_ = 	snop  }
0xfd: {  	[spmem:s6] =	stream.indirect.scatter.add.f32 [tilespmem:s7], [sflag:$0x1], $0x80, s16, s9, $0xb8;
	[tilespmem:$0xD000] =	vst v63  }
0xfe: {  	_ = 	snop  }
0xff: {  	[spmem:s6] =	stream.indirect.scatter.add.f32 [tilespmem:s7], [sflag:$0x1], $0x80, s17, s9, $0xb8;
	[tilespmem:$0xD000] =	vst v63  }
0x100: {  	_ = 	snop  }
0x101: {  	[spmem:s6] =	stream.indirect.scatter.add.f32 [tilespmem:s7], [sflag:$0x1], $0x80, s18, s9, $0xb8;
	[tilespmem:$0xD000] =	vst v63  }
0x102: {  	_ = 	snop  }
0x103: {  	[spmem:s6] =	stream.indirect.scatter.add.f32 [tilespmem:s7], [sflag:$0x1], $0x80, s19, s9, $0xb8;
	[tilespmem:$0xD000] =	vst v63  }
0x104: {  	_ = 	snop  }
0x105: {  	[spmem:s6] =	stream.indirect.scatter.add.f32 [tilespmem:s7], [sflag:$0x1], $0x80, s20, s9, $0xb8;
	[tilespmem:$0xD000] =	vst v63  }
0x106: {  	_ = 	snop  }
0x107: {  	[spmem:s6] =	stream.indirect.scatter.add.f32 [tilespmem:s7], [sflag:$0x1], $0x80, s21, s9, $0xb8;
	[tilespmem:$0xD000] =	vst v63  }
0x108: {  	_ = 	snop  }
0x109: {  	[spmem:s6] =	stream.indirect.scatter.add.f32 [tilespmem:s7], [sflag:$0x1], $0x80, s22, s9, $0xb8;
	[tilespmem:$0xD000] =	vst v63  }
0x10a: {  	_ = 	snop  }
0x10b: {  	[spmem:s6] =	stream.indirect.scatter.add.f32 [tilespmem:s7], [sflag:$0x1], $0x80, s23, s9, $0xb8;
	[tilespmem:$0xD000] =	vst v63  }
0x10c: {  	_ = 	snop  }
0x10d: {  	[spmem:s6] =	stream.indirect.scatter.add.f32 [tilespmem:s7], [sflag:$0x1], $0x80, s24, s9, $0xb8;
	[tilespmem:$0xD000] =	vst v63  }
0x10e: {  	_ = 	snop  }
0x10f: {  	[spmem:s6] =	stream.indirect.scatter.add.f32 [tilespmem:s7], [sflag:$0x1], $0x80, s25, s9, $0xb8;
	[tilespmem:$0xD000] =	vst v63  }
0x110: {  	_ = 	snop  }
0x111: {  	[spmem:s6] =	stream.indirect.scatter.add.f32 [tilespmem:s7], [sflag:$0x1], $0x80, s26, s9, $0xb8;
	[tilespmem:$0xD000] =	vst v63  }
0x112: {  	_ = 	snop  }
0x113: {  	[spmem:s6] =	stream.indirect.scatter.add.f32 [tilespmem:s7], [sflag:$0x1], $0x80, s28, s9, $0xb8;
	[tilespmem:$0xD000] =	vst v63  }
0x114: {  	_ = 	snop  }
0x115: {  	[spmem:s6] =	stream.indirect.scatter.add.f32 [tilespmem:s7], [sflag:$0x1], $0x80, s29, s9, $0xb8;
	[tilespmem:$0xD000] =	vst v63  }
0x116: {  	_ = 	snop  }
0x117: {  	[spmem:s6] =	stream.indirect.scatter.add.f32 [tilespmem:s7], [sflag:$0x1], $0x80, s30, s9, $0xb8;
	[tilespmem:$0xD000] =	vst v63  }
0x118: {  	_ = 	snop  }
0x119: {  	[spmem:s6] =	stream.indirect.scatter.add.f32 [tilespmem:s7], [sflag:$0x1], $0x80, s31, s9, $0xb8;
	[tilespmem:$0xD000] =	vst v63  }
0x11a: {  	_ = 	snop  }
0x11b: {  	[spmem:s6] =	stream.indirect.scatter.add.f32 [tilespmem:s7], [sflag:$0x1], $0x80, s11, s9, $0xb8;
	[tilespmem:$0xD000] =	vst v63  }
0x11c: {  	_ =	swait.ge [sflag:s5], $0x4000  }
0x11d: {  	[sflag:s5] =	ssyncset.done $0x0  }
0x11e: {  	[sflag:s5] =	ssyncadd.s32 $0xFFFFC000  }
0x11f: {  	_ =	swait.ge [sflag:s5], $0x4000  }
0x120: {  	[sflag:s5] =	ssyncset.done $0x0  }
0x121: {  	[sflag:s5] =	ssyncadd.s32 $0xFFFFC000  }
0x122: {  	_ =	swait.ge [sflag:s5], $0x4000  }
0x123: {  	[sflag:s5] =	ssyncset.done $0x0  }
0x124: {  	[sflag:s5] =	ssyncadd.s32 $0xFFFFC000  }
0x125: {  	_ =	swait.ge [sflag:s5], $0x4000  }
0x126: {  	[sflag:s5] =	ssyncset.done $0x0  }
0x127: {  	[sflag:s5] =	ssyncadd.s32 $0xFFFFC000  }
0x128: {  	_ =	swait.ge [sflag:s5], $0x4000  }
0x129: {  	[sflag:s5] =	ssyncset.done $0x0  }
0x12a: {  	[sflag:s5] =	ssyncadd.s32 $0xFFFFC000  }
0x12b: {  	_ =	swait.ge [sflag:s5], $0x4000  }
0x12c: {  	[sflag:s5] =	ssyncset.done $0x0  }
0x12d: {  	[sflag:s5] =	ssyncadd.s32 $0xFFFFC000  }
0x12e: {  	_ =	swait.ge [sflag:s5], $0x4000  }
0x12f: {  	[sflag:s5] =	ssyncset.done $0x0  }
0x130: {  	[sflag:s5] =	ssyncadd.s32 $0xFFFFC000  }
0x131: {  	_ =	swait.ge [sflag:s5], $0x4000  }
0x132: {  	[sflag:s5] =	ssyncset.done $0x0  }
0x133: {  	[sflag:s5] =	ssyncadd.s32 $0xFFFFC000  }
0x134: {  	_ =	swait.ge [sflag:s5], $0x4000  }
0x135: {  	[sflag:s5] =	ssyncset.done $0x0  }
0x136: {  	[sflag:s5] =	ssyncadd.s32 $0xFFFFC000  }
0x137: {  	_ =	swait.ge [sflag:s5], $0x4000  }
0x138: {  	[sflag:s5] =	ssyncset.done $0x0  }
0x139: {  	[sflag:s5] =	ssyncadd.s32 $0xFFFFC000  }
0x13a: {  	_ =	swait.ge [sflag:s5], $0x4000  }
0x13b: {  	[sflag:s5] =	ssyncset.done $0x0  }
0x13c: {  	[sflag:s5] =	ssyncadd.s32 $0xFFFFC000  }
0x13d: {  	_ =	swait.ge [sflag:s5], $0x4000  }
0x13e: {  	[sflag:s5] =	ssyncset.done $0x0  }
0x13f: {  	[sflag:s5] =	ssyncadd.s32 $0xFFFFC000  }
0x140: {  	_ =	swait.ge [sflag:s5], $0x4000  }
0x141: {  	[sflag:s5] =	ssyncset.done $0x0  }
0x142: {  	[sflag:s5] =	ssyncadd.s32 $0xFFFFC000  }
0x143: {  	_ =	swait.ge [sflag:s5], $0x4000  }
0x144: {  	[sflag:s5] =	ssyncset.done $0x0  }
0x145: {  	[sflag:s5] =	ssyncadd.s32 $0xFFFFC000  }
0x146: {  	_ =	swait.ge [sflag:s5], $0x4000  }
0x147: {  	[sflag:s5] =	ssyncset.done $0x0  }
0x148: {  	[sflag:s5] =	ssyncadd.s32 $0xFFFFC000  }
0x149: {  	_ =	swait.ge [sflag:s5], $0x4000  }
0x14a: {  	[sflag:s5] =	ssyncset.done $0x0  }
0x14b: {  	[sflag:s5] =	ssyncadd.s32 $0xFFFFC000  }
0x14c: {  	_ =	swait.ge [sflag:s5], $0x4000  }
0x14d: {  	[sflag:s5] =	ssyncset.done $0x0  }
0x14e: {  	[sflag:s5] =	ssyncadd.s32 $0xFFFFC000  }
0x14f: {  	_ =	swait.ge [sflag:s5], $0x4000  }
0x150: {  	[sflag:s5] =	ssyncset.done $0x0  }
0x151: {  	[sflag:s5] =	ssyncadd.s32 $0xFFFFC000  }
0x152: {  	_ =	swait.ge [sflag:s5], $0x4000  }
0x153: {  	[sflag:s5] =	ssyncset.done $0x0  }
0x154: {  	[sflag:s5] =	ssyncadd.s32 $0xFFFFC000  }
0x155: {  	_ =	swait.ge [sflag:s5], $0x4000  }
0x156: {  	[sflag:s5] =	ssyncset.done $0x0  }
0x157: {  	[sflag:s5] =	ssyncadd.s32 $0xFFFFC000  }
0x158: {  	_ =	swait.ge [sflag:s5], $0x4000  }
0x159: {  	[sflag:s5] =	ssyncset.done $0x0  }
0x15a: {  	[sflag:s5] =	ssyncadd.s32 $0xFFFFC000  }
0x15b: {  	_ =	swait.ge [sflag:s5], $0x4000  }
0x15c: {  	[sflag:s5] =	ssyncset.done $0x0  }
0x15d: {  	[sflag:s5] =	ssyncadd.s32 $0xFFFFC000  }
0x15e: {  	_ =	swait.ge [sflag:s5], $0x4000  }
0x15f: {  	[sflag:s5] =	ssyncset.done $0x0  }
0x160: {  	[sflag:s5] =	ssyncadd.s32 $0xFFFFC000  }
0x161: {  	_ =	swait.ge [sflag:s5], $0x4000  }
0x162: {  	[sflag:s5] =	ssyncset.done $0x0  }
0x163: {  	[sflag:s5] =	ssyncadd.s32 $0xFFFFC000  }
0x164: {  	_ =	swait.ge [sflag:s5], $0x4000  }
0x165: {  	[sflag:s5] =	ssyncset.done $0x0  }
0x166: {  	[sflag:s5] =	ssyncadd.s32 $0xFFFFC000  }
0x167: {  	_ =	swait.ge [sflag:s5], $0x4000  }
0x168: {  	[sflag:s5] =	ssyncset.done $0x0  }
0x169: {  	[sflag:s5] =	ssyncadd.s32 $0xFFFFC000  }
0x16a: {  	_ =	swait.ge [sflag:s5], $0x4000  }
0x16b: {  	[sflag:s5] =	ssyncset.done $0x0  }
0x16c: {  	[sflag:s5] =	ssyncadd.s32 $0xFFFFC000  }
0x16d: {  	_ =	swait.ge [sflag:s5], $0x4000  }
0x16e: {  	[sflag:s5] =	ssyncset.done $0x0  }
0x16f: {  	[sflag:s5] =	ssyncadd.s32 $0xFFFFC000  }
0x170: {  	_ =	swait.ge [sflag:s5], $0x4000  }
0x171: {  	[sflag:s5] =	ssyncset.done $0x0  }
0x172: {  	[sflag:s5] =	ssyncadd.s32 $0xFFFFC000  }
0x173: {  	_ =	swait.ge [sflag:s5], $0x4000  }
0x174: {  	[sflag:s5] =	ssyncset.done $0x0  }
0x175: {  	[sflag:s5] =	ssyncadd.s32 $0xFFFFC000  }
0x176: {  	_ =	swait.ge [sflag:s5], $0x4000  }
0x177: {  	[sflag:s5] =	ssyncset.done $0x0  }
0x178: {  	[sflag:s5] =	ssyncadd.s32 $0xFFFFC000  }
0x179: {  	_ =	swait.ge [sflag:s5], $0x4000  }
0x17a: {  	[sflag:s5] =	ssyncset.done $0x0  }
0x17b: {  	p1 =	sne.s32 s0, $0x1;
	[sflag:s5] =	ssyncadd.s32 $0xFFFFC000  }
.Ltmp2:
0x17c: {  	[bflag:$0x0] =	sbarrier.arrive $0xFFFF;
	(pc) =	sbr.rel @p1 .LBB2_4-.Ltmp2, $4  }
0x17d: {  	s10 =	rddreg [dreg:$0x7]  }
0x17e: {  	[hbm:s10], [sflag:s3] =	dma.local [spmem:s4], $0x1000  }
0x17f: {  	_ =	swait.ge [sflag:s2], $0x1000  }
0x180: {  	s0 =	sadd.s32 $0xFFFFFFFF, s0;
	s1 =	rddreg [dreg:$0x5];
	[sflag:s2] =	ssyncset.done $0x0  }
0x181: {  	s31 =	simm.s32 $0xF00;
	s30 =	simm.s32 $0xE80;
	s29 =	simm.s32 $0xE00  }
0x182: {  	s28 =	simm.s32 $0xD80;
	s26 =	simm.s32 $0xD00;
	s25 =	simm.s32 $0xC80  }
0x183: {  	s24 =	simm.s32 $0xC00;
	s23 =	simm.s32 $0xB80;
	s22 =	simm.s32 $0xB00  }
0x184: {  	s21 =	simm.s32 $0xA80;
	s20 =	simm.s32 $0xA00;
	s19 =	simm.s32 $0x980  }
0x185: {  	s18 =	simm.s32 $0x900;
	s17 =	simm.s32 $0x880;
	s16 =	simm.s32 $0x800  }
0x186: {  	s15 =	simm.s32 $0x780;
	s14 =	simm.s32 $0x700;
	s13 =	simm.s32 $0x680  }
0x187: {  	s12 =	simm.s32 $0x600;
	s11 =	simm.s32 $0x580;
	s10 =	rddreg [dreg:$0x3]  }
.LBB2_6:
0x188: {  	[sflag:s2] =	ssyncadd.s32 @p0 $0xFFFFF000  }
0x189: {  	[tilespmem:s7], [sflag:$0x2] =	stream.linear.gather [hbm4b:s1+s8], $0x4000, $0x38;
	[tilespmem:$0xD000] =	vst v63  }
0x18a: {  	_ =	swait.ge [sflag:s2], $0x4000  }
0x18b: {  	[sflag:s2] =	ssyncset.done $0x0  }
0x18c: {  	s0 =	rddreg [dreg:$0x6];
	[sflag:s2] =	ssyncadd.s32 $0xFFFFC000  }
0x18d: {  	[tilespmem:s8], [sflag:$0x2] =	stream.linear.gather [hbm4b:s0+s8], $0x1000, $0x38;
	[tilespmem:$0xD000] =	vst v63  }
0x18e: {  	_ =	swait.ge [sflag:s2], $0x1000  }
0x18f: {  	[sflag:s2] =	ssyncset.done $0x0  }
0x190: {  	s1 =	rddreg [dreg:$0x4];
	[sflag:s2] =	ssyncadd.s32 $0xFFFFF000  }
0x191: {  	[spmem:s4], [sflag:s3] =	dma.local [hbm:s1], $0x1000  }
0x192: {  	_ =	swait.ge [sflag:s2], $0x1000  }
0x193: {  	[sflag:s2] =	ssyncset.done $0x0  }
0x194: {  	[sflag:s2] =	ssyncadd.s32 $0xFFFFF000  }
0x195: {  	[bflag:$0x0] =	sbarrier.arrive $0xFFFF  }
0x196: {  	[spmem:s6] =	stream.indirect.scatter.add.f32 [tilespmem:s7], [sflag:$0x1], $0x80, s8, s9, $0xb8;
	[tilespmem:$0xD000] =	vst v63  }
0x197: {  	_ = 	snop  }
0x198: {  	[spmem:s6] =	stream.indirect.scatter.add.f32 [tilespmem:s7], [sflag:$0x1], $0x80, s9, s9, $0xb8;
	[tilespmem:$0xD000] =	vst v63  }
0x199: {  	s8 =	rddreg [dreg:$0x8]  }
0x19a: {  	[spmem:s6] =	stream.indirect.scatter.add.f32 [tilespmem:s7], [sflag:$0x1], $0x80, s8, s9, $0xb8;
	[tilespmem:$0xD000] =	vst v63  }
0x19b: {  	s1 =	rddreg [dreg:$0x9]  }
0x19c: {  	[spmem:s6] =	stream.indirect.scatter.add.f32 [tilespmem:s7], [sflag:$0x1], $0x80, s1, s9, $0xb8;
	[tilespmem:$0xD000] =	vst v63  }
0x19d: {  	s8 =	rddreg [dreg:$0xa]  }
0x19e: {  	[spmem:s6] =	stream.indirect.scatter.add.f32 [tilespmem:s7], [sflag:$0x1], $0x80, s8, s9, $0xb8;
	[tilespmem:$0xD000] =	vst v63  }
0x19f: {  	s1 =	rddreg [dreg:$0xb]  }
0x1a0: {  	[spmem:s6] =	stream.indirect.scatter.add.f32 [tilespmem:s7], [sflag:$0x1], $0x80, s1, s9, $0xb8;
	[tilespmem:$0xD000] =	vst v63  }
0x1a1: {  	s8 =	rddreg [dreg:$0xc]  }
0x1a2: {  	[spmem:s6] =	stream.indirect.scatter.add.f32 [tilespmem:s7], [sflag:$0x1], $0x80, s8, s9, $0xb8;
	[tilespmem:$0xD000] =	vst v63  }
0x1a3: {  	s1 =	rddreg [dreg:$0xd]  }
0x1a4: {  	[spmem:s6] =	stream.indirect.scatter.add.f32 [tilespmem:s7], [sflag:$0x1], $0x80, s1, s9, $0xb8;
	[tilespmem:$0xD000] =	vst v63  }
0x1a5: {  	s8 =	rddreg [dreg:$0xe]  }
0x1a6: {  	[spmem:s6] =	stream.indirect.scatter.add.f32 [tilespmem:s7], [sflag:$0x1], $0x80, s8, s9, $0xb8;
	[tilespmem:$0xD000] =	vst v63  }
0x1a7: {  	s1 =	rddreg [dreg:$0xf]  }
0x1a8: {  	[spmem:s6] =	stream.indirect.scatter.add.f32 [tilespmem:s7], [sflag:$0x1], $0x80, s1, s9, $0xb8;
	[tilespmem:$0xD000] =	vst v63  }
0x1a9: {  	s8 =	rddreg [dreg:$0x10]  }
0x1aa: {  	[spmem:s6] =	stream.indirect.scatter.add.f32 [tilespmem:s7], [sflag:$0x1], $0x80, s8, s9, $0xb8;
	[tilespmem:$0xD000] =	vst v63  }
0x1ab: {  	_ = 	snop  }
0x1ac: {  	[spmem:s6] =	stream.indirect.scatter.add.f32 [tilespmem:s7], [sflag:$0x1], $0x80, s11, s9, $0xb8;
	[tilespmem:$0xD000] =	vst v63  }
0x1ad: {  	_ = 	snop  }
0x1ae: {  	[spmem:s6] =	stream.indirect.scatter.add.f32 [tilespmem:s7], [sflag:$0x1], $0x80, s12, s9, $0xb8;
	[tilespmem:$0xD000] =	vst v63  }
0x1af: {  	_ = 	snop  }
0x1b0: {  	[spmem:s6] =	stream.indirect.scatter.add.f32 [tilespmem:s7], [sflag:$0x1], $0x80, s13, s9, $0xb8;
	[tilespmem:$0xD000] =	vst v63  }
0x1b1: {  	_ = 	snop  }
0x1b2: {  	[spmem:s6] =	stream.indirect.scatter.add.f32 [tilespmem:s7], [sflag:$0x1], $0x80, s14, s9, $0xb8;
	[tilespmem:$0xD000] =	vst v63  }
0x1b3: {  	_ = 	snop  }
0x1b4: {  	[spmem:s6] =	stream.indirect.scatter.add.f32 [tilespmem:s7], [sflag:$0x1], $0x80, s15, s9, $0xb8;
	[tilespmem:$0xD000] =	vst v63  }
0x1b5: {  	_ = 	snop  }
0x1b6: {  	[spmem:s6] =	stream.indirect.scatter.add.f32 [tilespmem:s7], [sflag:$0x1], $0x80, s16, s9, $0xb8;
	[tilespmem:$0xD000] =	vst v63  }
0x1b7: {  	_ = 	snop  }
0x1b8: {  	[spmem:s6] =	stream.indirect.scatter.add.f32 [tilespmem:s7], [sflag:$0x1], $0x80, s17, s9, $0xb8;
	[tilespmem:$0xD000] =	vst v63  }
0x1b9: {  	_ = 	snop  }
0x1ba: {  	[spmem:s6] =	stream.indirect.scatter.add.f32 [tilespmem:s7], [sflag:$0x1], $0x80, s18, s9, $0xb8;
	[tilespmem:$0xD000] =	vst v63  }
0x1bb: {  	_ = 	snop  }
0x1bc: {  	[spmem:s6] =	stream.indirect.scatter.add.f32 [tilespmem:s7], [sflag:$0x1], $0x80, s19, s9, $0xb8;
	[tilespmem:$0xD000] =	vst v63  }
0x1bd: {  	_ = 	snop  }
0x1be: {  	[spmem:s6] =	stream.indirect.scatter.add.f32 [tilespmem:s7], [sflag:$0x1], $0x80, s20, s9, $0xb8;
	[tilespmem:$0xD000] =	vst v63  }
0x1bf: {  	_ = 	snop  }
0x1c0: {  	[spmem:s6] =	stream.indirect.scatter.add.f32 [tilespmem:s7], [sflag:$0x1], $0x80, s21, s9, $0xb8;
	[tilespmem:$0xD000] =	vst v63  }
0x1c1: {  	_ = 	snop  }
0x1c2: {  	[spmem:s6] =	stream.indirect.scatter.add.f32 [tilespmem:s7], [sflag:$0x1], $0x80, s22, s9, $0xb8;
	[tilespmem:$0xD000] =	vst v63  }
0x1c3: {  	_ = 	snop  }
0x1c4: {  	[spmem:s6] =	stream.indirect.scatter.add.f32 [tilespmem:s7], [sflag:$0x1], $0x80, s23, s9, $0xb8;
	[tilespmem:$0xD000] =	vst v63  }
0x1c5: {  	_ = 	snop  }
0x1c6: {  	[spmem:s6] =	stream.indirect.scatter.add.f32 [tilespmem:s7], [sflag:$0x1], $0x80, s24, s9, $0xb8;
	[tilespmem:$0xD000] =	vst v63  }
0x1c7: {  	_ = 	snop  }
0x1c8: {  	[spmem:s6] =	stream.indirect.scatter.add.f32 [tilespmem:s7], [sflag:$0x1], $0x80, s25, s9, $0xb8;
	[tilespmem:$0xD000] =	vst v63  }
0x1c9: {  	_ = 	snop  }
0x1ca: {  	[spmem:s6] =	stream.indirect.scatter.add.f32 [tilespmem:s7], [sflag:$0x1], $0x80, s26, s9, $0xb8;
	[tilespmem:$0xD000] =	vst v63  }
0x1cb: {  	_ = 	snop  }
0x1cc: {  	[spmem:s6] =	stream.indirect.scatter.add.f32 [tilespmem:s7], [sflag:$0x1], $0x80, s28, s9, $0xb8;
	[tilespmem:$0xD000] =	vst v63  }
0x1cd: {  	_ = 	snop  }
0x1ce: {  	[spmem:s6] =	stream.indirect.scatter.add.f32 [tilespmem:s7], [sflag:$0x1], $0x80, s29, s9, $0xb8;
	[tilespmem:$0xD000] =	vst v63  }
0x1cf: {  	_ = 	snop  }
0x1d0: {  	[spmem:s6] =	stream.indirect.scatter.add.f32 [tilespmem:s7], [sflag:$0x1], $0x80, s30, s9, $0xb8;
	[tilespmem:$0xD000] =	vst v63  }
0x1d1: {  	_ = 	snop  }
0x1d2: {  	[spmem:s6] =	stream.indirect.scatter.add.f32 [tilespmem:s7], [sflag:$0x1], $0x80, s31, s9, $0xb8;
	[tilespmem:$0xD000] =	vst v63  }
0x1d3: {  	s29 =	simm.s32 $0xF80  }
0x1d4: {  	[spmem:s6] =	stream.indirect.scatter.add.f32 [tilespmem:s7], [sflag:$0x1], $0x80, s29, s9, $0xb8;
	[tilespmem:$0xD000] =	vst v63  }
0x1d5: {  	_ =	swait.ge [sflag:s5], $0x4000  }
0x1d6: {  	[sflag:s5] =	ssyncset.done $0x0  }
0x1d7: {  	[sflag:s5] =	ssyncadd.s32 $0xFFFFC000  }
0x1d8: {  	_ =	swait.ge [sflag:s5], $0x4000  }
0x1d9: {  	[sflag:s5] =	ssyncset.done $0x0  }
0x1da: {  	[sflag:s5] =	ssyncadd.s32 $0xFFFFC000  }
0x1db: {  	_ =	swait.ge [sflag:s5], $0x4000  }
0x1dc: {  	[sflag:s5] =	ssyncset.done $0x0  }
0x1dd: {  	[sflag:s5] =	ssyncadd.s32 $0xFFFFC000  }
0x1de: {  	_ =	swait.ge [sflag:s5], $0x4000  }
0x1df: {  	[sflag:s5] =	ssyncset.done $0x0  }
0x1e0: {  	[sflag:s5] =	ssyncadd.s32 $0xFFFFC000  }
0x1e1: {  	_ =	swait.ge [sflag:s5], $0x4000  }
0x1e2: {  	[sflag:s5] =	ssyncset.done $0x0  }
0x1e3: {  	[sflag:s5] =	ssyncadd.s32 $0xFFFFC000  }
0x1e4: {  	_ =	swait.ge [sflag:s5], $0x4000  }
0x1e5: {  	[sflag:s5] =	ssyncset.done $0x0  }
0x1e6: {  	[sflag:s5] =	ssyncadd.s32 $0xFFFFC000  }
0x1e7: {  	_ =	swait.ge [sflag:s5], $0x4000  }
0x1e8: {  	[sflag:s5] =	ssyncset.done $0x0  }
0x1e9: {  	[sflag:s5] =	ssyncadd.s32 $0xFFFFC000  }
0x1ea: {  	_ =	swait.ge [sflag:s5], $0x4000  }
0x1eb: {  	[sflag:s5] =	ssyncset.done $0x0  }
0x1ec: {  	[sflag:s5] =	ssyncadd.s32 $0xFFFFC000  }
0x1ed: {  	_ =	swait.ge [sflag:s5], $0x4000  }
0x1ee: {  	[sflag:s5] =	ssyncset.done $0x0  }
0x1ef: {  	[sflag:s5] =	ssyncadd.s32 $0xFFFFC000  }
0x1f0: {  	_ =	swait.ge [sflag:s5], $0x4000  }
0x1f1: {  	[sflag:s5] =	ssyncset.done $0x0  }
0x1f2: {  	[sflag:s5] =	ssyncadd.s32 $0xFFFFC000  }
0x1f3: {  	_ =	swait.ge [sflag:s5], $0x4000  }
0x1f4: {  	[sflag:s5] =	ssyncset.done $0x0  }
0x1f5: {  	[sflag:s5] =	ssyncadd.s32 $0xFFFFC000  }
0x1f6: {  	_ =	swait.ge [sflag:s5], $0x4000  }
0x1f7: {  	[sflag:s5] =	ssyncset.done $0x0  }
0x1f8: {  	[sflag:s5] =	ssyncadd.s32 $0xFFFFC000  }
0x1f9: {  	_ =	swait.ge [sflag:s5], $0x4000  }
0x1fa: {  	[sflag:s5] =	ssyncset.done $0x0  }
0x1fb: {  	[sflag:s5] =	ssyncadd.s32 $0xFFFFC000  }
0x1fc: {  	_ =	swait.ge [sflag:s5], $0x4000  }
0x1fd: {  	[sflag:s5] =	ssyncset.done $0x0  }
0x1fe: {  	[sflag:s5] =	ssyncadd.s32 $0xFFFFC000  }
0x1ff: {  	_ =	swait.ge [sflag:s5], $0x4000  }
0x200: {  	[sflag:s5] =	ssyncset.done $0x0  }
0x201: {  	[sflag:s5] =	ssyncadd.s32 $0xFFFFC000  }
0x202: {  	_ =	swait.ge [sflag:s5], $0x4000  }
0x203: {  	[sflag:s5] =	ssyncset.done $0x0  }
0x204: {  	[sflag:s5] =	ssyncadd.s32 $0xFFFFC000  }
0x205: {  	_ =	swait.ge [sflag:s5], $0x4000  }
0x206: {  	[sflag:s5] =	ssyncset.done $0x0  }
0x207: {  	[sflag:s5] =	ssyncadd.s32 $0xFFFFC000  }
0x208: {  	_ =	swait.ge [sflag:s5], $0x4000  }
0x209: {  	[sflag:s5] =	ssyncset.done $0x0  }
0x20a: {  	[sflag:s5] =	ssyncadd.s32 $0xFFFFC000  }
0x20b: {  	_ =	swait.ge [sflag:s5], $0x4000  }
0x20c: {  	[sflag:s5] =	ssyncset.done $0x0  }
0x20d: {  	[sflag:s5] =	ssyncadd.s32 $0xFFFFC000  }
0x20e: {  	_ =	swait.ge [sflag:s5], $0x4000  }
0x20f: {  	[sflag:s5] =	ssyncset.done $0x0  }
0x210: {  	[sflag:s5] =	ssyncadd.s32 $0xFFFFC000  }
0x211: {  	_ =	swait.ge [sflag:s5], $0x4000  }
0x212: {  	[sflag:s5] =	ssyncset.done $0x0  }
0x213: {  	[sflag:s5] =	ssyncadd.s32 $0xFFFFC000  }
0x214: {  	_ =	swait.ge [sflag:s5], $0x4000  }
0x215: {  	[sflag:s5] =	ssyncset.done $0x0  }
0x216: {  	[sflag:s5] =	ssyncadd.s32 $0xFFFFC000  }
0x217: {  	_ =	swait.ge [sflag:s5], $0x4000  }
0x218: {  	[sflag:s5] =	ssyncset.done $0x0  }
0x219: {  	[sflag:s5] =	ssyncadd.s32 $0xFFFFC000  }
0x21a: {  	_ =	swait.ge [sflag:s5], $0x4000  }
0x21b: {  	[sflag:s5] =	ssyncset.done $0x0  }
0x21c: {  	[sflag:s5] =	ssyncadd.s32 $0xFFFFC000  }
0x21d: {  	_ =	swait.ge [sflag:s5], $0x4000  }
0x21e: {  	[sflag:s5] =	ssyncset.done $0x0  }
0x21f: {  	[sflag:s5] =	ssyncadd.s32 $0xFFFFC000  }
0x220: {  	_ =	swait.ge [sflag:s5], $0x4000  }
0x221: {  	[sflag:s5] =	ssyncset.done $0x0  }
0x222: {  	[sflag:s5] =	ssyncadd.s32 $0xFFFFC000  }
0x223: {  	_ =	swait.ge [sflag:s5], $0x4000  }
0x224: {  	[sflag:s5] =	ssyncset.done $0x0  }
0x225: {  	[sflag:s5] =	ssyncadd.s32 $0xFFFFC000  }
0x226: {  	_ =	swait.ge [sflag:s5], $0x4000  }
0x227: {  	[sflag:s5] =	ssyncset.done $0x0  }
0x228: {  	[sflag:s5] =	ssyncadd.s32 $0xFFFFC000  }
0x229: {  	_ =	swait.ge [sflag:s5], $0x4000  }
0x22a: {  	[sflag:s5] =	ssyncset.done $0x0  }
0x22b: {  	[sflag:s5] =	ssyncadd.s32 $0xFFFFC000  }
0x22c: {  	_ =	swait.ge [sflag:s5], $0x4000  }
0x22d: {  	[sflag:s5] =	ssyncset.done $0x0  }
0x22e: {  	[sflag:s5] =	ssyncadd.s32 $0xFFFFC000  }
0x22f: {  	_ =	swait.ge [sflag:s5], $0x4000  }
0x230: {  	[sflag:s5] =	ssyncset.done $0x0  }
0x231: {  	[sflag:s5] =	ssyncadd.s32 $0xFFFFC000  }
0x232: {  	_ =	swait.ge [sflag:s5], $0x4000  }
0x233: {  	[sflag:s5] =	ssyncset.done $0x0  }
0x234: {  	[sflag:s5] =	ssyncadd.s32 $0xFFFFC000  }
0x235: {  	[bflag:$0x0] =	sbarrier.arrive $0xFFFF  }
0x236: {  	s30 =	rddreg [dreg:$0x7]  }
0x237: {  	[hbm:s30], [sflag:s3] =	dma.local [spmem:s4], $0x1000  }
0x238: {  	_ =	swait.ge [sflag:s2], $0x1000  }
0x239: {  	[sflag:s2] =	ssyncset.done $0x0  }
0x23a: {  	[sflag:s2] =	ssyncadd.s32 $0xFFFFF000  }
0x23b: {  	_ =	sfence.sel $0x180000  }
0x23c: {  	s31 =	stileid.u32;
	[bflag:$0x0] =	sbarrier.arrive $0xFFFF  }
0x23d: {  	p0 =	sne.s32 s31, $0x0;
	_ =	strace $0x90000047  }
0x23e: {  	s0 =	sadd.s32 @!p0 $0x100000, s10;
	[bflag:$0x2] =	sbarrier.arrive $0xFFFF  }
0x23f: {  	[sflag:s0] =	ssyncadd.tile.s32 @!p0 $0x1;
	_ =	shalt  }
.LBB2_1:
0x240: {  	s31 =	simm.s32 $0xF00;
	s30 =	simm.s32 $0xE80;
	s29 =	simm.s32 $0xE00  }
0x241: {  	s28 =	simm.s32 $0xD80;
	s26 =	simm.s32 $0xD00;
	s25 =	simm.s32 $0xC80  }
.Ltmp3:
0x242: {  	s24 =	simm.s32 $0xC00;
	s23 =	simm.s32 $0xB80;
	(pc) =	sbr.rel .LBB2_6-.Ltmp3, $4  }
0x243: {  	s22 =	simm.s32 $0xB00;
	s21 =	simm.s32 $0xA80;
	s20 =	simm.s32 $0xA00  }
0x244: {  	s19 =	simm.s32 $0x980;
	s18 =	simm.s32 $0x900;
	s17 =	simm.s32 $0x880  }
0x245: {  	s16 =	simm.s32 $0x800;
	s15 =	simm.s32 $0x780;
	s14 =	simm.s32 $0x700  }
0x246: {  	s13 =	simm.s32 $0x680;
	s12 =	simm.s32 $0x600;
	s11 =	simm.s32 $0x580  }
.LBB2_3:
0x247: {  	s31 =	simm.s32 $0xF00  }
0x248: {  	s30 =	simm.s32 $0xE80;
	s29 =	simm.s32 $0xE00;
	s28 =	simm.s32 $0xD80  }
0x249: {  	s26 =	simm.s32 $0xD00;
	s25 =	simm.s32 $0xC80;
	s24 =	simm.s32 $0xC00  }
.Ltmp4:
0x24a: {  	s23 =	simm.s32 $0xB80;
	s22 =	simm.s32 $0xB00;
	(pc) =	sbr.rel .LBB2_6-.Ltmp4, $4  }
0x24b: {  	s21 =	simm.s32 $0xA80;
	s20 =	simm.s32 $0xA00;
	s19 =	simm.s32 $0x980  }
0x24c: {  	s18 =	simm.s32 $0x900;
	s17 =	simm.s32 $0x880;
	s16 =	simm.s32 $0x800  }
0x24d: {  	s15 =	simm.s32 $0x780;
	s14 =	simm.s32 $0x700;
	s13 =	simm.s32 $0x680  }
0x24e: {  	s12 =	simm.s32 $0x600;
	s11 =	simm.s32 $0x580;
	s10 =	rddreg [dreg:$0x3]  }
.Lfunc_end2:
_tile_overlayer_lowered:
.L_overlay_start_2:
0x24f: {  	(tag) =	ssettag $0x2  }
0x250: {  	s0 =	rddreg [dreg:$0x0];
	s2 =	stileid.u32  }
0x251: {  	s1 =	rddreg [dreg:$0x1];
	p0 =	sne.s32 s2, $0x0  }
0x252: {  	s3 =	rddreg [dreg:$0x2];
	[bflag:$0x3] =	sbarrier.arrive $0xFFFF;
	s2 =	simm.s32 @!p0 $0x1C02  }
0x253: {  	[timem:s3], [sflag:s2] =	dma.local @!p0 [hbm:s0], s1  }
0x254: {  	s0 =	simm.s32 @!p0 $0x2  }
0x255: {  	_ =	swait.ge @!p0 [sflag:s0], s1  }
0x256: {  	s1 =	ssub.s32 @!p0 $0x0, s1;
	[sflag:s0] =	ssyncset.done @!p0 $0x0  }
0x257: {  	[sflag:s0] =	ssyncadd.s32 @!p0 s1  }
0x258: {  	[bflag:$0x3] =	sbarrier.arrive $0xFFFF  }
0x259: {  	_ =	shalt  }

</sc_bundles>
